<compile_context>
chip_gen: v7x
topology: tpu7x:2x2x1
jax: 0.10.2.dev20260603
libtpu: 0.0.44.dev20260713+nightly
codegen_flags: <defaults>
</compile_context>

<pallas_src>
import jax
import jax.numpy as jnp
from jax import lax
from jax.experimental import pallas as pl
from jax.experimental.pallas import tpu as pltpu
from jax.experimental.pallas import tpu_sc as plsc

VOCAB = 100000
EMBED = 64
BATCH = 4096
SEQLEN = 200
LN_EPS = 1e-5

NC, NS = 2, 16
NW = NC * NS
SEQ_W = BATCH // NW
CSEQ = 2
CROWS = CSEQ * SEQLEN
CELEMS = CROWS * EMBED
NCHUNK = SEQ_W // CSEQ
NVEC = EMBED // 16
GSPLIT = ((0, 128), (128, SEQLEN - 128))


def _body(x_hbm, tok_hbm, pos_hbm, g_hbm, b_hbm, out_hbm,
          idx_a, idx_b, rows_a, rows_b, res_a, res_b, pos_v, g_v, b_v,
          gsem_a, gsem_b, wsem_a, wsem_b):
    idx_v = (idx_a, idx_b)
    rows_v = (rows_a, rows_b)
    res_v = (res_a, res_b)
    gsem = (gsem_a, gsem_b)
    wsem = (wsem_a, wsem_b)

    cid = lax.axis_index("c")
    sid = lax.axis_index("s")
    wid = sid * NC + cid
    seq0 = wid * SEQ_W

    pltpu.sync_copy(pos_hbm, pos_v)
    pltpu.sync_copy(g_hbm, g_v)
    pltpu.sync_copy(b_hbm, b_v)
    gamma = [g_v[pl.ds(16 * j, 16)] for j in range(NVEC)]
    beta = [b_v[pl.ds(16 * j, 16)] for j in range(NVEC)]

    def gather_descs(m):
        return [pltpu.make_async_copy(
                    tok_hbm.at[idx_v[m].at[pl.ds(s * SEQLEN + off, n)]],
                    rows_v[m].at[pl.ds(s * SEQLEN + off, n)],
                    gsem[m])
                for s in range(CSEQ) for off, n in GSPLIT]

    def start_gather(k, m):
        pltpu.sync_copy(
            x_hbm.at[pl.ds((seq0 + k * CSEQ) * SEQLEN, CROWS)], idx_v[m])
        for d in gather_descs(m):
            d.start()

    def write_desc(k, m):
        return pltpu.make_async_copy(
            res_v[m],
            out_hbm.at[pl.ds((seq0 + k * CSEQ) * SEQLEN * EMBED, CELEMS)],
            wsem[m])

    inv_d = 1.0 / EMBED

    def compute(m):
        rows_x = rows_v[m]
        res_x = res_v[m]

        @plsc.parallel_loop(0, SEQLEN, unroll=2)
        def _row(p):
            pv = [pos_v[pl.ds(p * EMBED + 16 * j, 16)] for j in range(NVEC)]
            for s in range(CSEQ):
                r = s * SEQLEN + p
                h = [rows_x[r, pl.ds(16 * j, 16)] + pv[j]
                     for j in range(NVEC)]
                s1 = jnp.sum((h[0] + h[1]) + (h[2] + h[3]))
                s2 = jnp.sum((h[0] * h[0] + h[1] * h[1])
                             + (h[2] * h[2] + h[3] * h[3]))
                mean = s1 * inv_d
                var = s2 * inv_d - mean * mean
                xv = var + LN_EPS
                i = lax.bitcast_convert_type(xv, jnp.int32)
                i = 0x5F3759DF - lax.shift_right_logical(i, 1)
                y = lax.bitcast_convert_type(i, jnp.float32)
                hx = 0.5 * xv
                y = y * (1.5 - hx * y * y)
                y = y * (1.5 - hx * y * y)
                y = y * (1.5 - hx * y * y)
                for j in range(NVEC):
                    res_x[pl.ds(r * EMBED + 16 * j, 16)] = (
                        ((h[j] - mean) * y) * gamma[j] + beta[j])

    start_gather(0, 0)

    @pl.loop(0, NCHUNK, step=2)
    def _chunks(c):
        for b in range(2):
            m = b
            k = c + b

            @pl.when(k + 1 < NCHUNK)
            def _():
                start_gather(k + 1, 1 - m)

            for d in gather_descs(m):
                d.wait()

            @pl.when(k >= 2)
            def _():
                write_desc(0, m).wait()
            compute(m)
            write_desc(k, m).start()

    write_desc(0, 0).wait()
    write_desc(0, 1).wait()


_sc_call = pl.kernel(
    _body,
    out_type=jax.ShapeDtypeStruct((BATCH * SEQLEN * EMBED,), jnp.float32),
    mesh=plsc.VectorSubcoreMesh(core_axis_name="c", subcore_axis_name="s"),
    scratch_types=[
        pltpu.VMEM((CROWS,), jnp.int32),
        pltpu.VMEM((CROWS,), jnp.int32),
        pltpu.VMEM((CROWS, EMBED), jnp.float32),
        pltpu.VMEM((CROWS, EMBED), jnp.float32),
        pltpu.VMEM((CELEMS,), jnp.float32),
        pltpu.VMEM((CELEMS,), jnp.float32),
        pltpu.VMEM((SEQLEN * EMBED,), jnp.float32),
        pltpu.VMEM((EMBED,), jnp.float32),
        pltpu.VMEM((EMBED,), jnp.float32),
        pltpu.SemaphoreType.DMA,
        pltpu.SemaphoreType.DMA,
        pltpu.SemaphoreType.DMA,
        pltpu.SemaphoreType.DMA,
    ],
    compiler_params=pltpu.CompilerParams(needs_layout_passes=False,
                                         use_tc_tiling_on_sc=False),
)


def kernel(x, token_table, pos_table, ln_gamma, ln_beta):
    x_flat = x.reshape(BATCH * SEQLEN)
    pos_flat = pos_table[:SEQLEN].reshape(SEQLEN * EMBED)
    out = _sc_call(x_flat, token_table, pos_flat, ln_gamma, ln_beta)
    return out.reshape(BATCH, SEQLEN, EMBED), x > 0

# --- scband reference (transcript-rebuilt; emitter-appended) ---
"""Pipeline reference for scband-lruembedding-72181220376653 (READ-ONLY COPY).

The authoritative reference and input builder live on the scoring server;
editing this copy changes nothing except your own understanding.
"""

import jax, jax.numpy as jnp
import numpy as np

VOCAB = 100000
EMBED = 64
BATCH = 4096
SEQLEN = 200
LN_EPS = 1e-5


def setup_inputs(seed: int = 0) -> dict:
    key = jax.random.key(seed)
    k1, k2, k3 = jax.random.split(key, 3)
    x = jax.random.randint(k1, (BATCH, SEQLEN), 0, VOCAB, dtype=jnp.int32)
    token_table = jax.random.normal(k2, (VOCAB, EMBED), dtype=jnp.float32) * 0.02
    pos_table = jax.random.normal(k3, (VOCAB, EMBED), dtype=jnp.float32) * 0.02
    ln_gamma = jnp.ones((EMBED,), dtype=jnp.float32)
    ln_beta = jnp.zeros((EMBED,), dtype=jnp.float32)
    return {"x": x, "token_table": token_table, "pos_table": pos_table, "ln_gamma": ln_gamma, "ln_beta": ln_beta}


def reference(x, token_table, pos_table, ln_gamma, ln_beta):
    # mask = x > 0
    mask = x > 0
    seq_len = x.shape[1]
    position_ids = jnp.arange(seq_len, dtype=jnp.int32)[None, :]
    # positional embedding gather
    position_emb = jnp.take(pos_table, position_ids, axis=0)
    # token embedding gather + add positional
    h = jnp.take(token_table, x, axis=0) + position_emb
    # dropout is identity in eval mode
    # layer norm over last dim
    mean = jnp.mean(h, axis=-1, keepdims=True)
    var = jnp.mean(jnp.square(h - mean), axis=-1, keepdims=True)
    normed = (h - mean) / jnp.sqrt(var + LN_EPS)
    out = normed * ln_gamma + ln_beta
    return (out, mask)

if __name__ == "__main__":
    import jax
    _d = setup_inputs()
    print(jax.jit(kernel)(*tuple(_d.values())))

</pallas_src>

<mosaic_0001>
#map = affine_map<(d0, d1) -> (0)>
#map1 = affine_map<(d0, d1) -> (0, 0)>
module attributes {stable_mosaic.version = 14 : i64} {
  func.func @_body(%arg0: i32, %arg1: i32, %arg2: memref<819200xi32, #tpu.memory_space<hbm>>, %arg3: memref<100000x64xf32, #tpu.memory_space<hbm>>, %arg4: memref<12800xf32, #tpu.memory_space<hbm>>, %arg5: memref<64xf32, #tpu.memory_space<hbm>>, %arg6: memref<64xf32, #tpu.memory_space<hbm>>, %arg7: memref<52428800xf32, #tpu.memory_space<hbm>>, %arg8: memref<400xi32, #tpu.memory_space<vmem>>, %arg9: memref<400xi32, #tpu.memory_space<vmem>>, %arg10: memref<400x64xf32, #tpu.memory_space<vmem>>, %arg11: memref<400x64xf32, #tpu.memory_space<vmem>>, %arg12: memref<25600xf32, #tpu.memory_space<vmem>>, %arg13: memref<25600xf32, #tpu.memory_space<vmem>>, %arg14: memref<12800xf32, #tpu.memory_space<vmem>>, %arg15: memref<64xf32, #tpu.memory_space<vmem>>, %arg16: memref<64xf32, #tpu.memory_space<vmem>>, %arg17: memref<!tpu.dma_semaphore, #tpu.memory_space<semaphore_mem>>, %arg18: memref<!tpu.dma_semaphore, #tpu.memory_space<semaphore_mem>>, %arg19: memref<!tpu.dma_semaphore, #tpu.memory_space<semaphore_mem>>, %arg20: memref<!tpu.dma_semaphore, #tpu.memory_space<semaphore_mem>>) attributes {dimension_semantics = [#tpu.dimension_semantics<core_parallel>, #tpu.dimension_semantics<subcore_parallel>], iteration_bounds = array<i64: 2, 16>, scalar_prefetch = 0 : i64, scratch_operands = 13 : i64, tpu.core_type = #tpu.core_type<sc_vector_subcore>, window_params = [{transform_indices = #map}, {transform_indices = #map1}, {transform_indices = #map}, {transform_indices = #map}, {transform_indices = #map}, {transform_indices = #map}]} {
    %mul3A = arith.constant 2 : i32
    %mul3A_0 = arith.muli %arg1, %mul3A : i32
    %add3A = arith.addi %mul3A_0, %arg0 : i32
    %mul3A_1 = arith.constant 128 : i32
    %mul3A_2 = arith.muli %add3A, %mul3A_1 : i32
    "tpu.region"() ({
      %run_scoped3A = tpu.sem_alloc : memref<!tpu.dma_semaphore, #tpu.memory_space<semaphore_mem>>
      tpu.enqueue_dma source(%arg4 : memref<12800xf32, #tpu.memory_space<hbm>>) target(%arg14 : memref<12800xf32, #tpu.memory_space<vmem>>) target_semaphore(%run_scoped3A : memref<!tpu.dma_semaphore, #tpu.memory_space<semaphore_mem>>)
      tpu.wait_dma2 semaphore(%run_scoped3A : memref<!tpu.dma_semaphore, #tpu.memory_space<semaphore_mem>>) src(%arg4 : memref<12800xf32, #tpu.memory_space<hbm>>) dst(%arg14 : memref<12800xf32, #tpu.memory_space<vmem>>)
      tpu.yield
    }) : () -> ()
    "tpu.region"() ({
      %run_scoped3A = tpu.sem_alloc : memref<!tpu.dma_semaphore, #tpu.memory_space<semaphore_mem>>
      tpu.enqueue_dma source(%arg5 : memref<64xf32, #tpu.memory_space<hbm>>) target(%arg15 : memref<64xf32, #tpu.memory_space<vmem>>) target_semaphore(%run_scoped3A : memref<!tpu.dma_semaphore, #tpu.memory_space<semaphore_mem>>)
      tpu.wait_dma2 semaphore(%run_scoped3A : memref<!tpu.dma_semaphore, #tpu.memory_space<semaphore_mem>>) src(%arg5 : memref<64xf32, #tpu.memory_space<hbm>>) dst(%arg15 : memref<64xf32, #tpu.memory_space<vmem>>)
      tpu.yield
    }) : () -> ()
    "tpu.region"() ({
      %run_scoped3A = tpu.sem_alloc : memref<!tpu.dma_semaphore, #tpu.memory_space<semaphore_mem>>
      tpu.enqueue_dma source(%arg6 : memref<64xf32, #tpu.memory_space<hbm>>) target(%arg16 : memref<64xf32, #tpu.memory_space<vmem>>) target_semaphore(%run_scoped3A : memref<!tpu.dma_semaphore, #tpu.memory_space<semaphore_mem>>)
      tpu.wait_dma2 semaphore(%run_scoped3A : memref<!tpu.dma_semaphore, #tpu.memory_space<semaphore_mem>>) src(%arg6 : memref<64xf32, #tpu.memory_space<hbm>>) dst(%arg16 : memref<64xf32, #tpu.memory_space<vmem>>)
      tpu.yield
    }) : () -> ()
    %get3A = arith.constant 0 : index
    %get3A_3 = tpu.vector_load %arg15[%get3A] {strides = array<i32>} : memref<64xf32, #tpu.memory_space<vmem>>, vector<16xf32>,
    %get3A_4 = arith.constant 16 : index
    %get3A_5 = tpu.vector_load %arg15[%get3A_4] {strides = array<i32>} : memref<64xf32, #tpu.memory_space<vmem>>, vector<16xf32>,
    %get3A_6 = arith.constant 32 : index
    %get3A_7 = tpu.vector_load %arg15[%get3A_6] {strides = array<i32>} : memref<64xf32, #tpu.memory_space<vmem>>, vector<16xf32>,
    %get3A_8 = arith.constant 48 : index
    %get3A_9 = tpu.vector_load %arg15[%get3A_8] {strides = array<i32>} : memref<64xf32, #tpu.memory_space<vmem>>, vector<16xf32>,
    %get3A_10 = arith.constant 0 : index
    %get3A_11 = tpu.vector_load %arg16[%get3A_10] {strides = array<i32>} : memref<64xf32, #tpu.memory_space<vmem>>, vector<16xf32>,
    %get3A_12 = arith.constant 16 : index
    %get3A_13 = tpu.vector_load %arg16[%get3A_12] {strides = array<i32>} : memref<64xf32, #tpu.memory_space<vmem>>, vector<16xf32>,
    %get3A_14 = arith.constant 32 : index
    %get3A_15 = tpu.vector_load %arg16[%get3A_14] {strides = array<i32>} : memref<64xf32, #tpu.memory_space<vmem>>, vector<16xf32>,
    %get3A_16 = arith.constant 48 : index
    %get3A_17 = tpu.vector_load %arg16[%get3A_16] {strides = array<i32>} : memref<64xf32, #tpu.memory_space<vmem>>, vector<16xf32>,
    %add3A_18 = arith.constant 0 : i32
    %add3A_19 = arith.addi %mul3A_2, %add3A_18 : i32
    %mul3A_20 = arith.constant 200 : i32
    %mul3A_21 = arith.muli %add3A_19, %mul3A_20 : i32
    "tpu.region"() ({
      %run_scoped3A = tpu.sem_alloc : memref<!tpu.dma_semaphore, #tpu.memory_space<semaphore_mem>>
      %dma_start3A_72 = tpu.memref_slice %arg2[%mul3A_21] : memref<819200xi32, #tpu.memory_space<hbm>> -> memref<400xi32, #tpu.memory_space<hbm>>
      %dma_start3A_73 = tpu.memref_slice %arg2[%mul3A_21] : memref<819200xi32, #tpu.memory_space<hbm>> -> memref<400xi32, #tpu.memory_space<hbm>>
      tpu.enqueue_dma source(%dma_start3A_73 : memref<400xi32, #tpu.memory_space<hbm>>) target(%arg8 : memref<400xi32, #tpu.memory_space<vmem>>) target_semaphore(%run_scoped3A : memref<!tpu.dma_semaphore, #tpu.memory_space<semaphore_mem>>)
      %dma_wait3A_74 = tpu.memref_slice %arg2[%mul3A_21] : memref<819200xi32, #tpu.memory_space<hbm>> -> memref<400xi32, #tpu.memory_space<hbm>>
      %dma_wait3A_75 = tpu.memref_slice %arg2[%mul3A_21] : memref<819200xi32, #tpu.memory_space<hbm>> -> memref<400xi32, #tpu.memory_space<hbm>>
      tpu.wait_dma2 semaphore(%run_scoped3A : memref<!tpu.dma_semaphore, #tpu.memory_space<semaphore_mem>>) src(%dma_wait3A_75 : memref<400xi32, #tpu.memory_space<hbm>>) dst(%arg8 : memref<400xi32, #tpu.memory_space<vmem>>)
      tpu.yield
    }) : () -> ()
    %dma_start3A = arith.constant 0 : i32
    %dma_start3A_22 = arith.constant 0 : i32
    %dma_start3A_23 = tpu.memref_slice %arg10[%dma_start3A, %dma_start3A_22] : memref<400x64xf32, #tpu.memory_space<vmem>> -> memref<128x64xf32, #tpu.memory_space<vmem>>
    %dma_start3A_24 = arith.constant 0 : i32
    %dma_start3A_25 = tpu.memref_slice %arg8[%dma_start3A_24] : memref<400xi32, #tpu.memory_space<vmem>> -> memref<128xi32, #tpu.memory_space<vmem>>
    %dma_start3A_26 = arith.constant 0 : i32
    %dma_start3A_27 = arith.constant 0 : i32
    %dma_start3A_28 = tpu.memref_slice %arg3[%dma_start3A_26, %dma_start3A_27] : memref<100000x64xf32, #tpu.memory_space<hbm>> -> memref<100000x64xf32, #tpu.memory_space<hbm>>
    tpu.enqueue_indirect_dma source(%dma_start3A_28 : memref<100000x64xf32, #tpu.memory_space<hbm>>) target(%dma_start3A_23 : memref<128x64xf32, #tpu.memory_space<vmem>>) offsets(%dma_start3A_25 : memref<128xi32, #tpu.memory_space<vmem>>) semaphore(%arg17 : memref<!tpu.dma_semaphore, #tpu.memory_space<semaphore_mem>>)
    %dma_start3A_29 = arith.constant 128 : i32
    %dma_start3A_30 = arith.constant 0 : i32
    %dma_start3A_31 = tpu.memref_slice %arg10[%dma_start3A_29, %dma_start3A_30] : memref<400x64xf32, #tpu.memory_space<vmem>> -> memref<72x64xf32, #tpu.memory_space<vmem>>
    %dma_start3A_32 = arith.constant 128 : i32
    %dma_start3A_33 = tpu.memref_slice %arg8[%dma_start3A_32] : memref<400xi32, #tpu.memory_space<vmem>> -> memref<72xi32, #tpu.memory_space<vmem>>
    %dma_start3A_34 = arith.constant 0 : i32
    %dma_start3A_35 = arith.constant 0 : i32
    %dma_start3A_36 = tpu.memref_slice %arg3[%dma_start3A_34, %dma_start3A_35] : memref<100000x64xf32, #tpu.memory_space<hbm>> -> memref<100000x64xf32, #tpu.memory_space<hbm>>
    tpu.enqueue_indirect_dma source(%dma_start3A_36 : memref<100000x64xf32, #tpu.memory_space<hbm>>) target(%dma_start3A_31 : memref<72x64xf32, #tpu.memory_space<vmem>>) offsets(%dma_start3A_33 : memref<72xi32, #tpu.memory_space<vmem>>) semaphore(%arg17 : memref<!tpu.dma_semaphore, #tpu.memory_space<semaphore_mem>>)
    %dma_start3A_37 = arith.constant 200 : i32
    %dma_start3A_38 = arith.constant 0 : i32
    %dma_start3A_39 = tpu.memref_slice %arg10[%dma_start3A_37, %dma_start3A_38] : memref<400x64xf32, #tpu.memory_space<vmem>> -> memref<128x64xf32, #tpu.memory_space<vmem>>
    %dma_start3A_40 = arith.constant 200 : i32
    %dma_start3A_41 = tpu.memref_slice %arg8[%dma_start3A_40] : memref<400xi32, #tpu.memory_space<vmem>> -> memref<128xi32, #tpu.memory_space<vmem>>
    %dma_start3A_42 = arith.constant 0 : i32
    %dma_start3A_43 = arith.constant 0 : i32
    %dma_start3A_44 = tpu.memref_slice %arg3[%dma_start3A_42, %dma_start3A_43] : memref<100000x64xf32, #tpu.memory_space<hbm>> -> memref<100000x64xf32, #tpu.memory_space<hbm>>
    tpu.enqueue_indirect_dma source(%dma_start3A_44 : memref<100000x64xf32, #tpu.memory_space<hbm>>) target(%dma_start3A_39 : memref<128x64xf32, #tpu.memory_space<vmem>>) offsets(%dma_start3A_41 : memref<128xi32, #tpu.memory_space<vmem>>) semaphore(%arg17 : memref<!tpu.dma_semaphore, #tpu.memory_space<semaphore_mem>>)
    %dma_start3A_45 = arith.constant 328 : i32
    %dma_start3A_46 = arith.constant 0 : i32
    %dma_start3A_47 = tpu.memref_slice %arg10[%dma_start3A_45, %dma_start3A_46] : memref<400x64xf32, #tpu.memory_space<vmem>> -> memref<72x64xf32, #tpu.memory_space<vmem>>
    %dma_start3A_48 = arith.constant 328 : i32
    %dma_start3A_49 = tpu.memref_slice %arg8[%dma_start3A_48] : memref<400xi32, #tpu.memory_space<vmem>> -> memref<72xi32, #tpu.memory_space<vmem>>
    %dma_start3A_50 = arith.constant 0 : i32
    %dma_start3A_51 = arith.constant 0 : i32
    %dma_start3A_52 = tpu.memref_slice %arg3[%dma_start3A_50, %dma_start3A_51] : memref<100000x64xf32, #tpu.memory_space<hbm>> -> memref<100000x64xf32, #tpu.memory_space<hbm>>
    tpu.enqueue_indirect_dma source(%dma_start3A_52 : memref<100000x64xf32, #tpu.memory_space<hbm>>) target(%dma_start3A_47 : memref<72x64xf32, #tpu.memory_space<vmem>>) offsets(%dma_start3A_49 : memref<72xi32, #tpu.memory_space<vmem>>) semaphore(%arg17 : memref<!tpu.dma_semaphore, #tpu.memory_space<semaphore_mem>>)
    %scan3A = arith.constant 0 : i32
    %scan3A_53 = arith.constant 32 : i32
    %scan3A_54 = arith.addi %scan3A, %scan3A_53 : i32
    %scan3A_55 = arith.constant 1 : i32
    scf.for %scan3A_72 = %scan3A to %scan3A_54 step %scan3A_55  : i32 {
      %mul3A_73 = arith.constant 2 : i32
      %mul3A_74 = arith.muli %scan3A_72, %mul3A_73 : i32
      %add3A_75 = arith.constant 0 : i32
      %add3A_76 = arith.addi %add3A_75, %mul3A_74 : i32
      %add3A_77 = arith.constant 0 : i32
      %add3A_78 = arith.addi %add3A_76, %add3A_77 : i32
      %add3A_79 = arith.constant 1 : i32
      %add3A_80 = arith.addi %add3A_78, %add3A_79 : i32
      %lt3A = arith.constant 64 : i32
      %lt3A_81 = arith.cmpi slt, %add3A_80, %lt3A : i32
      %convert_element_type3A = arith.extui %lt3A_81 : i1 to i32
      %cond3A = arith.constant 0 : i32
      %cond3A_82 = arith.cmpi ne, %convert_element_type3A, %cond3A : i32
      scf.if %cond3A_82 {
        %add3A_188 = arith.constant 1 : i32
        %add3A_189 = arith.addi %add3A_78, %add3A_188 : i32
        %mul3A_190 = arith.constant 2 : i32
        %mul3A_191 = arith.muli %add3A_189, %mul3A_190 : i32
        %add3A_192 = arith.addi %mul3A_2, %mul3A_191 : i32
        %mul3A_193 = arith.constant 200 : i32
        %mul3A_194 = arith.muli %add3A_192, %mul3A_193 : i32
        "tpu.region"() ({
          %run_scoped3A = tpu.sem_alloc : memref<!tpu.dma_semaphore, #tpu.memory_space<semaphore_mem>>
          %dma_start3A_227 = tpu.memref_slice %arg2[%mul3A_194] : memref<819200xi32, #tpu.memory_space<hbm>> -> memref<400xi32, #tpu.memory_space<hbm>>
          %dma_start3A_228 = tpu.memref_slice %arg2[%mul3A_194] : memref<819200xi32, #tpu.memory_space<hbm>> -> memref<400xi32, #tpu.memory_space<hbm>>
          tpu.enqueue_dma source(%dma_start3A_228 : memref<400xi32, #tpu.memory_space<hbm>>) target(%arg9 : memref<400xi32, #tpu.memory_space<vmem>>) target_semaphore(%run_scoped3A : memref<!tpu.dma_semaphore, #tpu.memory_space<semaphore_mem>>)
          %dma_wait3A_229 = tpu.memref_slice %arg2[%mul3A_194] : memref<819200xi32, #tpu.memory_space<hbm>> -> memref<400xi32, #tpu.memory_space<hbm>>
          %dma_wait3A_230 = tpu.memref_slice %arg2[%mul3A_194] : memref<819200xi32, #tpu.memory_space<hbm>> -> memref<400xi32, #tpu.memory_space<hbm>>
          tpu.wait_dma2 semaphore(%run_scoped3A : memref<!tpu.dma_semaphore, #tpu.memory_space<semaphore_mem>>) src(%dma_wait3A_230 : memref<400xi32, #tpu.memory_space<hbm>>) dst(%arg9 : memref<400xi32, #tpu.memory_space<vmem>>)
          tpu.yield
        }) : () -> ()
        %dma_start3A_195 = arith.constant 0 : i32
        %dma_start3A_196 = arith.constant 0 : i32
        %dma_start3A_197 = tpu.memref_slice %arg11[%dma_start3A_195, %dma_start3A_196] : memref<400x64xf32, #tpu.memory_space<vmem>> -> memref<128x64xf32, #tpu.memory_space<vmem>>
        %dma_start3A_198 = arith.constant 0 : i32
        %dma_start3A_199 = tpu.memref_slice %arg9[%dma_start3A_198] : memref<400xi32, #tpu.memory_space<vmem>> -> memref<128xi32, #tpu.memory_space<vmem>>
        %dma_start3A_200 = arith.constant 0 : i32
        %dma_start3A_201 = arith.constant 0 : i32
        %dma_start3A_202 = tpu.memref_slice %arg3[%dma_start3A_200, %dma_start3A_201] : memref<100000x64xf32, #tpu.memory_space<hbm>> -> memref<100000x64xf32, #tpu.memory_space<hbm>>
        tpu.enqueue_indirect_dma source(%dma_start3A_202 : memref<100000x64xf32, #tpu.memory_space<hbm>>) target(%dma_start3A_197 : memref<128x64xf32, #tpu.memory_space<vmem>>) offsets(%dma_start3A_199 : memref<128xi32, #tpu.memory_space<vmem>>) semaphore(%arg18 : memref<!tpu.dma_semaphore, #tpu.memory_space<semaphore_mem>>)
        %dma_start3A_203 = arith.constant 128 : i32
        %dma_start3A_204 = arith.constant 0 : i32
        %dma_start3A_205 = tpu.memref_slice %arg11[%dma_start3A_203, %dma_start3A_204] : memref<400x64xf32, #tpu.memory_space<vmem>> -> memref<72x64xf32, #tpu.memory_space<vmem>>
        %dma_start3A_206 = arith.constant 128 : i32
        %dma_start3A_207 = tpu.memref_slice %arg9[%dma_start3A_206] : memref<400xi32, #tpu.memory_space<vmem>> -> memref<72xi32, #tpu.memory_space<vmem>>
        %dma_start3A_208 = arith.constant 0 : i32
        %dma_start3A_209 = arith.constant 0 : i32
        %dma_start3A_210 = tpu.memref_slice %arg3[%dma_start3A_208, %dma_start3A_209] : memref<100000x64xf32, #tpu.memory_space<hbm>> -> memref<100000x64xf32, #tpu.memory_space<hbm>>
        tpu.enqueue_indirect_dma source(%dma_start3A_210 : memref<100000x64xf32, #tpu.memory_space<hbm>>) target(%dma_start3A_205 : memref<72x64xf32, #tpu.memory_space<vmem>>) offsets(%dma_start3A_207 : memref<72xi32, #tpu.memory_space<vmem>>) semaphore(%arg18 : memref<!tpu.dma_semaphore, #tpu.memory_space<semaphore_mem>>)
        %dma_start3A_211 = arith.constant 200 : i32
        %dma_start3A_212 = arith.constant 0 : i32
        %dma_start3A_213 = tpu.memref_slice %arg11[%dma_start3A_211, %dma_start3A_212] : memref<400x64xf32, #tpu.memory_space<vmem>> -> memref<128x64xf32, #tpu.memory_space<vmem>>
        %dma_start3A_214 = arith.constant 200 : i32
        %dma_start3A_215 = tpu.memref_slice %arg9[%dma_start3A_214] : memref<400xi32, #tpu.memory_space<vmem>> -> memref<128xi32, #tpu.memory_space<vmem>>
        %dma_start3A_216 = arith.constant 0 : i32
        %dma_start3A_217 = arith.constant 0 : i32
        %dma_start3A_218 = tpu.memref_slice %arg3[%dma_start3A_216, %dma_start3A_217] : memref<100000x64xf32, #tpu.memory_space<hbm>> -> memref<100000x64xf32, #tpu.memory_space<hbm>>
        tpu.enqueue_indirect_dma source(%dma_start3A_218 : memref<100000x64xf32, #tpu.memory_space<hbm>>) target(%dma_start3A_213 : memref<128x64xf32, #tpu.memory_space<vmem>>) offsets(%dma_start3A_215 : memref<128xi32, #tpu.memory_space<vmem>>) semaphore(%arg18 : memref<!tpu.dma_semaphore, #tpu.memory_space<semaphore_mem>>)
        %dma_start3A_219 = arith.constant 328 : i32
        %dma_start3A_220 = arith.constant 0 : i32
        %dma_start3A_221 = tpu.memref_slice %arg11[%dma_start3A_219, %dma_start3A_220] : memref<400x64xf32, #tpu.memory_space<vmem>> -> memref<72x64xf32, #tpu.memory_space<vmem>>
        %dma_start3A_222 = arith.constant 328 : i32
        %dma_start3A_223 = tpu.memref_slice %arg9[%dma_start3A_222] : memref<400xi32, #tpu.memory_space<vmem>> -> memref<72xi32, #tpu.memory_space<vmem>>
        %dma_start3A_224 = arith.constant 0 : i32
        %dma_start3A_225 = arith.constant 0 : i32
        %dma_start3A_226 = tpu.memref_slice %arg3[%dma_start3A_224, %dma_start3A_225] : memref<100000x64xf32, #tpu.memory_space<hbm>> -> memref<100000x64xf32, #tpu.memory_space<hbm>>
        tpu.enqueue_indirect_dma source(%dma_start3A_226 : memref<100000x64xf32, #tpu.memory_space<hbm>>) target(%dma_start3A_221 : memref<72x64xf32, #tpu.memory_space<vmem>>) offsets(%dma_start3A_223 : memref<72xi32, #tpu.memory_space<vmem>>) semaphore(%arg18 : memref<!tpu.dma_semaphore, #tpu.memory_space<semaphore_mem>>)
      } else {
      }
      %dma_wait3A_83 = arith.constant 0 : i32
      %dma_wait3A_84 = arith.constant 0 : i32
      %dma_wait3A_85 = tpu.memref_slice %arg10[%dma_wait3A_83, %dma_wait3A_84] : memref<400x64xf32, #tpu.memory_space<vmem>> -> memref<128x64xf32, #tpu.memory_space<vmem>>
      %dma_wait3A_86 = arith.constant 0 : i32
      %dma_wait3A_87 = tpu.memref_slice %arg8[%dma_wait3A_86] : memref<400xi32, #tpu.memory_space<vmem>> -> memref<128xi32, #tpu.memory_space<vmem>>
      %dma_wait3A_88 = arith.constant 0 : i32
      %dma_wait3A_89 = arith.constant 0 : i32
      %dma_wait3A_90 = tpu.memref_slice %arg3[%dma_wait3A_88, %dma_wait3A_89] : memref<100000x64xf32, #tpu.memory_space<hbm>> -> memref<100000x64xf32, #tpu.memory_space<hbm>>
      tpu.wait_indirect_dma semaphore(%arg17 : memref<!tpu.dma_semaphore, #tpu.memory_space<semaphore_mem>>) src(%dma_wait3A_90 : memref<100000x64xf32, #tpu.memory_space<hbm>>) dst(%dma_wait3A_85 : memref<128x64xf32, #tpu.memory_space<vmem>>)
      %dma_wait3A_91 = arith.constant 128 : i32
      %dma_wait3A_92 = arith.constant 0 : i32
      %dma_wait3A_93 = tpu.memref_slice %arg10[%dma_wait3A_91, %dma_wait3A_92] : memref<400x64xf32, #tpu.memory_space<vmem>> -> memref<72x64xf32, #tpu.memory_space<vmem>>
      %dma_wait3A_94 = arith.constant 128 : i32
      %dma_wait3A_95 = tpu.memref_slice %arg8[%dma_wait3A_94] : memref<400xi32, #tpu.memory_space<vmem>> -> memref<72xi32, #tpu.memory_space<vmem>>
      %dma_wait3A_96 = arith.constant 0 : i32
      %dma_wait3A_97 = arith.constant 0 : i32
      %dma_wait3A_98 = tpu.memref_slice %arg3[%dma_wait3A_96, %dma_wait3A_97] : memref<100000x64xf32, #tpu.memory_space<hbm>> -> memref<100000x64xf32, #tpu.memory_space<hbm>>
      tpu.wait_indirect_dma semaphore(%arg17 : memref<!tpu.dma_semaphore, #tpu.memory_space<semaphore_mem>>) src(%dma_wait3A_98 : memref<100000x64xf32, #tpu.memory_space<hbm>>) dst(%dma_wait3A_93 : memref<72x64xf32, #tpu.memory_space<vmem>>)
      %dma_wait3A_99 = arith.constant 200 : i32
      %dma_wait3A_100 = arith.constant 0 : i32
      %dma_wait3A_101 = tpu.memref_slice %arg10[%dma_wait3A_99, %dma_wait3A_100] : memref<400x64xf32, #tpu.memory_space<vmem>> -> memref<128x64xf32, #tpu.memory_space<vmem>>
      %dma_wait3A_102 = arith.constant 200 : i32
      %dma_wait3A_103 = tpu.memref_slice %arg8[%dma_wait3A_102] : memref<400xi32, #tpu.memory_space<vmem>> -> memref<128xi32, #tpu.memory_space<vmem>>
      %dma_wait3A_104 = arith.constant 0 : i32
      %dma_wait3A_105 = arith.constant 0 : i32
      %dma_wait3A_106 = tpu.memref_slice %arg3[%dma_wait3A_104, %dma_wait3A_105] : memref<100000x64xf32, #tpu.memory_space<hbm>> -> memref<100000x64xf32, #tpu.memory_space<hbm>>
      tpu.wait_indirect_dma semaphore(%arg17 : memref<!tpu.dma_semaphore, #tpu.memory_space<semaphore_mem>>) src(%dma_wait3A_106 : memref<100000x64xf32, #tpu.memory_space<hbm>>) dst(%dma_wait3A_101 : memref<128x64xf32, #tpu.memory_space<vmem>>)
      %dma_wait3A_107 = arith.constant 328 : i32
      %dma_wait3A_108 = arith.constant 0 : i32
      %dma_wait3A_109 = tpu.memref_slice %arg10[%dma_wait3A_107, %dma_wait3A_108] : memref<400x64xf32, #tpu.memory_space<vmem>> -> memref<72x64xf32, #tpu.memory_space<vmem>>
      %dma_wait3A_110 = arith.constant 328 : i32
      %dma_wait3A_111 = tpu.memref_slice %arg8[%dma_wait3A_110] : memref<400xi32, #tpu.memory_space<vmem>> -> memref<72xi32, #tpu.memory_space<vmem>>
      %dma_wait3A_112 = arith.constant 0 : i32
      %dma_wait3A_113 = arith.constant 0 : i32
      %dma_wait3A_114 = tpu.memref_slice %arg3[%dma_wait3A_112, %dma_wait3A_113] : memref<100000x64xf32, #tpu.memory_space<hbm>> -> memref<100000x64xf32, #tpu.memory_space<hbm>>
      tpu.wait_indirect_dma semaphore(%arg17 : memref<!tpu.dma_semaphore, #tpu.memory_space<semaphore_mem>>) src(%dma_wait3A_114 : memref<100000x64xf32, #tpu.memory_space<hbm>>) dst(%dma_wait3A_109 : memref<72x64xf32, #tpu.memory_space<vmem>>)
      %ge3A = arith.constant 2 : i32
      %ge3A_115 = arith.cmpi sge, %add3A_78, %ge3A : i32
      %convert_element_type3A_116 = arith.extui %ge3A_115 : i1 to i32
      %cond3A_117 = arith.constant 0 : i32
      %cond3A_118 = arith.cmpi ne, %convert_element_type3A_116, %cond3A_117 : i32
      scf.if %cond3A_118 {
        %add3A_188 = arith.constant 0 : i32
        %add3A_189 = arith.addi %mul3A_2, %add3A_188 : i32
        %mul3A_190 = arith.constant 200 : i32
        %mul3A_191 = arith.muli %add3A_189, %mul3A_190 : i32
        %mul3A_192 = arith.constant 64 : i32
        %mul3A_193 = arith.muli %mul3A_191, %mul3A_192 : i32
        %dma_wait3A_194 = tpu.memref_slice %arg7[%mul3A_193] : memref<52428800xf32, #tpu.memory_space<hbm>> -> memref<25600xf32, #tpu.memory_space<hbm>>
        %dma_wait3A_195 = tpu.memref_slice %arg7[%mul3A_193] : memref<52428800xf32, #tpu.memory_space<hbm>> -> memref<25600xf32, #tpu.memory_space<hbm>>
        tpu.wait_dma2 semaphore(%arg19 : memref<!tpu.dma_semaphore, #tpu.memory_space<semaphore_mem>>) src(%arg12 : memref<25600xf32, #tpu.memory_space<vmem>>) dst(%dma_wait3A_195 : memref<25600xf32, #tpu.memory_space<hbm>>)
      } else {
      }
      %parallel_loop3A = arith.constant 0 : i32
      %parallel_loop3A_119 = arith.constant 200 : i32
      %parallel_loop3A_120 = arith.constant 1 : i32
      scf.for %parallel_loop3A_188 = %parallel_loop3A to %parallel_loop3A_119 step %parallel_loop3A_120  : i32 {
        %parallel_loop3A_189 = arith.constant 64 : i32
        %parallel_loop3A_190 = arith.muli %parallel_loop3A_188, %parallel_loop3A_189 : i32
        %parallel_loop3A_191 = arith.constant 0 : i32
        %parallel_loop3A_192 = arith.addi %parallel_loop3A_190, %parallel_loop3A_191 : i32
        %parallel_loop3A_193 = arith.index_cast %parallel_loop3A_192 : i32 to index
        %parallel_loop3A_194 = tpu.vector_load %arg14[%parallel_loop3A_193] {strides = array<i32>} : memref<12800xf32, #tpu.memory_space<vmem>>, vector<16xf32>,
        %parallel_loop3A_195 = arith.constant 64 : i32
        %parallel_loop3A_196 = arith.muli %parallel_loop3A_188, %parallel_loop3A_195 : i32
        %parallel_loop3A_197 = arith.constant 16 : i32
        %parallel_loop3A_198 = arith.addi %parallel_loop3A_196, %parallel_loop3A_197 : i32
        %parallel_loop3A_199 = arith.index_cast %parallel_loop3A_198 : i32 to index
        %parallel_loop3A_200 = tpu.vector_load %arg14[%parallel_loop3A_199] {strides = array<i32>} : memref<12800xf32, #tpu.memory_space<vmem>>, vector<16xf32>,
        %parallel_loop3A_201 = arith.constant 64 : i32
        %parallel_loop3A_202 = arith.muli %parallel_loop3A_188, %parallel_loop3A_201 : i32
        %parallel_loop3A_203 = arith.constant 32 : i32
        %parallel_loop3A_204 = arith.addi %parallel_loop3A_202, %parallel_loop3A_203 : i32
        %parallel_loop3A_205 = arith.index_cast %parallel_loop3A_204 : i32 to index
        %parallel_loop3A_206 = tpu.vector_load %arg14[%parallel_loop3A_205] {strides = array<i32>} : memref<12800xf32, #tpu.memory_space<vmem>>, vector<16xf32>,
        %parallel_loop3A_207 = arith.constant 64 : i32
        %parallel_loop3A_208 = arith.muli %parallel_loop3A_188, %parallel_loop3A_207 : i32
        %parallel_loop3A_209 = arith.constant 48 : i32
        %parallel_loop3A_210 = arith.addi %parallel_loop3A_208, %parallel_loop3A_209 : i32
        %parallel_loop3A_211 = arith.index_cast %parallel_loop3A_210 : i32 to index
        %parallel_loop3A_212 = tpu.vector_load %arg14[%parallel_loop3A_211] {strides = array<i32>} : memref<12800xf32, #tpu.memory_space<vmem>>, vector<16xf32>,
        %parallel_loop3A_213 = arith.constant 0 : i32
        %parallel_loop3A_214 = arith.addi %parallel_loop3A_213, %parallel_loop3A_188 : i32
        %parallel_loop3A_215 = arith.index_cast %parallel_loop3A_214 : i32 to index
        %parallel_loop3A_216 = arith.constant 0 : index
        %parallel_loop3A_217 = tpu.vector_load %arg10[%parallel_loop3A_215, %parallel_loop3A_216] {strides = array<i32>} : memref<400x64xf32, #tpu.memory_space<vmem>>, vector<16xf32>,
        %parallel_loop3A_218 = arith.addf %parallel_loop3A_217, %parallel_loop3A_194 : vector<16xf32>
        %parallel_loop3A_219 = arith.index_cast %parallel_loop3A_214 : i32 to index
        %parallel_loop3A_220 = arith.constant 16 : index
        %parallel_loop3A_221 = tpu.vector_load %arg10[%parallel_loop3A_219, %parallel_loop3A_220] {strides = array<i32>} : memref<400x64xf32, #tpu.memory_space<vmem>>, vector<16xf32>,
        %parallel_loop3A_222 = arith.addf %parallel_loop3A_221, %parallel_loop3A_200 : vector<16xf32>
        %parallel_loop3A_223 = arith.index_cast %parallel_loop3A_214 : i32 to index
        %parallel_loop3A_224 = arith.constant 32 : index
        %parallel_loop3A_225 = tpu.vector_load %arg10[%parallel_loop3A_223, %parallel_loop3A_224] {strides = array<i32>} : memref<400x64xf32, #tpu.memory_space<vmem>>, vector<16xf32>,
        %parallel_loop3A_226 = arith.addf %parallel_loop3A_225, %parallel_loop3A_206 : vector<16xf32>
        %parallel_loop3A_227 = arith.index_cast %parallel_loop3A_214 : i32 to index
        %parallel_loop3A_228 = arith.constant 48 : index
        %parallel_loop3A_229 = tpu.vector_load %arg10[%parallel_loop3A_227, %parallel_loop3A_228] {strides = array<i32>} : memref<400x64xf32, #tpu.memory_space<vmem>>, vector<16xf32>,
        %parallel_loop3A_230 = arith.addf %parallel_loop3A_229, %parallel_loop3A_212 : vector<16xf32>
        %parallel_loop3A_231 = arith.addf %parallel_loop3A_218, %parallel_loop3A_222 : vector<16xf32>
        %parallel_loop3A_232 = arith.addf %parallel_loop3A_226, %parallel_loop3A_230 : vector<16xf32>
        %parallel_loop3A_233 = arith.addf %parallel_loop3A_231, %parallel_loop3A_232 : vector<16xf32>
        %parallel_loop3A_234 = arith.constant true
        %parallel_loop3A_235 = vector.broadcast %parallel_loop3A_234 : i1 to vector<16xi1>
        %parallel_loop3A_236 = tpu.scan <sum>, %parallel_loop3A_233 masked %parallel_loop3A_235 : vector<16xf32>, vector<16xi1> -> vector<16xf32>
        %parallel_loop3A_237 = vector.extract %parallel_loop3A_236[15] : f32 from vector<16xf32>
        %parallel_loop3A_238 = arith.mulf %parallel_loop3A_218, %parallel_loop3A_218 : vector<16xf32>
        %parallel_loop3A_239 = arith.mulf %parallel_loop3A_222, %parallel_loop3A_222 : vector<16xf32>
        %parallel_loop3A_240 = arith.addf %parallel_loop3A_238, %parallel_loop3A_239 : vector<16xf32>
        %parallel_loop3A_241 = arith.mulf %parallel_loop3A_226, %parallel_loop3A_226 : vector<16xf32>
        %parallel_loop3A_242 = arith.mulf %parallel_loop3A_230, %parallel_loop3A_230 : vector<16xf32>
        %parallel_loop3A_243 = arith.addf %parallel_loop3A_241, %parallel_loop3A_242 : vector<16xf32>
        %parallel_loop3A_244 = arith.addf %parallel_loop3A_240, %parallel_loop3A_243 : vector<16xf32>
        %parallel_loop3A_245 = arith.constant true
        %parallel_loop3A_246 = vector.broadcast %parallel_loop3A_245 : i1 to vector<16xi1>
        %parallel_loop3A_247 = tpu.scan <sum>, %parallel_loop3A_244 masked %parallel_loop3A_246 : vector<16xf32>, vector<16xi1> -> vector<16xf32>
        %parallel_loop3A_248 = vector.extract %parallel_loop3A_247[15] : f32 from vector<16xf32>
        %parallel_loop3A_249 = arith.constant 1.562500e-02 : f32
        %parallel_loop3A_250 = arith.mulf %parallel_loop3A_237, %parallel_loop3A_249 : f32
        %parallel_loop3A_251 = arith.constant 1.562500e-02 : f32
        %parallel_loop3A_252 = arith.mulf %parallel_loop3A_248, %parallel_loop3A_251 : f32
        %parallel_loop3A_253 = arith.mulf %parallel_loop3A_250, %parallel_loop3A_250 : f32
        %parallel_loop3A_254 = arith.subf %parallel_loop3A_252, %parallel_loop3A_253 : f32
        %parallel_loop3A_255 = arith.constant 9.99999974E-6 : f32
        %parallel_loop3A_256 = arith.addf %parallel_loop3A_254, %parallel_loop3A_255 : f32
        %parallel_loop3A_257 = arith.bitcast %parallel_loop3A_256 : f32 to i32
        %parallel_loop3A_258 = arith.constant 1 : i32
        %parallel_loop3A_259 = arith.shrui %parallel_loop3A_257, %parallel_loop3A_258 : i32
        %parallel_loop3A_260 = arith.constant 1597463007 : i32
        %parallel_loop3A_261 = arith.subi %parallel_loop3A_260, %parallel_loop3A_259 : i32
        %parallel_loop3A_262 = arith.bitcast %parallel_loop3A_261 : i32 to f32
        %parallel_loop3A_263 = arith.constant 5.000000e-01 : f32
        %parallel_loop3A_264 = arith.mulf %parallel_loop3A_263, %parallel_loop3A_256 : f32
        %parallel_loop3A_265 = arith.mulf %parallel_loop3A_264, %parallel_loop3A_262 : f32
        %parallel_loop3A_266 = arith.mulf %parallel_loop3A_265, %parallel_loop3A_262 : f32
        %parallel_loop3A_267 = arith.constant 1.500000e+00 : f32
        %parallel_loop3A_268 = arith.subf %parallel_loop3A_267, %parallel_loop3A_266 : f32
        %parallel_loop3A_269 = arith.mulf %parallel_loop3A_262, %parallel_loop3A_268 : f32
        %parallel_loop3A_270 = arith.mulf %parallel_loop3A_264, %parallel_loop3A_269 : f32
        %parallel_loop3A_271 = arith.mulf %parallel_loop3A_270, %parallel_loop3A_269 : f32
        %parallel_loop3A_272 = arith.constant 1.500000e+00 : f32
        %parallel_loop3A_273 = arith.subf %parallel_loop3A_272, %parallel_loop3A_271 : f32
        %parallel_loop3A_274 = arith.mulf %parallel_loop3A_269, %parallel_loop3A_273 : f32
        %parallel_loop3A_275 = arith.mulf %parallel_loop3A_264, %parallel_loop3A_274 : f32
        %parallel_loop3A_276 = arith.mulf %parallel_loop3A_275, %parallel_loop3A_274 : f32
        %parallel_loop3A_277 = arith.constant 1.500000e+00 : f32
        %parallel_loop3A_278 = arith.subf %parallel_loop3A_277, %parallel_loop3A_276 : f32
        %parallel_loop3A_279 = arith.mulf %parallel_loop3A_274, %parallel_loop3A_278 : f32
        %parallel_loop3A_280 = vector.broadcast %parallel_loop3A_250 : f32 to vector<16xf32>
        %parallel_loop3A_281 = arith.subf %parallel_loop3A_218, %parallel_loop3A_280 : vector<16xf32>
        %parallel_loop3A_282 = vector.broadcast %parallel_loop3A_279 : f32 to vector<16xf32>
        %parallel_loop3A_283 = arith.mulf %parallel_loop3A_281, %parallel_loop3A_282 : vector<16xf32>
        %parallel_loop3A_284 = arith.mulf %parallel_loop3A_283, %get3A_3 : vector<16xf32>
        %parallel_loop3A_285 = arith.addf %parallel_loop3A_284, %get3A_11 : vector<16xf32>
        %parallel_loop3A_286 = arith.constant 64 : i32
        %parallel_loop3A_287 = arith.muli %parallel_loop3A_214, %parallel_loop3A_286 : i32
        %parallel_loop3A_288 = arith.constant 0 : i32
        %parallel_loop3A_289 = arith.addi %parallel_loop3A_287, %parallel_loop3A_288 : i32
        %parallel_loop3A_290 = arith.index_cast %parallel_loop3A_289 : i32 to index
        %parallel_loop3A_291 = tpu.vector_load %arg12[%parallel_loop3A_290] {strides = array<i32>} : memref<25600xf32, #tpu.memory_space<vmem>>, vector<16xf32>,
        tpu.vector_store %arg12[%parallel_loop3A_290], %parallel_loop3A_285 {strides = array<i32>} : memref<25600xf32, #tpu.memory_space<vmem>>, vector<16xf32>,
        %parallel_loop3A_292 = vector.broadcast %parallel_loop3A_250 : f32 to vector<16xf32>
        %parallel_loop3A_293 = arith.subf %parallel_loop3A_222, %parallel_loop3A_292 : vector<16xf32>
        %parallel_loop3A_294 = vector.broadcast %parallel_loop3A_279 : f32 to vector<16xf32>
        %parallel_loop3A_295 = arith.mulf %parallel_loop3A_293, %parallel_loop3A_294 : vector<16xf32>
        %parallel_loop3A_296 = arith.mulf %parallel_loop3A_295, %get3A_5 : vector<16xf32>
        %parallel_loop3A_297 = arith.addf %parallel_loop3A_296, %get3A_13 : vector<16xf32>
        %parallel_loop3A_298 = arith.constant 64 : i32
        %parallel_loop3A_299 = arith.muli %parallel_loop3A_214, %parallel_loop3A_298 : i32
        %parallel_loop3A_300 = arith.constant 16 : i32
        %parallel_loop3A_301 = arith.addi %parallel_loop3A_299, %parallel_loop3A_300 : i32
        %parallel_loop3A_302 = arith.index_cast %parallel_loop3A_301 : i32 to index
        %parallel_loop3A_303 = tpu.vector_load %arg12[%parallel_loop3A_302] {strides = array<i32>} : memref<25600xf32, #tpu.memory_space<vmem>>, vector<16xf32>,
        tpu.vector_store %arg12[%parallel_loop3A_302], %parallel_loop3A_297 {strides = array<i32>} : memref<25600xf32, #tpu.memory_space<vmem>>, vector<16xf32>,
        %parallel_loop3A_304 = vector.broadcast %parallel_loop3A_250 : f32 to vector<16xf32>
        %parallel_loop3A_305 = arith.subf %parallel_loop3A_226, %parallel_loop3A_304 : vector<16xf32>
        %parallel_loop3A_306 = vector.broadcast %parallel_loop3A_279 : f32 to vector<16xf32>
        %parallel_loop3A_307 = arith.mulf %parallel_loop3A_305, %parallel_loop3A_306 : vector<16xf32>
        %parallel_loop3A_308 = arith.mulf %parallel_loop3A_307, %get3A_7 : vector<16xf32>
        %parallel_loop3A_309 = arith.addf %parallel_loop3A_308, %get3A_15 : vector<16xf32>
        %parallel_loop3A_310 = arith.constant 64 : i32
        %parallel_loop3A_311 = arith.muli %parallel_loop3A_214, %parallel_loop3A_310 : i32
        %parallel_loop3A_312 = arith.constant 32 : i32
        %parallel_loop3A_313 = arith.addi %parallel_loop3A_311, %parallel_loop3A_312 : i32
        %parallel_loop3A_314 = arith.index_cast %parallel_loop3A_313 : i32 to index
        %parallel_loop3A_315 = tpu.vector_load %arg12[%parallel_loop3A_314] {strides = array<i32>} : memref<25600xf32, #tpu.memory_space<vmem>>, vector<16xf32>,
        tpu.vector_store %arg12[%parallel_loop3A_314], %parallel_loop3A_309 {strides = array<i32>} : memref<25600xf32, #tpu.memory_space<vmem>>, vector<16xf32>,
        %parallel_loop3A_316 = vector.broadcast %parallel_loop3A_250 : f32 to vector<16xf32>
        %parallel_loop3A_317 = arith.subf %parallel_loop3A_230, %parallel_loop3A_316 : vector<16xf32>
        %parallel_loop3A_318 = vector.broadcast %parallel_loop3A_279 : f32 to vector<16xf32>
        %parallel_loop3A_319 = arith.mulf %parallel_loop3A_317, %parallel_loop3A_318 : vector<16xf32>
        %parallel_loop3A_320 = arith.mulf %parallel_loop3A_319, %get3A_9 : vector<16xf32>
        %parallel_loop3A_321 = arith.addf %parallel_loop3A_320, %get3A_17 : vector<16xf32>
        %parallel_loop3A_322 = arith.constant 64 : i32
        %parallel_loop3A_323 = arith.muli %parallel_loop3A_214, %parallel_loop3A_322 : i32
        %parallel_loop3A_324 = arith.constant 48 : i32
        %parallel_loop3A_325 = arith.addi %parallel_loop3A_323, %parallel_loop3A_324 : i32
        %parallel_loop3A_326 = arith.index_cast %parallel_loop3A_325 : i32 to index
        %parallel_loop3A_327 = tpu.vector_load %arg12[%parallel_loop3A_326] {strides = array<i32>} : memref<25600xf32, #tpu.memory_space<vmem>>, vector<16xf32>,
        tpu.vector_store %arg12[%parallel_loop3A_326], %parallel_loop3A_321 {strides = array<i32>} : memref<25600xf32, #tpu.memory_space<vmem>>, vector<16xf32>,
        %parallel_loop3A_328 = arith.constant 200 : i32
        %parallel_loop3A_329 = arith.addi %parallel_loop3A_328, %parallel_loop3A_188 : i32
        %parallel_loop3A_330 = arith.index_cast %parallel_loop3A_329 : i32 to index
        %parallel_loop3A_331 = arith.constant 0 : index
        %parallel_loop3A_332 = tpu.vector_load %arg10[%parallel_loop3A_330, %parallel_loop3A_331] {strides = array<i32>} : memref<400x64xf32, #tpu.memory_space<vmem>>, vector<16xf32>,
        %parallel_loop3A_333 = arith.addf %parallel_loop3A_332, %parallel_loop3A_194 : vector<16xf32>
        %parallel_loop3A_334 = arith.index_cast %parallel_loop3A_329 : i32 to index
        %parallel_loop3A_335 = arith.constant 16 : index
        %parallel_loop3A_336 = tpu.vector_load %arg10[%parallel_loop3A_334, %parallel_loop3A_335] {strides = array<i32>} : memref<400x64xf32, #tpu.memory_space<vmem>>, vector<16xf32>,
        %parallel_loop3A_337 = arith.addf %parallel_loop3A_336, %parallel_loop3A_200 : vector<16xf32>
        %parallel_loop3A_338 = arith.index_cast %parallel_loop3A_329 : i32 to index
        %parallel_loop3A_339 = arith.constant 32 : index
        %parallel_loop3A_340 = tpu.vector_load %arg10[%parallel_loop3A_338, %parallel_loop3A_339] {strides = array<i32>} : memref<400x64xf32, #tpu.memory_space<vmem>>, vector<16xf32>,
        %parallel_loop3A_341 = arith.addf %parallel_loop3A_340, %parallel_loop3A_206 : vector<16xf32>
        %parallel_loop3A_342 = arith.index_cast %parallel_loop3A_329 : i32 to index
        %parallel_loop3A_343 = arith.constant 48 : index
        %parallel_loop3A_344 = tpu.vector_load %arg10[%parallel_loop3A_342, %parallel_loop3A_343] {strides = array<i32>} : memref<400x64xf32, #tpu.memory_space<vmem>>, vector<16xf32>,
        %parallel_loop3A_345 = arith.addf %parallel_loop3A_344, %parallel_loop3A_212 : vector<16xf32>
        %parallel_loop3A_346 = arith.addf %parallel_loop3A_333, %parallel_loop3A_337 : vector<16xf32>
        %parallel_loop3A_347 = arith.addf %parallel_loop3A_341, %parallel_loop3A_345 : vector<16xf32>
        %parallel_loop3A_348 = arith.addf %parallel_loop3A_346, %parallel_loop3A_347 : vector<16xf32>
        %parallel_loop3A_349 = arith.constant true
        %parallel_loop3A_350 = vector.broadcast %parallel_loop3A_349 : i1 to vector<16xi1>
        %parallel_loop3A_351 = tpu.scan <sum>, %parallel_loop3A_348 masked %parallel_loop3A_350 : vector<16xf32>, vector<16xi1> -> vector<16xf32>
        %parallel_loop3A_352 = vector.extract %parallel_loop3A_351[15] : f32 from vector<16xf32>
        %parallel_loop3A_353 = arith.mulf %parallel_loop3A_333, %parallel_loop3A_333 : vector<16xf32>
        %parallel_loop3A_354 = arith.mulf %parallel_loop3A_337, %parallel_loop3A_337 : vector<16xf32>
        %parallel_loop3A_355 = arith.addf %parallel_loop3A_353, %parallel_loop3A_354 : vector<16xf32>
        %parallel_loop3A_356 = arith.mulf %parallel_loop3A_341, %parallel_loop3A_341 : vector<16xf32>
        %parallel_loop3A_357 = arith.mulf %parallel_loop3A_345, %parallel_loop3A_345 : vector<16xf32>
        %parallel_loop3A_358 = arith.addf %parallel_loop3A_356, %parallel_loop3A_357 : vector<16xf32>
        %parallel_loop3A_359 = arith.addf %parallel_loop3A_355, %parallel_loop3A_358 : vector<16xf32>
        %parallel_loop3A_360 = arith.constant true
        %parallel_loop3A_361 = vector.broadcast %parallel_loop3A_360 : i1 to vector<16xi1>
        %parallel_loop3A_362 = tpu.scan <sum>, %parallel_loop3A_359 masked %parallel_loop3A_361 : vector<16xf32>, vector<16xi1> -> vector<16xf32>
        %parallel_loop3A_363 = vector.extract %parallel_loop3A_362[15] : f32 from vector<16xf32>
        %parallel_loop3A_364 = arith.constant 1.562500e-02 : f32
        %parallel_loop3A_365 = arith.mulf %parallel_loop3A_352, %parallel_loop3A_364 : f32
        %parallel_loop3A_366 = arith.constant 1.562500e-02 : f32
        %parallel_loop3A_367 = arith.mulf %parallel_loop3A_363, %parallel_loop3A_366 : f32
        %parallel_loop3A_368 = arith.mulf %parallel_loop3A_365, %parallel_loop3A_365 : f32
        %parallel_loop3A_369 = arith.subf %parallel_loop3A_367, %parallel_loop3A_368 : f32
        %parallel_loop3A_370 = arith.constant 9.99999974E-6 : f32
        %parallel_loop3A_371 = arith.addf %parallel_loop3A_369, %parallel_loop3A_370 : f32
        %parallel_loop3A_372 = arith.bitcast %parallel_loop3A_371 : f32 to i32
        %parallel_loop3A_373 = arith.constant 1 : i32
        %parallel_loop3A_374 = arith.shrui %parallel_loop3A_372, %parallel_loop3A_373 : i32
        %parallel_loop3A_375 = arith.constant 1597463007 : i32
        %parallel_loop3A_376 = arith.subi %parallel_loop3A_375, %parallel_loop3A_374 : i32
        %parallel_loop3A_377 = arith.bitcast %parallel_loop3A_376 : i32 to f32
        %parallel_loop3A_378 = arith.constant 5.000000e-01 : f32
        %parallel_loop3A_379 = arith.mulf %parallel_loop3A_378, %parallel_loop3A_371 : f32
        %parallel_loop3A_380 = arith.mulf %parallel_loop3A_379, %parallel_loop3A_377 : f32
        %parallel_loop3A_381 = arith.mulf %parallel_loop3A_380, %parallel_loop3A_377 : f32
        %parallel_loop3A_382 = arith.constant 1.500000e+00 : f32
        %parallel_loop3A_383 = arith.subf %parallel_loop3A_382, %parallel_loop3A_381 : f32
        %parallel_loop3A_384 = arith.mulf %parallel_loop3A_377, %parallel_loop3A_383 : f32
        %parallel_loop3A_385 = arith.mulf %parallel_loop3A_379, %parallel_loop3A_384 : f32
        %parallel_loop3A_386 = arith.mulf %parallel_loop3A_385, %parallel_loop3A_384 : f32
        %parallel_loop3A_387 = arith.constant 1.500000e+00 : f32
        %parallel_loop3A_388 = arith.subf %parallel_loop3A_387, %parallel_loop3A_386 : f32
        %parallel_loop3A_389 = arith.mulf %parallel_loop3A_384, %parallel_loop3A_388 : f32
        %parallel_loop3A_390 = arith.mulf %parallel_loop3A_379, %parallel_loop3A_389 : f32
        %parallel_loop3A_391 = arith.mulf %parallel_loop3A_390, %parallel_loop3A_389 : f32
        %parallel_loop3A_392 = arith.constant 1.500000e+00 : f32
        %parallel_loop3A_393 = arith.subf %parallel_loop3A_392, %parallel_loop3A_391 : f32
        %parallel_loop3A_394 = arith.mulf %parallel_loop3A_389, %parallel_loop3A_393 : f32
        %parallel_loop3A_395 = vector.broadcast %parallel_loop3A_365 : f32 to vector<16xf32>
        %parallel_loop3A_396 = arith.subf %parallel_loop3A_333, %parallel_loop3A_395 : vector<16xf32>
        %parallel_loop3A_397 = vector.broadcast %parallel_loop3A_394 : f32 to vector<16xf32>
        %parallel_loop3A_398 = arith.mulf %parallel_loop3A_396, %parallel_loop3A_397 : vector<16xf32>
        %parallel_loop3A_399 = arith.mulf %parallel_loop3A_398, %get3A_3 : vector<16xf32>
        %parallel_loop3A_400 = arith.addf %parallel_loop3A_399, %get3A_11 : vector<16xf32>
        %parallel_loop3A_401 = arith.constant 64 : i32
        %parallel_loop3A_402 = arith.muli %parallel_loop3A_329, %parallel_loop3A_401 : i32
        %parallel_loop3A_403 = arith.constant 0 : i32
        %parallel_loop3A_404 = arith.addi %parallel_loop3A_402, %parallel_loop3A_403 : i32
        %parallel_loop3A_405 = arith.index_cast %parallel_loop3A_404 : i32 to index
        %parallel_loop3A_406 = tpu.vector_load %arg12[%parallel_loop3A_405] {strides = array<i32>} : memref<25600xf32, #tpu.memory_space<vmem>>, vector<16xf32>,
        tpu.vector_store %arg12[%parallel_loop3A_405], %parallel_loop3A_400 {strides = array<i32>} : memref<25600xf32, #tpu.memory_space<vmem>>, vector<16xf32>,
        %parallel_loop3A_407 = vector.broadcast %parallel_loop3A_365 : f32 to vector<16xf32>
        %parallel_loop3A_408 = arith.subf %parallel_loop3A_337, %parallel_loop3A_407 : vector<16xf32>
        %parallel_loop3A_409 = vector.broadcast %parallel_loop3A_394 : f32 to vector<16xf32>
        %parallel_loop3A_410 = arith.mulf %parallel_loop3A_408, %parallel_loop3A_409 : vector<16xf32>
        %parallel_loop3A_411 = arith.mulf %parallel_loop3A_410, %get3A_5 : vector<16xf32>
        %parallel_loop3A_412 = arith.addf %parallel_loop3A_411, %get3A_13 : vector<16xf32>
        %parallel_loop3A_413 = arith.constant 64 : i32
        %parallel_loop3A_414 = arith.muli %parallel_loop3A_329, %parallel_loop3A_413 : i32
        %parallel_loop3A_415 = arith.constant 16 : i32
        %parallel_loop3A_416 = arith.addi %parallel_loop3A_414, %parallel_loop3A_415 : i32
        %parallel_loop3A_417 = arith.index_cast %parallel_loop3A_416 : i32 to index
        %parallel_loop3A_418 = tpu.vector_load %arg12[%parallel_loop3A_417] {strides = array<i32>} : memref<25600xf32, #tpu.memory_space<vmem>>, vector<16xf32>,
        tpu.vector_store %arg12[%parallel_loop3A_417], %parallel_loop3A_412 {strides = array<i32>} : memref<25600xf32, #tpu.memory_space<vmem>>, vector<16xf32>,
        %parallel_loop3A_419 = vector.broadcast %parallel_loop3A_365 : f32 to vector<16xf32>
        %parallel_loop3A_420 = arith.subf %parallel_loop3A_341, %parallel_loop3A_419 : vector<16xf32>
        %parallel_loop3A_421 = vector.broadcast %parallel_loop3A_394 : f32 to vector<16xf32>
        %parallel_loop3A_422 = arith.mulf %parallel_loop3A_420, %parallel_loop3A_421 : vector<16xf32>
        %parallel_loop3A_423 = arith.mulf %parallel_loop3A_422, %get3A_7 : vector<16xf32>
        %parallel_loop3A_424 = arith.addf %parallel_loop3A_423, %get3A_15 : vector<16xf32>
        %parallel_loop3A_425 = arith.constant 64 : i32
        %parallel_loop3A_426 = arith.muli %parallel_loop3A_329, %parallel_loop3A_425 : i32
        %parallel_loop3A_427 = arith.constant 32 : i32
        %parallel_loop3A_428 = arith.addi %parallel_loop3A_426, %parallel_loop3A_427 : i32
        %parallel_loop3A_429 = arith.index_cast %parallel_loop3A_428 : i32 to index
        %parallel_loop3A_430 = tpu.vector_load %arg12[%parallel_loop3A_429] {strides = array<i32>} : memref<25600xf32, #tpu.memory_space<vmem>>, vector<16xf32>,
        tpu.vector_store %arg12[%parallel_loop3A_429], %parallel_loop3A_424 {strides = array<i32>} : memref<25600xf32, #tpu.memory_space<vmem>>, vector<16xf32>,
        %parallel_loop3A_431 = vector.broadcast %parallel_loop3A_365 : f32 to vector<16xf32>
        %parallel_loop3A_432 = arith.subf %parallel_loop3A_345, %parallel_loop3A_431 : vector<16xf32>
        %parallel_loop3A_433 = vector.broadcast %parallel_loop3A_394 : f32 to vector<16xf32>
        %parallel_loop3A_434 = arith.mulf %parallel_loop3A_432, %parallel_loop3A_433 : vector<16xf32>
        %parallel_loop3A_435 = arith.mulf %parallel_loop3A_434, %get3A_9 : vector<16xf32>
        %parallel_loop3A_436 = arith.addf %parallel_loop3A_435, %get3A_17 : vector<16xf32>
        %parallel_loop3A_437 = arith.constant 64 : i32
        %parallel_loop3A_438 = arith.muli %parallel_loop3A_329, %parallel_loop3A_437 : i32
        %parallel_loop3A_439 = arith.constant 48 : i32
        %parallel_loop3A_440 = arith.addi %parallel_loop3A_438, %parallel_loop3A_439 : i32
        %parallel_loop3A_441 = arith.index_cast %parallel_loop3A_440 : i32 to index
        %parallel_loop3A_442 = tpu.vector_load %arg12[%parallel_loop3A_441] {strides = array<i32>} : memref<25600xf32, #tpu.memory_space<vmem>>, vector<16xf32>,
        tpu.vector_store %arg12[%parallel_loop3A_441], %parallel_loop3A_436 {strides = array<i32>} : memref<25600xf32, #tpu.memory_space<vmem>>, vector<16xf32>,
      } {sc.loop_unroll_factor = 2 : i64, sc.parallel_access}
      %mul3A_121 = arith.constant 2 : i32
      %mul3A_122 = arith.muli %add3A_78, %mul3A_121 : i32
      %add3A_123 = arith.addi %mul3A_2, %mul3A_122 : i32
      %mul3A_124 = arith.constant 200 : i32
      %mul3A_125 = arith.muli %add3A_123, %mul3A_124 : i32
      %mul3A_126 = arith.constant 64 : i32
      %mul3A_127 = arith.muli %mul3A_125, %mul3A_126 : i32
      %dma_start3A_128 = tpu.memref_slice %arg7[%mul3A_127] : memref<52428800xf32, #tpu.memory_space<hbm>> -> memref<25600xf32, #tpu.memory_space<hbm>>
      %dma_start3A_129 = tpu.memref_slice %arg7[%mul3A_127] : memref<52428800xf32, #tpu.memory_space<hbm>> -> memref<25600xf32, #tpu.memory_space<hbm>>
      tpu.enqueue_dma source(%arg12 : memref<25600xf32, #tpu.memory_space<vmem>>) target(%dma_start3A_129 : memref<25600xf32, #tpu.memory_space<hbm>>) target_semaphore(%arg19 : memref<!tpu.dma_semaphore, #tpu.memory_space<semaphore_mem>>)
      %add3A_130 = arith.constant 1 : i32
      %add3A_131 = arith.addi %add3A_76, %add3A_130 : i32
      %add3A_132 = arith.constant 1 : i32
      %add3A_133 = arith.addi %add3A_131, %add3A_132 : i32
      %lt3A_134 = arith.constant 64 : i32
      %lt3A_135 = arith.cmpi slt, %add3A_133, %lt3A_134 : i32
      %convert_element_type3A_136 = arith.extui %lt3A_135 : i1 to i32
      %cond3A_137 = arith.constant 0 : i32
      %cond3A_138 = arith.cmpi ne, %convert_element_type3A_136, %cond3A_137 : i32
      scf.if %cond3A_138 {
        %add3A_188 = arith.constant 1 : i32
        %add3A_189 = arith.addi %add3A_131, %add3A_188 : i32
        %mul3A_190 = arith.constant 2 : i32
        %mul3A_191 = arith.muli %add3A_189, %mul3A_190 : i32
        %add3A_192 = arith.addi %mul3A_2, %mul3A_191 : i32
        %mul3A_193 = arith.constant 200 : i32
        %mul3A_194 = arith.muli %add3A_192, %mul3A_193 : i32
        "tpu.region"() ({
          %run_scoped3A = tpu.sem_alloc : memref<!tpu.dma_semaphore, #tpu.memory_space<semaphore_mem>>
          %dma_start3A_227 = tpu.memref_slice %arg2[%mul3A_194] : memref<819200xi32, #tpu.memory_space<hbm>> -> memref<400xi32, #tpu.memory_space<hbm>>
          %dma_start3A_228 = tpu.memref_slice %arg2[%mul3A_194] : memref<819200xi32, #tpu.memory_space<hbm>> -> memref<400xi32, #tpu.memory_space<hbm>>
          tpu.enqueue_dma source(%dma_start3A_228 : memref<400xi32, #tpu.memory_space<hbm>>) target(%arg8 : memref<400xi32, #tpu.memory_space<vmem>>) target_semaphore(%run_scoped3A : memref<!tpu.dma_semaphore, #tpu.memory_space<semaphore_mem>>)
          %dma_wait3A_229 = tpu.memref_slice %arg2[%mul3A_194] : memref<819200xi32, #tpu.memory_space<hbm>> -> memref<400xi32, #tpu.memory_space<hbm>>
          %dma_wait3A_230 = tpu.memref_slice %arg2[%mul3A_194] : memref<819200xi32, #tpu.memory_space<hbm>> -> memref<400xi32, #tpu.memory_space<hbm>>
          tpu.wait_dma2 semaphore(%run_scoped3A : memref<!tpu.dma_semaphore, #tpu.memory_space<semaphore_mem>>) src(%dma_wait3A_230 : memref<400xi32, #tpu.memory_space<hbm>>) dst(%arg8 : memref<400xi32, #tpu.memory_space<vmem>>)
          tpu.yield
        }) : () -> ()
        %dma_start3A_195 = arith.constant 0 : i32
        %dma_start3A_196 = arith.constant 0 : i32
        %dma_start3A_197 = tpu.memref_slice %arg10[%dma_start3A_195, %dma_start3A_196] : memref<400x64xf32, #tpu.memory_space<vmem>> -> memref<128x64xf32, #tpu.memory_space<vmem>>
        %dma_start3A_198 = arith.constant 0 : i32
        %dma_start3A_199 = tpu.memref_slice %arg8[%dma_start3A_198] : memref<400xi32, #tpu.memory_space<vmem>> -> memref<128xi32, #tpu.memory_space<vmem>>
        %dma_start3A_200 = arith.constant 0 : i32
        %dma_start3A_201 = arith.constant 0 : i32
        %dma_start3A_202 = tpu.memref_slice %arg3[%dma_start3A_200, %dma_start3A_201] : memref<100000x64xf32, #tpu.memory_space<hbm>> -> memref<100000x64xf32, #tpu.memory_space<hbm>>
        tpu.enqueue_indirect_dma source(%dma_start3A_202 : memref<100000x64xf32, #tpu.memory_space<hbm>>) target(%dma_start3A_197 : memref<128x64xf32, #tpu.memory_space<vmem>>) offsets(%dma_start3A_199 : memref<128xi32, #tpu.memory_space<vmem>>) semaphore(%arg17 : memref<!tpu.dma_semaphore, #tpu.memory_space<semaphore_mem>>)
        %dma_start3A_203 = arith.constant 128 : i32
        %dma_start3A_204 = arith.constant 0 : i32
        %dma_start3A_205 = tpu.memref_slice %arg10[%dma_start3A_203, %dma_start3A_204] : memref<400x64xf32, #tpu.memory_space<vmem>> -> memref<72x64xf32, #tpu.memory_space<vmem>>
        %dma_start3A_206 = arith.constant 128 : i32
        %dma_start3A_207 = tpu.memref_slice %arg8[%dma_start3A_206] : memref<400xi32, #tpu.memory_space<vmem>> -> memref<72xi32, #tpu.memory_space<vmem>>
        %dma_start3A_208 = arith.constant 0 : i32
        %dma_start3A_209 = arith.constant 0 : i32
        %dma_start3A_210 = tpu.memref_slice %arg3[%dma_start3A_208, %dma_start3A_209] : memref<100000x64xf32, #tpu.memory_space<hbm>> -> memref<100000x64xf32, #tpu.memory_space<hbm>>
        tpu.enqueue_indirect_dma source(%dma_start3A_210 : memref<100000x64xf32, #tpu.memory_space<hbm>>) target(%dma_start3A_205 : memref<72x64xf32, #tpu.memory_space<vmem>>) offsets(%dma_start3A_207 : memref<72xi32, #tpu.memory_space<vmem>>) semaphore(%arg17 : memref<!tpu.dma_semaphore, #tpu.memory_space<semaphore_mem>>)
        %dma_start3A_211 = arith.constant 200 : i32
        %dma_start3A_212 = arith.constant 0 : i32
        %dma_start3A_213 = tpu.memref_slice %arg10[%dma_start3A_211, %dma_start3A_212] : memref<400x64xf32, #tpu.memory_space<vmem>> -> memref<128x64xf32, #tpu.memory_space<vmem>>
        %dma_start3A_214 = arith.constant 200 : i32
        %dma_start3A_215 = tpu.memref_slice %arg8[%dma_start3A_214] : memref<400xi32, #tpu.memory_space<vmem>> -> memref<128xi32, #tpu.memory_space<vmem>>
        %dma_start3A_216 = arith.constant 0 : i32
        %dma_start3A_217 = arith.constant 0 : i32
        %dma_start3A_218 = tpu.memref_slice %arg3[%dma_start3A_216, %dma_start3A_217] : memref<100000x64xf32, #tpu.memory_space<hbm>> -> memref<100000x64xf32, #tpu.memory_space<hbm>>
        tpu.enqueue_indirect_dma source(%dma_start3A_218 : memref<100000x64xf32, #tpu.memory_space<hbm>>) target(%dma_start3A_213 : memref<128x64xf32, #tpu.memory_space<vmem>>) offsets(%dma_start3A_215 : memref<128xi32, #tpu.memory_space<vmem>>) semaphore(%arg17 : memref<!tpu.dma_semaphore, #tpu.memory_space<semaphore_mem>>)
        %dma_start3A_219 = arith.constant 328 : i32
        %dma_start3A_220 = arith.constant 0 : i32
        %dma_start3A_221 = tpu.memref_slice %arg10[%dma_start3A_219, %dma_start3A_220] : memref<400x64xf32, #tpu.memory_space<vmem>> -> memref<72x64xf32, #tpu.memory_space<vmem>>
        %dma_start3A_222 = arith.constant 328 : i32
        %dma_start3A_223 = tpu.memref_slice %arg8[%dma_start3A_222] : memref<400xi32, #tpu.memory_space<vmem>> -> memref<72xi32, #tpu.memory_space<vmem>>
        %dma_start3A_224 = arith.constant 0 : i32
        %dma_start3A_225 = arith.constant 0 : i32
        %dma_start3A_226 = tpu.memref_slice %arg3[%dma_start3A_224, %dma_start3A_225] : memref<100000x64xf32, #tpu.memory_space<hbm>> -> memref<100000x64xf32, #tpu.memory_space<hbm>>
        tpu.enqueue_indirect_dma source(%dma_start3A_226 : memref<100000x64xf32, #tpu.memory_space<hbm>>) target(%dma_start3A_221 : memref<72x64xf32, #tpu.memory_space<vmem>>) offsets(%dma_start3A_223 : memref<72xi32, #tpu.memory_space<vmem>>) semaphore(%arg17 : memref<!tpu.dma_semaphore, #tpu.memory_space<semaphore_mem>>)
      } else {
      }
      %dma_wait3A_139 = arith.constant 0 : i32
      %dma_wait3A_140 = arith.constant 0 : i32
      %dma_wait3A_141 = tpu.memref_slice %arg11[%dma_wait3A_139, %dma_wait3A_140] : memref<400x64xf32, #tpu.memory_space<vmem>> -> memref<128x64xf32, #tpu.memory_space<vmem>>
      %dma_wait3A_142 = arith.constant 0 : i32
      %dma_wait3A_143 = tpu.memref_slice %arg9[%dma_wait3A_142] : memref<400xi32, #tpu.memory_space<vmem>> -> memref<128xi32, #tpu.memory_space<vmem>>
      %dma_wait3A_144 = arith.constant 0 : i32
      %dma_wait3A_145 = arith.constant 0 : i32
      %dma_wait3A_146 = tpu.memref_slice %arg3[%dma_wait3A_144, %dma_wait3A_145] : memref<100000x64xf32, #tpu.memory_space<hbm>> -> memref<100000x64xf32, #tpu.memory_space<hbm>>
      tpu.wait_indirect_dma semaphore(%arg18 : memref<!tpu.dma_semaphore, #tpu.memory_space<semaphore_mem>>) src(%dma_wait3A_146 : memref<100000x64xf32, #tpu.memory_space<hbm>>) dst(%dma_wait3A_141 : memref<128x64xf32, #tpu.memory_space<vmem>>)
      %dma_wait3A_147 = arith.constant 128 : i32
      %dma_wait3A_148 = arith.constant 0 : i32
      %dma_wait3A_149 = tpu.memref_slice %arg11[%dma_wait3A_147, %dma_wait3A_148] : memref<400x64xf32, #tpu.memory_space<vmem>> -> memref<72x64xf32, #tpu.memory_space<vmem>>
      %dma_wait3A_150 = arith.constant 128 : i32
      %dma_wait3A_151 = tpu.memref_slice %arg9[%dma_wait3A_150] : memref<400xi32, #tpu.memory_space<vmem>> -> memref<72xi32, #tpu.memory_space<vmem>>
      %dma_wait3A_152 = arith.constant 0 : i32
      %dma_wait3A_153 = arith.constant 0 : i32
      %dma_wait3A_154 = tpu.memref_slice %arg3[%dma_wait3A_152, %dma_wait3A_153] : memref<100000x64xf32, #tpu.memory_space<hbm>> -> memref<100000x64xf32, #tpu.memory_space<hbm>>
      tpu.wait_indirect_dma semaphore(%arg18 : memref<!tpu.dma_semaphore, #tpu.memory_space<semaphore_mem>>) src(%dma_wait3A_154 : memref<100000x64xf32, #tpu.memory_space<hbm>>) dst(%dma_wait3A_149 : memref<72x64xf32, #tpu.memory_space<vmem>>)
      %dma_wait3A_155 = arith.constant 200 : i32
      %dma_wait3A_156 = arith.constant 0 : i32
      %dma_wait3A_157 = tpu.memref_slice %arg11[%dma_wait3A_155, %dma_wait3A_156] : memref<400x64xf32, #tpu.memory_space<vmem>> -> memref<128x64xf32, #tpu.memory_space<vmem>>
      %dma_wait3A_158 = arith.constant 200 : i32
      %dma_wait3A_159 = tpu.memref_slice %arg9[%dma_wait3A_158] : memref<400xi32, #tpu.memory_space<vmem>> -> memref<128xi32, #tpu.memory_space<vmem>>
      %dma_wait3A_160 = arith.constant 0 : i32
      %dma_wait3A_161 = arith.constant 0 : i32
      %dma_wait3A_162 = tpu.memref_slice %arg3[%dma_wait3A_160, %dma_wait3A_161] : memref<100000x64xf32, #tpu.memory_space<hbm>> -> memref<100000x64xf32, #tpu.memory_space<hbm>>
      tpu.wait_indirect_dma semaphore(%arg18 : memref<!tpu.dma_semaphore, #tpu.memory_space<semaphore_mem>>) src(%dma_wait3A_162 : memref<100000x64xf32, #tpu.memory_space<hbm>>) dst(%dma_wait3A_157 : memref<128x64xf32, #tpu.memory_space<vmem>>)
      %dma_wait3A_163 = arith.constant 328 : i32
      %dma_wait3A_164 = arith.constant 0 : i32
      %dma_wait3A_165 = tpu.memref_slice %arg11[%dma_wait3A_163, %dma_wait3A_164] : memref<400x64xf32, #tpu.memory_space<vmem>> -> memref<72x64xf32, #tpu.memory_space<vmem>>
      %dma_wait3A_166 = arith.constant 328 : i32
      %dma_wait3A_167 = tpu.memref_slice %arg9[%dma_wait3A_166] : memref<400xi32, #tpu.memory_space<vmem>> -> memref<72xi32, #tpu.memory_space<vmem>>
      %dma_wait3A_168 = arith.constant 0 : i32
      %dma_wait3A_169 = arith.constant 0 : i32
      %dma_wait3A_170 = tpu.memref_slice %arg3[%dma_wait3A_168, %dma_wait3A_169] : memref<100000x64xf32, #tpu.memory_space<hbm>> -> memref<100000x64xf32, #tpu.memory_space<hbm>>
      tpu.wait_indirect_dma semaphore(%arg18 : memref<!tpu.dma_semaphore, #tpu.memory_space<semaphore_mem>>) src(%dma_wait3A_170 : memref<100000x64xf32, #tpu.memory_space<hbm>>) dst(%dma_wait3A_165 : memref<72x64xf32, #tpu.memory_space<vmem>>)
      %ge3A_171 = arith.constant 2 : i32
      %ge3A_172 = arith.cmpi sge, %add3A_131, %ge3A_171 : i32
      %convert_element_type3A_173 = arith.extui %ge3A_172 : i1 to i32
      %cond3A_174 = arith.constant 0 : i32
      %cond3A_175 = arith.cmpi ne, %convert_element_type3A_173, %cond3A_174 : i32
      scf.if %cond3A_175 {
        %add3A_188 = arith.constant 0 : i32
        %add3A_189 = arith.addi %mul3A_2, %add3A_188 : i32
        %mul3A_190 = arith.constant 200 : i32
        %mul3A_191 = arith.muli %add3A_189, %mul3A_190 : i32
        %mul3A_192 = arith.constant 64 : i32
        %mul3A_193 = arith.muli %mul3A_191, %mul3A_192 : i32
        %dma_wait3A_194 = tpu.memref_slice %arg7[%mul3A_193] : memref<52428800xf32, #tpu.memory_space<hbm>> -> memref<25600xf32, #tpu.memory_space<hbm>>
        %dma_wait3A_195 = tpu.memref_slice %arg7[%mul3A_193] : memref<52428800xf32, #tpu.memory_space<hbm>> -> memref<25600xf32, #tpu.memory_space<hbm>>
        tpu.wait_dma2 semaphore(%arg20 : memref<!tpu.dma_semaphore, #tpu.memory_space<semaphore_mem>>) src(%arg13 : memref<25600xf32, #tpu.memory_space<vmem>>) dst(%dma_wait3A_195 : memref<25600xf32, #tpu.memory_space<hbm>>)
      } else {
      }
      %parallel_loop3A_176 = arith.constant 0 : i32
      %parallel_loop3A_177 = arith.constant 200 : i32
      %parallel_loop3A_178 = arith.constant 1 : i32
      scf.for %parallel_loop3A_188 = %parallel_loop3A_176 to %parallel_loop3A_177 step %parallel_loop3A_178  : i32 {
        %parallel_loop3A_189 = arith.constant 64 : i32
        %parallel_loop3A_190 = arith.muli %parallel_loop3A_188, %parallel_loop3A_189 : i32
        %parallel_loop3A_191 = arith.constant 0 : i32
        %parallel_loop3A_192 = arith.addi %parallel_loop3A_190, %parallel_loop3A_191 : i32
        %parallel_loop3A_193 = arith.index_cast %parallel_loop3A_192 : i32 to index
        %parallel_loop3A_194 = tpu.vector_load %arg14[%parallel_loop3A_193] {strides = array<i32>} : memref<12800xf32, #tpu.memory_space<vmem>>, vector<16xf32>,
        %parallel_loop3A_195 = arith.constant 64 : i32
        %parallel_loop3A_196 = arith.muli %parallel_loop3A_188, %parallel_loop3A_195 : i32
        %parallel_loop3A_197 = arith.constant 16 : i32
        %parallel_loop3A_198 = arith.addi %parallel_loop3A_196, %parallel_loop3A_197 : i32
        %parallel_loop3A_199 = arith.index_cast %parallel_loop3A_198 : i32 to index
        %parallel_loop3A_200 = tpu.vector_load %arg14[%parallel_loop3A_199] {strides = array<i32>} : memref<12800xf32, #tpu.memory_space<vmem>>, vector<16xf32>,
        %parallel_loop3A_201 = arith.constant 64 : i32
        %parallel_loop3A_202 = arith.muli %parallel_loop3A_188, %parallel_loop3A_201 : i32
        %parallel_loop3A_203 = arith.constant 32 : i32
        %parallel_loop3A_204 = arith.addi %parallel_loop3A_202, %parallel_loop3A_203 : i32
        %parallel_loop3A_205 = arith.index_cast %parallel_loop3A_204 : i32 to index
        %parallel_loop3A_206 = tpu.vector_load %arg14[%parallel_loop3A_205] {strides = array<i32>} : memref<12800xf32, #tpu.memory_space<vmem>>, vector<16xf32>,
        %parallel_loop3A_207 = arith.constant 64 : i32
        %parallel_loop3A_208 = arith.muli %parallel_loop3A_188, %parallel_loop3A_207 : i32
        %parallel_loop3A_209 = arith.constant 48 : i32
        %parallel_loop3A_210 = arith.addi %parallel_loop3A_208, %parallel_loop3A_209 : i32
        %parallel_loop3A_211 = arith.index_cast %parallel_loop3A_210 : i32 to index
        %parallel_loop3A_212 = tpu.vector_load %arg14[%parallel_loop3A_211] {strides = array<i32>} : memref<12800xf32, #tpu.memory_space<vmem>>, vector<16xf32>,
        %parallel_loop3A_213 = arith.constant 0 : i32
        %parallel_loop3A_214 = arith.addi %parallel_loop3A_213, %parallel_loop3A_188 : i32
        %parallel_loop3A_215 = arith.index_cast %parallel_loop3A_214 : i32 to index
        %parallel_loop3A_216 = arith.constant 0 : index
        %parallel_loop3A_217 = tpu.vector_load %arg11[%parallel_loop3A_215, %parallel_loop3A_216] {strides = array<i32>} : memref<400x64xf32, #tpu.memory_space<vmem>>, vector<16xf32>,
        %parallel_loop3A_218 = arith.addf %parallel_loop3A_217, %parallel_loop3A_194 : vector<16xf32>
        %parallel_loop3A_219 = arith.index_cast %parallel_loop3A_214 : i32 to index
        %parallel_loop3A_220 = arith.constant 16 : index
        %parallel_loop3A_221 = tpu.vector_load %arg11[%parallel_loop3A_219, %parallel_loop3A_220] {strides = array<i32>} : memref<400x64xf32, #tpu.memory_space<vmem>>, vector<16xf32>,
        %parallel_loop3A_222 = arith.addf %parallel_loop3A_221, %parallel_loop3A_200 : vector<16xf32>
        %parallel_loop3A_223 = arith.index_cast %parallel_loop3A_214 : i32 to index
        %parallel_loop3A_224 = arith.constant 32 : index
        %parallel_loop3A_225 = tpu.vector_load %arg11[%parallel_loop3A_223, %parallel_loop3A_224] {strides = array<i32>} : memref<400x64xf32, #tpu.memory_space<vmem>>, vector<16xf32>,
        %parallel_loop3A_226 = arith.addf %parallel_loop3A_225, %parallel_loop3A_206 : vector<16xf32>
        %parallel_loop3A_227 = arith.index_cast %parallel_loop3A_214 : i32 to index
        %parallel_loop3A_228 = arith.constant 48 : index
        %parallel_loop3A_229 = tpu.vector_load %arg11[%parallel_loop3A_227, %parallel_loop3A_228] {strides = array<i32>} : memref<400x64xf32, #tpu.memory_space<vmem>>, vector<16xf32>,
        %parallel_loop3A_230 = arith.addf %parallel_loop3A_229, %parallel_loop3A_212 : vector<16xf32>
        %parallel_loop3A_231 = arith.addf %parallel_loop3A_218, %parallel_loop3A_222 : vector<16xf32>
        %parallel_loop3A_232 = arith.addf %parallel_loop3A_226, %parallel_loop3A_230 : vector<16xf32>
        %parallel_loop3A_233 = arith.addf %parallel_loop3A_231, %parallel_loop3A_232 : vector<16xf32>
        %parallel_loop3A_234 = arith.constant true
        %parallel_loop3A_235 = vector.broadcast %parallel_loop3A_234 : i1 to vector<16xi1>
        %parallel_loop3A_236 = tpu.scan <sum>, %parallel_loop3A_233 masked %parallel_loop3A_235 : vector<16xf32>, vector<16xi1> -> vector<16xf32>
        %parallel_loop3A_237 = vector.extract %parallel_loop3A_236[15] : f32 from vector<16xf32>
        %parallel_loop3A_238 = arith.mulf %parallel_loop3A_218, %parallel_loop3A_218 : vector<16xf32>
        %parallel_loop3A_239 = arith.mulf %parallel_loop3A_222, %parallel_loop3A_222 : vector<16xf32>
        %parallel_loop3A_240 = arith.addf %parallel_loop3A_238, %parallel_loop3A_239 : vector<16xf32>
        %parallel_loop3A_241 = arith.mulf %parallel_loop3A_226, %parallel_loop3A_226 : vector<16xf32>
        %parallel_loop3A_242 = arith.mulf %parallel_loop3A_230, %parallel_loop3A_230 : vector<16xf32>
        %parallel_loop3A_243 = arith.addf %parallel_loop3A_241, %parallel_loop3A_242 : vector<16xf32>
        %parallel_loop3A_244 = arith.addf %parallel_loop3A_240, %parallel_loop3A_243 : vector<16xf32>
        %parallel_loop3A_245 = arith.constant true
        %parallel_loop3A_246 = vector.broadcast %parallel_loop3A_245 : i1 to vector<16xi1>
        %parallel_loop3A_247 = tpu.scan <sum>, %parallel_loop3A_244 masked %parallel_loop3A_246 : vector<16xf32>, vector<16xi1> -> vector<16xf32>
        %parallel_loop3A_248 = vector.extract %parallel_loop3A_247[15] : f32 from vector<16xf32>
        %parallel_loop3A_249 = arith.constant 1.562500e-02 : f32
        %parallel_loop3A_250 = arith.mulf %parallel_loop3A_237, %parallel_loop3A_249 : f32
        %parallel_loop3A_251 = arith.constant 1.562500e-02 : f32
        %parallel_loop3A_252 = arith.mulf %parallel_loop3A_248, %parallel_loop3A_251 : f32
        %parallel_loop3A_253 = arith.mulf %parallel_loop3A_250, %parallel_loop3A_250 : f32
        %parallel_loop3A_254 = arith.subf %parallel_loop3A_252, %parallel_loop3A_253 : f32
        %parallel_loop3A_255 = arith.constant 9.99999974E-6 : f32
        %parallel_loop3A_256 = arith.addf %parallel_loop3A_254, %parallel_loop3A_255 : f32
        %parallel_loop3A_257 = arith.bitcast %parallel_loop3A_256 : f32 to i32
        %parallel_loop3A_258 = arith.constant 1 : i32
        %parallel_loop3A_259 = arith.shrui %parallel_loop3A_257, %parallel_loop3A_258 : i32
        %parallel_loop3A_260 = arith.constant 1597463007 : i32
        %parallel_loop3A_261 = arith.subi %parallel_loop3A_260, %parallel_loop3A_259 : i32
        %parallel_loop3A_262 = arith.bitcast %parallel_loop3A_261 : i32 to f32
        %parallel_loop3A_263 = arith.constant 5.000000e-01 : f32
        %parallel_loop3A_264 = arith.mulf %parallel_loop3A_263, %parallel_loop3A_256 : f32
        %parallel_loop3A_265 = arith.mulf %parallel_loop3A_264, %parallel_loop3A_262 : f32
        %parallel_loop3A_266 = arith.mulf %parallel_loop3A_265, %parallel_loop3A_262 : f32
        %parallel_loop3A_267 = arith.constant 1.500000e+00 : f32
        %parallel_loop3A_268 = arith.subf %parallel_loop3A_267, %parallel_loop3A_266 : f32
        %parallel_loop3A_269 = arith.mulf %parallel_loop3A_262, %parallel_loop3A_268 : f32
        %parallel_loop3A_270 = arith.mulf %parallel_loop3A_264, %parallel_loop3A_269 : f32
        %parallel_loop3A_271 = arith.mulf %parallel_loop3A_270, %parallel_loop3A_269 : f32
        %parallel_loop3A_272 = arith.constant 1.500000e+00 : f32
        %parallel_loop3A_273 = arith.subf %parallel_loop3A_272, %parallel_loop3A_271 : f32
        %parallel_loop3A_274 = arith.mulf %parallel_loop3A_269, %parallel_loop3A_273 : f32
        %parallel_loop3A_275 = arith.mulf %parallel_loop3A_264, %parallel_loop3A_274 : f32
        %parallel_loop3A_276 = arith.mulf %parallel_loop3A_275, %parallel_loop3A_274 : f32
        %parallel_loop3A_277 = arith.constant 1.500000e+00 : f32
        %parallel_loop3A_278 = arith.subf %parallel_loop3A_277, %parallel_loop3A_276 : f32
        %parallel_loop3A_279 = arith.mulf %parallel_loop3A_274, %parallel_loop3A_278 : f32
        %parallel_loop3A_280 = vector.broadcast %parallel_loop3A_250 : f32 to vector<16xf32>
        %parallel_loop3A_281 = arith.subf %parallel_loop3A_218, %parallel_loop3A_280 : vector<16xf32>
        %parallel_loop3A_282 = vector.broadcast %parallel_loop3A_279 : f32 to vector<16xf32>
        %parallel_loop3A_283 = arith.mulf %parallel_loop3A_281, %parallel_loop3A_282 : vector<16xf32>
        %parallel_loop3A_284 = arith.mulf %parallel_loop3A_283, %get3A_3 : vector<16xf32>
        %parallel_loop3A_285 = arith.addf %parallel_loop3A_284, %get3A_11 : vector<16xf32>
        %parallel_loop3A_286 = arith.constant 64 : i32
        %parallel_loop3A_287 = arith.muli %parallel_loop3A_214, %parallel_loop3A_286 : i32
        %parallel_loop3A_288 = arith.constant 0 : i32
        %parallel_loop3A_289 = arith.addi %parallel_loop3A_287, %parallel_loop3A_288 : i32
        %parallel_loop3A_290 = arith.index_cast %parallel_loop3A_289 : i32 to index
        %parallel_loop3A_291 = tpu.vector_load %arg13[%parallel_loop3A_290] {strides = array<i32>} : memref<25600xf32, #tpu.memory_space<vmem>>, vector<16xf32>,
        tpu.vector_store %arg13[%parallel_loop3A_290], %parallel_loop3A_285 {strides = array<i32>} : memref<25600xf32, #tpu.memory_space<vmem>>, vector<16xf32>,
        %parallel_loop3A_292 = vector.broadcast %parallel_loop3A_250 : f32 to vector<16xf32>
        %parallel_loop3A_293 = arith.subf %parallel_loop3A_222, %parallel_loop3A_292 : vector<16xf32>
        %parallel_loop3A_294 = vector.broadcast %parallel_loop3A_279 : f32 to vector<16xf32>
        %parallel_loop3A_295 = arith.mulf %parallel_loop3A_293, %parallel_loop3A_294 : vector<16xf32>
        %parallel_loop3A_296 = arith.mulf %parallel_loop3A_295, %get3A_5 : vector<16xf32>
        %parallel_loop3A_297 = arith.addf %parallel_loop3A_296, %get3A_13 : vector<16xf32>
        %parallel_loop3A_298 = arith.constant 64 : i32
        %parallel_loop3A_299 = arith.muli %parallel_loop3A_214, %parallel_loop3A_298 : i32
        %parallel_loop3A_300 = arith.constant 16 : i32
        %parallel_loop3A_301 = arith.addi %parallel_loop3A_299, %parallel_loop3A_300 : i32
        %parallel_loop3A_302 = arith.index_cast %parallel_loop3A_301 : i32 to index
        %parallel_loop3A_303 = tpu.vector_load %arg13[%parallel_loop3A_302] {strides = array<i32>} : memref<25600xf32, #tpu.memory_space<vmem>>, vector<16xf32>,
        tpu.vector_store %arg13[%parallel_loop3A_302], %parallel_loop3A_297 {strides = array<i32>} : memref<25600xf32, #tpu.memory_space<vmem>>, vector<16xf32>,
        %parallel_loop3A_304 = vector.broadcast %parallel_loop3A_250 : f32 to vector<16xf32>
        %parallel_loop3A_305 = arith.subf %parallel_loop3A_226, %parallel_loop3A_304 : vector<16xf32>
        %parallel_loop3A_306 = vector.broadcast %parallel_loop3A_279 : f32 to vector<16xf32>
        %parallel_loop3A_307 = arith.mulf %parallel_loop3A_305, %parallel_loop3A_306 : vector<16xf32>
        %parallel_loop3A_308 = arith.mulf %parallel_loop3A_307, %get3A_7 : vector<16xf32>
        %parallel_loop3A_309 = arith.addf %parallel_loop3A_308, %get3A_15 : vector<16xf32>
        %parallel_loop3A_310 = arith.constant 64 : i32
        %parallel_loop3A_311 = arith.muli %parallel_loop3A_214, %parallel_loop3A_310 : i32
        %parallel_loop3A_312 = arith.constant 32 : i32
        %parallel_loop3A_313 = arith.addi %parallel_loop3A_311, %parallel_loop3A_312 : i32
        %parallel_loop3A_314 = arith.index_cast %parallel_loop3A_313 : i32 to index
        %parallel_loop3A_315 = tpu.vector_load %arg13[%parallel_loop3A_314] {strides = array<i32>} : memref<25600xf32, #tpu.memory_space<vmem>>, vector<16xf32>,
        tpu.vector_store %arg13[%parallel_loop3A_314], %parallel_loop3A_309 {strides = array<i32>} : memref<25600xf32, #tpu.memory_space<vmem>>, vector<16xf32>,
        %parallel_loop3A_316 = vector.broadcast %parallel_loop3A_250 : f32 to vector<16xf32>
        %parallel_loop3A_317 = arith.subf %parallel_loop3A_230, %parallel_loop3A_316 : vector<16xf32>
        %parallel_loop3A_318 = vector.broadcast %parallel_loop3A_279 : f32 to vector<16xf32>
        %parallel_loop3A_319 = arith.mulf %parallel_loop3A_317, %parallel_loop3A_318 : vector<16xf32>
        %parallel_loop3A_320 = arith.mulf %parallel_loop3A_319, %get3A_9 : vector<16xf32>
        %parallel_loop3A_321 = arith.addf %parallel_loop3A_320, %get3A_17 : vector<16xf32>
        %parallel_loop3A_322 = arith.constant 64 : i32
        %parallel_loop3A_323 = arith.muli %parallel_loop3A_214, %parallel_loop3A_322 : i32
        %parallel_loop3A_324 = arith.constant 48 : i32
        %parallel_loop3A_325 = arith.addi %parallel_loop3A_323, %parallel_loop3A_324 : i32
        %parallel_loop3A_326 = arith.index_cast %parallel_loop3A_325 : i32 to index
        %parallel_loop3A_327 = tpu.vector_load %arg13[%parallel_loop3A_326] {strides = array<i32>} : memref<25600xf32, #tpu.memory_space<vmem>>, vector<16xf32>,
        tpu.vector_store %arg13[%parallel_loop3A_326], %parallel_loop3A_321 {strides = array<i32>} : memref<25600xf32, #tpu.memory_space<vmem>>, vector<16xf32>,
        %parallel_loop3A_328 = arith.constant 200 : i32
        %parallel_loop3A_329 = arith.addi %parallel_loop3A_328, %parallel_loop3A_188 : i32
        %parallel_loop3A_330 = arith.index_cast %parallel_loop3A_329 : i32 to index
        %parallel_loop3A_331 = arith.constant 0 : index
        %parallel_loop3A_332 = tpu.vector_load %arg11[%parallel_loop3A_330, %parallel_loop3A_331] {strides = array<i32>} : memref<400x64xf32, #tpu.memory_space<vmem>>, vector<16xf32>,
        %parallel_loop3A_333 = arith.addf %parallel_loop3A_332, %parallel_loop3A_194 : vector<16xf32>
        %parallel_loop3A_334 = arith.index_cast %parallel_loop3A_329 : i32 to index
        %parallel_loop3A_335 = arith.constant 16 : index
        %parallel_loop3A_336 = tpu.vector_load %arg11[%parallel_loop3A_334, %parallel_loop3A_335] {strides = array<i32>} : memref<400x64xf32, #tpu.memory_space<vmem>>, vector<16xf32>,
        %parallel_loop3A_337 = arith.addf %parallel_loop3A_336, %parallel_loop3A_200 : vector<16xf32>
        %parallel_loop3A_338 = arith.index_cast %parallel_loop3A_329 : i32 to index
        %parallel_loop3A_339 = arith.constant 32 : index
        %parallel_loop3A_340 = tpu.vector_load %arg11[%parallel_loop3A_338, %parallel_loop3A_339] {strides = array<i32>} : memref<400x64xf32, #tpu.memory_space<vmem>>, vector<16xf32>,
        %parallel_loop3A_341 = arith.addf %parallel_loop3A_340, %parallel_loop3A_206 : vector<16xf32>
        %parallel_loop3A_342 = arith.index_cast %parallel_loop3A_329 : i32 to index
        %parallel_loop3A_343 = arith.constant 48 : index
        %parallel_loop3A_344 = tpu.vector_load %arg11[%parallel_loop3A_342, %parallel_loop3A_343] {strides = array<i32>} : memref<400x64xf32, #tpu.memory_space<vmem>>, vector<16xf32>,
        %parallel_loop3A_345 = arith.addf %parallel_loop3A_344, %parallel_loop3A_212 : vector<16xf32>
        %parallel_loop3A_346 = arith.addf %parallel_loop3A_333, %parallel_loop3A_337 : vector<16xf32>
        %parallel_loop3A_347 = arith.addf %parallel_loop3A_341, %parallel_loop3A_345 : vector<16xf32>
        %parallel_loop3A_348 = arith.addf %parallel_loop3A_346, %parallel_loop3A_347 : vector<16xf32>
        %parallel_loop3A_349 = arith.constant true
        %parallel_loop3A_350 = vector.broadcast %parallel_loop3A_349 : i1 to vector<16xi1>
        %parallel_loop3A_351 = tpu.scan <sum>, %parallel_loop3A_348 masked %parallel_loop3A_350 : vector<16xf32>, vector<16xi1> -> vector<16xf32>
        %parallel_loop3A_352 = vector.extract %parallel_loop3A_351[15] : f32 from vector<16xf32>
        %parallel_loop3A_353 = arith.mulf %parallel_loop3A_333, %parallel_loop3A_333 : vector<16xf32>
        %parallel_loop3A_354 = arith.mulf %parallel_loop3A_337, %parallel_loop3A_337 : vector<16xf32>
        %parallel_loop3A_355 = arith.addf %parallel_loop3A_353, %parallel_loop3A_354 : vector<16xf32>
        %parallel_loop3A_356 = arith.mulf %parallel_loop3A_341, %parallel_loop3A_341 : vector<16xf32>
        %parallel_loop3A_357 = arith.mulf %parallel_loop3A_345, %parallel_loop3A_345 : vector<16xf32>
        %parallel_loop3A_358 = arith.addf %parallel_loop3A_356, %parallel_loop3A_357 : vector<16xf32>
        %parallel_loop3A_359 = arith.addf %parallel_loop3A_355, %parallel_loop3A_358 : vector<16xf32>
        %parallel_loop3A_360 = arith.constant true
        %parallel_loop3A_361 = vector.broadcast %parallel_loop3A_360 : i1 to vector<16xi1>
        %parallel_loop3A_362 = tpu.scan <sum>, %parallel_loop3A_359 masked %parallel_loop3A_361 : vector<16xf32>, vector<16xi1> -> vector<16xf32>
        %parallel_loop3A_363 = vector.extract %parallel_loop3A_362[15] : f32 from vector<16xf32>
        %parallel_loop3A_364 = arith.constant 1.562500e-02 : f32
        %parallel_loop3A_365 = arith.mulf %parallel_loop3A_352, %parallel_loop3A_364 : f32
        %parallel_loop3A_366 = arith.constant 1.562500e-02 : f32
        %parallel_loop3A_367 = arith.mulf %parallel_loop3A_363, %parallel_loop3A_366 : f32
        %parallel_loop3A_368 = arith.mulf %parallel_loop3A_365, %parallel_loop3A_365 : f32
        %parallel_loop3A_369 = arith.subf %parallel_loop3A_367, %parallel_loop3A_368 : f32
        %parallel_loop3A_370 = arith.constant 9.99999974E-6 : f32
        %parallel_loop3A_371 = arith.addf %parallel_loop3A_369, %parallel_loop3A_370 : f32
        %parallel_loop3A_372 = arith.bitcast %parallel_loop3A_371 : f32 to i32
        %parallel_loop3A_373 = arith.constant 1 : i32
        %parallel_loop3A_374 = arith.shrui %parallel_loop3A_372, %parallel_loop3A_373 : i32
        %parallel_loop3A_375 = arith.constant 1597463007 : i32
        %parallel_loop3A_376 = arith.subi %parallel_loop3A_375, %parallel_loop3A_374 : i32
        %parallel_loop3A_377 = arith.bitcast %parallel_loop3A_376 : i32 to f32
        %parallel_loop3A_378 = arith.constant 5.000000e-01 : f32
        %parallel_loop3A_379 = arith.mulf %parallel_loop3A_378, %parallel_loop3A_371 : f32
        %parallel_loop3A_380 = arith.mulf %parallel_loop3A_379, %parallel_loop3A_377 : f32
        %parallel_loop3A_381 = arith.mulf %parallel_loop3A_380, %parallel_loop3A_377 : f32
        %parallel_loop3A_382 = arith.constant 1.500000e+00 : f32
        %parallel_loop3A_383 = arith.subf %parallel_loop3A_382, %parallel_loop3A_381 : f32
        %parallel_loop3A_384 = arith.mulf %parallel_loop3A_377, %parallel_loop3A_383 : f32
        %parallel_loop3A_385 = arith.mulf %parallel_loop3A_379, %parallel_loop3A_384 : f32
        %parallel_loop3A_386 = arith.mulf %parallel_loop3A_385, %parallel_loop3A_384 : f32
        %parallel_loop3A_387 = arith.constant 1.500000e+00 : f32
        %parallel_loop3A_388 = arith.subf %parallel_loop3A_387, %parallel_loop3A_386 : f32
        %parallel_loop3A_389 = arith.mulf %parallel_loop3A_384, %parallel_loop3A_388 : f32
        %parallel_loop3A_390 = arith.mulf %parallel_loop3A_379, %parallel_loop3A_389 : f32
        %parallel_loop3A_391 = arith.mulf %parallel_loop3A_390, %parallel_loop3A_389 : f32
        %parallel_loop3A_392 = arith.constant 1.500000e+00 : f32
        %parallel_loop3A_393 = arith.subf %parallel_loop3A_392, %parallel_loop3A_391 : f32
        %parallel_loop3A_394 = arith.mulf %parallel_loop3A_389, %parallel_loop3A_393 : f32
        %parallel_loop3A_395 = vector.broadcast %parallel_loop3A_365 : f32 to vector<16xf32>
        %parallel_loop3A_396 = arith.subf %parallel_loop3A_333, %parallel_loop3A_395 : vector<16xf32>
        %parallel_loop3A_397 = vector.broadcast %parallel_loop3A_394 : f32 to vector<16xf32>
        %parallel_loop3A_398 = arith.mulf %parallel_loop3A_396, %parallel_loop3A_397 : vector<16xf32>
        %parallel_loop3A_399 = arith.mulf %parallel_loop3A_398, %get3A_3 : vector<16xf32>
        %parallel_loop3A_400 = arith.addf %parallel_loop3A_399, %get3A_11 : vector<16xf32>
        %parallel_loop3A_401 = arith.constant 64 : i32
        %parallel_loop3A_402 = arith.muli %parallel_loop3A_329, %parallel_loop3A_401 : i32
        %parallel_loop3A_403 = arith.constant 0 : i32
        %parallel_loop3A_404 = arith.addi %parallel_loop3A_402, %parallel_loop3A_403 : i32
        %parallel_loop3A_405 = arith.index_cast %parallel_loop3A_404 : i32 to index
        %parallel_loop3A_406 = tpu.vector_load %arg13[%parallel_loop3A_405] {strides = array<i32>} : memref<25600xf32, #tpu.memory_space<vmem>>, vector<16xf32>,
        tpu.vector_store %arg13[%parallel_loop3A_405], %parallel_loop3A_400 {strides = array<i32>} : memref<25600xf32, #tpu.memory_space<vmem>>, vector<16xf32>,
        %parallel_loop3A_407 = vector.broadcast %parallel_loop3A_365 : f32 to vector<16xf32>
        %parallel_loop3A_408 = arith.subf %parallel_loop3A_337, %parallel_loop3A_407 : vector<16xf32>
        %parallel_loop3A_409 = vector.broadcast %parallel_loop3A_394 : f32 to vector<16xf32>
        %parallel_loop3A_410 = arith.mulf %parallel_loop3A_408, %parallel_loop3A_409 : vector<16xf32>
        %parallel_loop3A_411 = arith.mulf %parallel_loop3A_410, %get3A_5 : vector<16xf32>
        %parallel_loop3A_412 = arith.addf %parallel_loop3A_411, %get3A_13 : vector<16xf32>
        %parallel_loop3A_413 = arith.constant 64 : i32
        %parallel_loop3A_414 = arith.muli %parallel_loop3A_329, %parallel_loop3A_413 : i32
        %parallel_loop3A_415 = arith.constant 16 : i32
        %parallel_loop3A_416 = arith.addi %parallel_loop3A_414, %parallel_loop3A_415 : i32
        %parallel_loop3A_417 = arith.index_cast %parallel_loop3A_416 : i32 to index
        %parallel_loop3A_418 = tpu.vector_load %arg13[%parallel_loop3A_417] {strides = array<i32>} : memref<25600xf32, #tpu.memory_space<vmem>>, vector<16xf32>,
        tpu.vector_store %arg13[%parallel_loop3A_417], %parallel_loop3A_412 {strides = array<i32>} : memref<25600xf32, #tpu.memory_space<vmem>>, vector<16xf32>,
        %parallel_loop3A_419 = vector.broadcast %parallel_loop3A_365 : f32 to vector<16xf32>
        %parallel_loop3A_420 = arith.subf %parallel_loop3A_341, %parallel_loop3A_419 : vector<16xf32>
        %parallel_loop3A_421 = vector.broadcast %parallel_loop3A_394 : f32 to vector<16xf32>
        %parallel_loop3A_422 = arith.mulf %parallel_loop3A_420, %parallel_loop3A_421 : vector<16xf32>
        %parallel_loop3A_423 = arith.mulf %parallel_loop3A_422, %get3A_7 : vector<16xf32>
        %parallel_loop3A_424 = arith.addf %parallel_loop3A_423, %get3A_15 : vector<16xf32>
        %parallel_loop3A_425 = arith.constant 64 : i32
        %parallel_loop3A_426 = arith.muli %parallel_loop3A_329, %parallel_loop3A_425 : i32
        %parallel_loop3A_427 = arith.constant 32 : i32
        %parallel_loop3A_428 = arith.addi %parallel_loop3A_426, %parallel_loop3A_427 : i32
        %parallel_loop3A_429 = arith.index_cast %parallel_loop3A_428 : i32 to index
        %parallel_loop3A_430 = tpu.vector_load %arg13[%parallel_loop3A_429] {strides = array<i32>} : memref<25600xf32, #tpu.memory_space<vmem>>, vector<16xf32>,
        tpu.vector_store %arg13[%parallel_loop3A_429], %parallel_loop3A_424 {strides = array<i32>} : memref<25600xf32, #tpu.memory_space<vmem>>, vector<16xf32>,
        %parallel_loop3A_431 = vector.broadcast %parallel_loop3A_365 : f32 to vector<16xf32>
        %parallel_loop3A_432 = arith.subf %parallel_loop3A_345, %parallel_loop3A_431 : vector<16xf32>
        %parallel_loop3A_433 = vector.broadcast %parallel_loop3A_394 : f32 to vector<16xf32>
        %parallel_loop3A_434 = arith.mulf %parallel_loop3A_432, %parallel_loop3A_433 : vector<16xf32>
        %parallel_loop3A_435 = arith.mulf %parallel_loop3A_434, %get3A_9 : vector<16xf32>
        %parallel_loop3A_436 = arith.addf %parallel_loop3A_435, %get3A_17 : vector<16xf32>
        %parallel_loop3A_437 = arith.constant 64 : i32
        %parallel_loop3A_438 = arith.muli %parallel_loop3A_329, %parallel_loop3A_437 : i32
        %parallel_loop3A_439 = arith.constant 48 : i32
        %parallel_loop3A_440 = arith.addi %parallel_loop3A_438, %parallel_loop3A_439 : i32
        %parallel_loop3A_441 = arith.index_cast %parallel_loop3A_440 : i32 to index
        %parallel_loop3A_442 = tpu.vector_load %arg13[%parallel_loop3A_441] {strides = array<i32>} : memref<25600xf32, #tpu.memory_space<vmem>>, vector<16xf32>,
        tpu.vector_store %arg13[%parallel_loop3A_441], %parallel_loop3A_436 {strides = array<i32>} : memref<25600xf32, #tpu.memory_space<vmem>>, vector<16xf32>,
      } {sc.loop_unroll_factor = 2 : i64, sc.parallel_access}
      %mul3A_179 = arith.constant 2 : i32
      %mul3A_180 = arith.muli %add3A_131, %mul3A_179 : i32
      %add3A_181 = arith.addi %mul3A_2, %mul3A_180 : i32
      %mul3A_182 = arith.constant 200 : i32
      %mul3A_183 = arith.muli %add3A_181, %mul3A_182 : i32
      %mul3A_184 = arith.constant 64 : i32
      %mul3A_185 = arith.muli %mul3A_183, %mul3A_184 : i32
      %dma_start3A_186 = tpu.memref_slice %arg7[%mul3A_185] : memref<52428800xf32, #tpu.memory_space<hbm>> -> memref<25600xf32, #tpu.memory_space<hbm>>
      %dma_start3A_187 = tpu.memref_slice %arg7[%mul3A_185] : memref<52428800xf32, #tpu.memory_space<hbm>> -> memref<25600xf32, #tpu.memory_space<hbm>>
      tpu.enqueue_dma source(%arg13 : memref<25600xf32, #tpu.memory_space<vmem>>) target(%dma_start3A_187 : memref<25600xf32, #tpu.memory_space<hbm>>) target_semaphore(%arg20 : memref<!tpu.dma_semaphore, #tpu.memory_space<semaphore_mem>>)
    }
    %scan3A_56 = arith.constant 32 : i32
    %add3A_57 = arith.constant 0 : i32
    %add3A_58 = arith.addi %mul3A_2, %add3A_57 : i32
    %mul3A_59 = arith.constant 200 : i32
    %mul3A_60 = arith.muli %add3A_58, %mul3A_59 : i32
    %mul3A_61 = arith.constant 64 : i32
    %mul3A_62 = arith.muli %mul3A_60, %mul3A_61 : i32
    %dma_wait3A = tpu.memref_slice %arg7[%mul3A_62] : memref<52428800xf32, #tpu.memory_space<hbm>> -> memref<25600xf32, #tpu.memory_space<hbm>>
    %dma_wait3A_63 = tpu.memref_slice %arg7[%mul3A_62] : memref<52428800xf32, #tpu.memory_space<hbm>> -> memref<25600xf32, #tpu.memory_space<hbm>>
    tpu.wait_dma2 semaphore(%arg19 : memref<!tpu.dma_semaphore, #tpu.memory_space<semaphore_mem>>) src(%arg12 : memref<25600xf32, #tpu.memory_space<vmem>>) dst(%dma_wait3A_63 : memref<25600xf32, #tpu.memory_space<hbm>>)
    %add3A_64 = arith.constant 0 : i32
    %add3A_65 = arith.addi %mul3A_2, %add3A_64 : i32
    %mul3A_66 = arith.constant 200 : i32
    %mul3A_67 = arith.muli %add3A_65, %mul3A_66 : i32
    %mul3A_68 = arith.constant 64 : i32
    %mul3A_69 = arith.muli %mul3A_67, %mul3A_68 : i32
    %dma_wait3A_70 = tpu.memref_slice %arg7[%mul3A_69] : memref<52428800xf32, #tpu.memory_space<hbm>> -> memref<25600xf32, #tpu.memory_space<hbm>>
    %dma_wait3A_71 = tpu.memref_slice %arg7[%mul3A_69] : memref<52428800xf32, #tpu.memory_space<hbm>> -> memref<25600xf32, #tpu.memory_space<hbm>>
    tpu.wait_dma2 semaphore(%arg20 : memref<!tpu.dma_semaphore, #tpu.memory_space<semaphore_mem>>) src(%arg13 : memref<25600xf32, #tpu.memory_space<vmem>>) dst(%dma_wait3A_71 : memref<25600xf32, #tpu.memory_space<hbm>>)
    return
  }
}

</mosaic_0001>

<sc_bundles>
// kernel: kernel.3.cloned.1.call-start
scs
__scs_entry_jumppad:
0x0: {  	(pc) =	sbr.rel $0x88, $3  }
0x1: {  	(tag) =	ssettag $0x0;
	lr =	simm.s32 $0x1  }
0x2: {  	[smem:$0x3F9C] =	sst lr;
	_ =	strace $0xD0000000  }
0x3: {  	_ = 	snop  }
0x4: {  	_ = 	snop  }
0x5: {  	_ = 	snop  }
0x6: {  	_ = 	snop  }
0x7: {  	_ = 	snop  }
__scs_overlays_trampoline_lowered:
0x8: {  	[smem:$0x3FAB] =	sst s0  }
0x9: {  	[smem:$0x3FAC] =	sst s1  }
0xa: {  	[smem:$0x3FAD] =	sst s2  }
0xb: {  	[smem:$0x3FAE] =	sst s3  }
0xc: {  	[smem:$0x3FAF] =	sst s4  }
0xd: {  	[smem:$0x3FB0] =	sst s5  }
0xe: {  	[smem:$0x3FB1] =	sst s6  }
0xf: {  	[smem:$0x3FB2] =	sst s7  }
0x10: {  	[smem:$0x3FB3] =	sst s8  }
0x11: {  	[smem:$0x3FB4] =	sst s9;
	s0 =	simm.s32 @!p0 $0x0  }
0x12: {  	s1 =	sld [smem:$0x3F9A];
	s0 =	simm.s32 @p0 $0x1  }
0x13: {  	[smem:$0x3FB5] =	sst s0;
	s0 =	simm.s32 @!p1 $0x0  }
0x14: {  	s2 =	sld [smem:$0x3F99];
	s0 =	simm.s32 @p1 $0x1  }
0x15: {  	[smem:$0x3FB6] =	sst s0;
	s0 =	simm.s32 @!p2 $0x0  }
0x16: {  	s3 =	sld [smem:$0x3FDB];
	s0 =	simm.s32 @p2 $0x1  }
0x17: {  	s4 =	simm.s32 $0x1BF5;
	[smem:$0x3FB8] =	sst s0  }
0x18: {  	s0 =	sld [smem:$0x3F9B];
	_ =	swait.ge [sflag:s4], $0x0  }
0x19: {  	s7 =	sld [smem:$0x3F9C]  }
0x1a: {  	s8 =	sadd.s32 $0xFFFFE003, lr  }
0x1b: {  	s9 =	sadd.s32 $0xFFFFFEF7, lr;
	s5 =	simm.s32 $0xFFFFFFFF;
	p2 =	slt.u32 s8, $0xFFFFF086  }
0x1c: {  	p1 =	slt.u32 s9, $0xF7A;
	s5 =	simm.s32 @!p2 $0x0  }
0x1d: {  	s5 =	simm.s32 @p1 $0x1;
	p0 =	seq.s32 s7, s2  }
0x1e: {  	s7 =	smul.u32 @!p0 $0xF7A, s2;
	p2 =	seq.s32 @!p0 s5, $0x0  }
0x1f: {  	s9 =	smul.u32 $0xF7A, s1;
	s8 =	simm.s32 @!p0 $0x1BF5;
	p2 =	por !p2, p0  }
0x20: {  	[sflag:s8] =	ssyncset.s32 @!p0 $0xFFFFF086;
	s6 =	sadd.s32 @!p0 s3, s7;
	s7 =	simm.s32 @!p0 $0x108  }
0x21: {  	s3 =	sadd.s32 s3, s9;
	s6 =	sadd.s32 @!p0 $0x88, s6;
	s7 =	simm.s32 @p2 $0x1082  }
0x22: {  	[simem:s7], [sflag:s8] =	dma.local @!p0 [hbm:s6], $0xF7A  }
0x23: {  	s9 =	sor.u32 $0xD0000000, s2;
	s6 =	simm.s32 $0x108;
	_ =	swait.ge @!p0 [sflag:s8], $0x0  }
0x24: {  	s3 =	sadd.s32 $0x88, s3;
	s6 =	simm.s32 @!p1 $0x1082;
	[sflag:s4] =	ssyncset.s32 $0xFFFFF086  }
0x25: {  	[simem:s6], [sflag:s4] =	dma.local [hbm:s3], $0xF7A  }
0x26: {  	[smem:$0x3F9C] =	sst s1;
	(tag) =	ssettag s2;
	_ =	strace s9  }
0x27: {  	s1 =	sld [smem:$0x3FAC]  }
0x28: {  	s2 =	sld [smem:$0x3FAD]  }
0x29: {  	s4 =	sld [smem:$0x3FAF]  }
0x2a: {  	p0 =	seq.s32 s5, $0x0;
	s5 =	sld [smem:$0x3FB0]  }
0x2b: {  	s6 =	sld [smem:$0x3FB1]  }
0x2c: {  	s7 =	sld [smem:$0x3FB2]  }
0x2d: {  	s3 =	simm.s32 $0x108;
	s8 =	sld [smem:$0x3FB3]  }
0x2e: {  	s3 =	simm.s32 @!p0 $0x1082;
	s9 =	sld [smem:$0x3FB4]  }
0x2f: {  	lr =	sadd.s32 s0, s3;
	s0 =	sld [smem:$0x3FAB]  }
0x30: {  	s3 =	sld [smem:$0x3FAE]  }
0x31: {  	[smem:$0x3FB7] =	sst s10  }
0x32: {  	s10 =	sld [smem:$0x3FB5];
	_ =	sdelay $0x3  }
0x33: {  	p0 =	seq.s32 s10, $0x1;
	s10 =	sld [smem:$0x3FB7];
	_ =	sdelay $0x3  }
0x34: {  	[smem:$0x3FB7] =	sst s10  }
0x35: {  	s10 =	sld [smem:$0x3FB6];
	_ =	sdelay $0x3  }
0x36: {  	p1 =	seq.s32 s10, $0x1;
	s10 =	sld [smem:$0x3FB7];
	_ =	sdelay $0x3  }
0x37: {  	[smem:$0x3FB7] =	sst s10  }
0x38: {  	s10 =	sld [smem:$0x3FB8]  }
0x39: {  	_ = 	snop;
	(pc) =	sbr.ind lr, $3  }
0x3a: {  	_ = 	snop  }
0x3b: {  	_ = 	snop  }
0x3c: {  	p2 =	seq.s32 s10, $0x1;
	s10 =	sld [smem:$0x3FB7]  }
0x3d: {  	_ =	shalt  }
0x3e: {  	_ =	shalt  }
0x3f: {  	_ =	shalt  }
0x40: {  	_ =	shalt  }
0x41: {  	_ =	shalt  }
0x42: {  	_ =	shalt  }
0x43: {  	_ =	shalt  }
0x44: {  	_ =	shalt  }
0x45: {  	_ =	shalt  }
0x46: {  	_ =	shalt  }
0x47: {  	_ =	shalt  }
0x48: {  	_ =	shalt  }
0x49: {  	_ =	shalt  }
0x4a: {  	_ =	shalt  }
0x4b: {  	_ =	shalt  }
0x4c: {  	_ =	shalt  }
0x4d: {  	_ =	shalt  }
0x4e: {  	_ =	shalt  }
0x4f: {  	_ =	shalt  }
0x50: {  	_ =	shalt  }
0x51: {  	_ =	shalt  }
0x52: {  	_ =	shalt  }
0x53: {  	_ =	shalt  }
0x54: {  	_ =	shalt  }
0x55: {  	_ =	shalt  }
0x56: {  	_ =	shalt  }
0x57: {  	_ =	shalt  }
0x58: {  	_ =	shalt  }
0x59: {  	_ =	shalt  }
0x5a: {  	_ =	shalt  }
0x5b: {  	_ =	shalt  }
0x5c: {  	_ =	shalt  }
0x5d: {  	_ =	shalt  }
0x5e: {  	_ =	shalt  }
0x5f: {  	_ =	shalt  }
0x60: {  	_ =	shalt  }
0x61: {  	_ =	shalt  }
0x62: {  	_ =	shalt  }
0x63: {  	_ =	shalt  }
0x64: {  	_ =	shalt  }
0x65: {  	_ =	shalt  }
0x66: {  	_ =	shalt  }
0x67: {  	_ =	shalt  }
0x68: {  	_ =	shalt  }
0x69: {  	_ =	shalt  }
0x6a: {  	_ =	shalt  }
0x6b: {  	_ =	shalt  }
0x6c: {  	_ =	shalt  }
0x6d: {  	_ =	shalt  }
0x6e: {  	_ =	shalt  }
0x6f: {  	_ =	shalt  }
0x70: {  	_ =	shalt  }
0x71: {  	_ =	shalt  }
0x72: {  	_ =	shalt  }
0x73: {  	_ =	shalt  }
0x74: {  	_ =	shalt  }
0x75: {  	_ =	shalt  }
0x76: {  	_ =	shalt  }
0x77: {  	_ =	shalt  }
0x78: {  	_ =	shalt  }
0x79: {  	_ =	shalt  }
0x7a: {  	_ =	shalt  }
0x7b: {  	_ =	shalt  }
0x7c: {  	_ =	shalt  }
0x7d: {  	_ =	shalt  }
0x7e: {  	_ =	shalt  }
0x7f: {  	_ =	shalt  }
0x80: {  	_ =	shalt  }
0x81: {  	_ =	shalt  }
0x82: {  	_ =	shalt  }
0x83: {  	_ =	shalt  }
0x84: {  	_ =	shalt  }
0x85: {  	_ =	shalt  }
0x86: {  	_ =	shalt  }
0x87: {  	_ =	shalt  }
.Lfunc_end0:
.L_simem_size_0:
called_computation.1_lowered:
.L_overlay_start_0:
0x88: {  	s2 =	sld [smem:$0x3FD9]  }
0x89: {  	s3 =	sld [smem:$0x3FFE];
	_ =	sdelay $0x1  }
0x8a: {  	s1 =	srdreg.scid  }
0x8b: {  	s0 =	sand.u32 $0x1, s1  }
0x8c: {  	s14 =	sshll.u32 s0, $0xA;
	s2 =	sadd.s32 s3, s2  }
0x8d: {  	s2 =	sadd.s32 s2, s14  }
0x8e: {  	[smem:$0x3FC3] =	sst s2  }
0x8f: {  	_ = 	snop  }
0x90: {  	s2 =	sld [smem:$0x3FD0];
	_ =	sdelay $0x1  }
0x91: {  	s15 =	sld [smem:$0x3FC6]  }
0x92: {  	s5 =	simm.s32 $0xA;
	s6 =	simm.s32 $0x10;
	s4 =	sld [smem:$0x3FC5]  }
0x93: {  	[smem:s6], [sflag:s5] =	dma.local [hbm:s2], $0x1  }
0x94: {  	_ =	swait.eq [sflag:s5], $0x1  }
0x95: {  	[sflag:s5] =	ssyncset.done $0x0  }
0x96: {  	s16 =	sld [smem:$0x10];
	[sflag:s5] =	ssyncadd.s32 $0xFFFFFFFF  }
0x97: {  	s17 =	sld [smem:$0x11];
	(tm) =	ssettm $0x1  }
0x98: {  	s18 =	sld [smem:$0x3FFB];
	_ =	sdelay $0x3  }
0x99: {  	_ =	strace s18  }
0x9a: {  	s6 =	sld [smem:$0x3FFC];
	_ =	sdelay $0x3  }
0x9b: {  	_ =	strace s6  }
0x9c: {  	s6 =	sld [smem:$0x3FFD];
	_ =	sdelay $0x3  }
0x9d: {  	_ =	strace s6  }
0x9e: {  	_ =	strace $0x8FFFFFFF  }
0x9f: {  	s19 =	sld [smem:$0x3FDB];
	_ =	sdelay $0x1  }
0xa0: {  	s7 =	simm.s32 $_scs_section_size  }
0xa1: {  	s8 =	simm.s32 $_size__tile_overlayer_lowered;
	s9 =	simm.s32 $_tile_overlayer_lowered  }
0xa2: {  	s22 =	simm.s32 $0x1BFF;
	s21 =	sshll.u32 s9, $0x1;
	s6 =	sadd.s32 s7, s19  }
0xa3: {  	s10 =	simm.s32 $0x0;
	s20 =	sshll.u32 s8, $0x1;
	s8 =	sadd.s32 s21, s6  }
0xa4: {  	[timem:s10], [sflag:s22] =	dma.local [hbm:s8], s20  }
0xa5: {  	_ =	swait.ge [sflag:s22], s20  }
0xa6: {  	s7 =	ssub.s32 $0x0, s20;
	[sflag:s22] =	ssyncset.done $0x0  }
0xa7: {  	[sflag:s22] =	ssyncadd.s32 s7;
	_ =	sdelay $0x1  }
0xa8: {  	s23 =	simm.s32 $0x1B8B  }
0xa9: {  	_ =	swait.ge [sflag:s23], $0x1  }
0xaa: {  	[sflag:s23] =	ssyncset.done $0x0  }
0xab: {  	s25 =	simm.s32 $0x1B8E;
	s24 =	sld [smem:$0x3FFE];
	[sflag:s23] =	ssyncadd.s32 $0xFFFFFFFF  }
0xac: {  	s26 =	simm.s32 $execute0_lowered;
	[smem:$0x3FD2] =	sst s25  }
0xad: {  	s8 =	sshll.u32 s26, $0x1;
	_ =	strace $0x80000046;
	[dreg:$0x1] =	wrdreg $0xFFFFFFFF  }
0xae: {  	s28 =	simm.s32 $_size_execute0_lowered;
	s6 =	sadd.s32 s6, s8;
	[dreg:$0x0] =	wrdreg $0x0  }
0xaf: {  	s8 =	sshll.u32 s28, $0x1;
	[dreg:$0x2] =	wrdreg s6  }
0xb0: {  	[dreg:$0x3] =	wrdreg s8  }
0xb1: {  	[dreg:$0x4] =	wrdreg $0xC0  }
0xb2: {  	_ =	task [dreg:s10], $0x5FFFF  }
0xb3: {  	[dreg:$0x1] =	wrdreg $0xFFFFFFFF  }
0xb4: {  	[dreg:$0x0] =	wrdreg $0x60  }
0xb5: {  	[dreg:$0x2] =	wrdreg s24  }
0xb6: {  	[dreg:$0x3] =	wrdreg s17  }
0xb7: {  	[dreg:$0x4] =	wrdreg s15  }
0xb8: {  	[dreg:$0x5] =	wrdreg s4  }
0xb9: {  	[dreg:$0x6] =	wrdreg s16  }
0xba: {  	[dreg:$0x7] =	wrdreg $0x9  }
0xbb: {  	_ =	task.clear_ibuf [dreg:s10], $0x8FFFF;
	_ =	strace $0x90000046  }
0xbc: {  	s29 =	simm.s32 $0x9;
	_ =	strace $0x80000048  }
0xbd: {  	_ =	swait.ge [sflag:s29], $0x1  }
0xbe: {  	[sflag:s29] =	ssyncadd.s32 $0xFFFFFFFF  }
0xbf: {  	_ =	strace $0x90000048  }
0xc0: {  	_ =	sfence  }
0xc1: {  	s30 =	sld [smem:$0x0];
	_ =	sdelay $0x2  }
0xc2: {  	s31 =	sshll.u32 s1, $0xD;
	s1 =	sshrl.u32 s1, $0x2  }
0xc3: {  	s3 =	sand.u32 $0x4000, s31;
	s1 =	sadd.s32 s1, s30  }
0xc4: {  	s0 =	sor.u32 s3, s0;
	s1 =	sshll.u32 s1, $0x11  }
0xc5: {  	s0 =	sor.u32 s1, s0  }
0xc6: {  	s0 =	sadd.s32 $0x8F2B, s0  }
0xc7: {  	[sflag:s0] =	ssyncadd.remote.s32 $0x1  }
0xc8: {  	_ =	sfence.sel $0xFFFF  }
0xc9: {  	[dreg:$0x0] =	wrdreg $0xFFFFFFFF;
	(pc) =	sbr.abs _section_cstart, $3  }
0xca: {  	[dreg:$0x1] =	wrdreg $0xFFFFFFFF  }
0xcb: {  	_ =	task.clear_ibuf [dreg:s10], $0x2FFFF;
	_ =	strace $0x9FFFFFFF  }
0xcc: {  	(tm) =	ssettm $0x7FFFFFFF  }
0xcd: {  	_ =	shalt  }
tec
execute0_lowered:
.L_overlay_start_1:
0x0: {  	(tag) =	ssettag $0x1  }
0x1: {  	s0 =	rddreg [dreg:$0x0];
	s1 =	srdreg.scid  }
0x2: {  	s2 =	stileid.u32;
	s4 =	simm.s32 $0x0;
	s1 =	sand.u32 $0x1, s1  }
0x3: {  	s2 =	sshll.u32 s2, $0x1;
	[smem:$0x7FF] =	sst s4;
	s7 =	sadd.s32 $0xC4600, s0  }
0x4: {  	s8 =	sadd.s32 $0x1000, s0;
	s2 =	sor.u32 s1, s2;
	_ =	strace $0x80000047  }
0x5: {  	s1 =	ssub.s32 $0x2, s1;
	s3 =	smul.u32 $0xC80, s2;
	s29 =	sshll.u32 s2, $0x7  }
0x6: {  	s28 =	sshrl.u32 s1, $0x1;
	s31 =	sor.u32 $0x2, s29;
	[dreg:$0x6] =	wrdreg s29  }
0x7: {  	s0 =	ssub.s32 s1, s28;
	s1 =	sor.u32 $0x4, s29;
	[dreg:$0x8] =	wrdreg s31  }
0x8: {  	s30 =	sadd.s32 s7, s3;
	[dreg:$0x9] =	wrdreg s1  }
0x9: {  	s14 =	simm.s32 $0x2;
	s0 =	smax.u32 s0, $0x1;
	[dreg:$0x7] =	wrdreg s30  }
0xa: {  	s2 =	simm.s32 $0x1;
	s3 =	simm.s32 $0x0;
	[dreg:$0xa] =	wrdreg s0  }
.LBB2_1:
0xb: {  	[dreg:$0xb] =	wrdreg s3  }
0xc: {  	s0 =	rddreg [dreg:$0x1];
	s1 =	simm.s32 $0x19320;
	s18 =	simm.s32 $0x5  }
0xd: {  	[tilespmem:s1], [sflag:$0x5] =	stream.linear.gather [hbm4b:s0+s4], $0x3200, $0x38;
	[tilespmem:$0x1C5A0] =	vst v63  }
0xe: {  	_ =	swait.ge [sflag:s18], $0x3200  }
0xf: {  	[sflag:s18] =	ssyncset.done $0x0  }
0x10: {  	[sflag:s18] =	ssyncadd.s32 $0xFFFFCE00  }
0x11: {  	s20 =	simm.s32 $0x1C520;
	s19 =	rddreg [dreg:$0x2]  }
0x12: {  	[tilespmem:s20], [sflag:$0x5] =	stream.linear.gather [hbm4b:s19+s4], $0x40, $0x38;
	[tilespmem:$0x1C5A0] =	vst v63  }
0x13: {  	_ =	swait.ge [sflag:s18], $0x40  }
0x14: {  	[sflag:s18] =	ssyncset.done $0x0  }
0x15: {  	[sflag:s18] =	ssyncadd.s32 $0xFFFFFFC0  }
0x16: {  	s22 =	simm.s32 $0x1C560;
	s21 =	rddreg [dreg:$0x3]  }
0x17: {  	[tilespmem:s22], [sflag:$0x5] =	stream.linear.gather [hbm4b:s21+s4], $0x40, $0x38;
	[tilespmem:$0x1C5A0] =	vst v63  }
0x18: {  	_ =	swait.ge [sflag:s18], $0x40  }
0x19: {  	[sflag:s18] =	ssyncset.done $0x0  }
0x1a: {  	[sflag:s18] =	ssyncadd.s32 $0xFFFFFFC0  }
0x1b: {  	v0 =	vld [tilespmem:$0x1C520]  }
0x1c: {  	v57 =	vld [tilespmem:$0x1C530]  }
0x1d: {  	v58 =	vld [tilespmem:$0x1C540]  }
0x1e: {  	v59 =	vld [tilespmem:$0x1C550]  }
0x1f: {  	v60 =	vld [tilespmem:$0x1C560]  }
0x20: {  	v61 =	vld [tilespmem:$0x1C570]  }
0x21: {  	s23 =	rddreg [dreg:$0x7];
	v62 =	vld [tilespmem:$0x1C580]  }
0x22: {  	v63 =	vld [tilespmem:$0x1C590];
	[tilespmem:s4], [sflag:$0x5] =	stream.linear.gather [hbm4b:s23+s4], $0x190, $0x38  }
0x23: {  	[tilespmem:$0x1FF80] =	vst v0  }
0x24: {  	[tilespmem:$0x1FF90] =	vst v57  }
0x25: {  	[tilespmem:$0x1FFA0] =	vst v58  }
0x26: {  	[tilespmem:$0x1FFB0] =	vst v59  }
0x27: {  	[tilespmem:$0x1FFC0] =	vst v60  }
0x28: {  	[tilespmem:$0x1FFD0] =	vst v61  }
0x29: {  	[tilespmem:$0x1FFE0] =	vst v62  }
0x2a: {  	[tilespmem:$0x1FFF0] =	vst v63  }
0x2b: {  	_ =	swait.ge [sflag:s18], $0x190  }
0x2c: {  	[sflag:s18] =	ssyncset.done $0x0  }
0x2d: {  	s24 =	simm.s32 $0x80;
	s25 =	simm.s32 $0x320;
	[sflag:s18] =	ssyncadd.s32 $0xFFFFFE70  }
0x2e: {  	[tilespmem:s25], [sflag:$0x1] =	stream.indirect.gather [hbm4b:s8+s24], $0x40, s4, s24, $0xb8;
	[tilespmem:$0x1C5A0] =	vst v63  }
0x2f: {  	s26 =	simm.s32 $0x48;
	s28 =	simm.s32 $0x2320  }
0x30: {  	[tilespmem:s28], [sflag:$0x1] =	stream.indirect.gather [hbm4b:s8+s26], $0x40, s24, s26, $0xb8;
	[tilespmem:$0x1C5A0] =	vst v63  }
0x31: {  	s29 =	simm.s32 $0xC8;
	s5 =	simm.s32 $0x3520  }
0x32: {  	[tilespmem:s5], [sflag:$0x1] =	stream.indirect.gather [hbm4b:s8+s24], $0x40, s29, s24, $0xb8;
	[tilespmem:$0x1C5A0] =	vst v63  }
0x33: {  	s30 =	simm.s32 $0x148;
	s31 =	simm.s32 $0x5520;
	s22 =	simm.s32 $0x0  }
0x34: {  	[tilespmem:s31], [sflag:$0x1] =	stream.indirect.gather [hbm4b:s8+s26], $0x40, s30, s26, $0xb8;
	[tilespmem:$0x1C5A0] =	vst v63  }
.LBB2_2:
0x35: {  	s24 =	sshll.u32 s22, $0x2;
	s0 =	rddreg [dreg:$0x8]  }
0x36: {  	s0 =	sadd.s32 s0, s24  }
0x37: {  	[dreg:$0xc] =	wrdreg s0;
	s0 =	smul.u32 $0x19, s0  }
0x38: {  	_ = 	snop  }
0x39: {  	s1 =	simm.s32 $0x190;
	s12 =	simm.s32 $0x5;
	s0 =	sadd.s32 s7, s0  }
0x3a: {  	[tilespmem:s1], [sflag:$0x5] =	stream.linear.gather [hbm4b:s0+s4], $0x190, $0x38;
	[tilespmem:$0x1C5A0] =	vst v63  }
0x3b: {  	_ =	swait.ge [sflag:s12], $0x190  }
0x3c: {  	[sflag:s12] =	ssyncset.done $0x0  }
0x3d: {  	s13 =	simm.s32 $0x80;
	s3 =	simm.s32 $0x6720;
	[sflag:s12] =	ssyncadd.s32 $0xFFFFFE70  }
0x3e: {  	[tilespmem:s3], [sflag:$0x2] =	stream.indirect.gather [hbm4b:s8+s13], $0x40, s1, s13, $0xb8;
	[tilespmem:$0x1C5A0] =	vst v63  }
0x3f: {  	s15 =	simm.s32 $0x48;
	s16 =	simm.s32 $0x210;
	s17 =	simm.s32 $0x8720  }
0x40: {  	[tilespmem:s17], [sflag:$0x2] =	stream.indirect.gather [hbm4b:s8+s15], $0x40, s16, s15, $0xb8;
	[tilespmem:$0x1C5A0] =	vst v63  }
0x41: {  	s18 =	simm.s32 $0x258;
	s19 =	simm.s32 $0x9920  }
0x42: {  	[tilespmem:s19], [sflag:$0x2] =	stream.indirect.gather [hbm4b:s8+s13], $0x40, s18, s13, $0xb8;
	[tilespmem:$0x1C5A0] =	vst v63  }
0x43: {  	s20 =	simm.s32 $0x2D8;
	s21 =	simm.s32 $0xB920  }
0x44: {  	[tilespmem:s21], [sflag:$0x2] =	stream.indirect.gather [hbm4b:s8+s15], $0x40, s20, s15, $0xb8;
	[tilespmem:$0x1C5A0] =	vst v63  }
0x45: {  	_ =	swait.ge [sflag:s2], $0x2000  }
0x46: {  	[sflag:s2] =	ssyncset.done $0x0  }
0x47: {  	[sflag:s2] =	ssyncadd.s32 $0xFFFFE000  }
0x48: {  	_ =	swait.ge [sflag:s2], $0x1200  }
0x49: {  	[sflag:s2] =	ssyncset.done $0x0  }
0x4a: {  	[sflag:s2] =	ssyncadd.s32 $0xFFFFEE00  }
0x4b: {  	_ =	swait.ge [sflag:s2], $0x2000  }
0x4c: {  	[sflag:s2] =	ssyncset.done $0x0  }
0x4d: {  	[sflag:s2] =	ssyncadd.s32 $0xFFFFE000  }
0x4e: {  	_ =	swait.ge [sflag:s2], $0x1200  }
0x4f: {  	p0 =	seq.s32 s22, $0x0;
	[sflag:s2] =	ssyncset.done $0x0  }
0x50: {  	s0 =	simm.s32 @!p0 $0x3;
	[sflag:s2] =	ssyncadd.s32 $0xFFFFEE00  }
0x51: {  	_ =	swait.ge @!p0 [sflag:s0], $0x6400  }
0x52: {  	[sflag:s0] =	ssyncset.done @!p0 $0x0  }
0x53: {  	s25 =	simm.s32 $0x19360;
	[sflag:s0] =	ssyncadd.s32 @!p0 $0xFFFF9C00  }
0x54: {  	v17 =	vld [tilespmem:s25+$0x0]  }
0x55: {  	v18 =	vld [tilespmem:s25+$0x10]  }
0x56: {  	v16 =	vld [tilespmem:s25+$0x20]  }
0x57: {  	s1 =	simm.s32 $0x3590;
	v19 =	vld [tilespmem:s25+$0x30]  }
0x58: {  	v8 =	vld [tilespmem:s1+$0xFFFFCDD0]  }
0x59: {  	v9 =	vld [tilespmem:s1+$0xFFFFCDE0]  }
0x5a: {  	v10 =	vld [tilespmem:s1+$0xFFFFCDF0]  }
0x5b: {  	v11 =	vld [tilespmem:s1+$0xFFFFCE00];
	_ =	sdelay $0x3  }
0x5c: {  	v21 =	vadd.f32 v8, v17;
	v23 =	vadd.f32 v9, v18  }
0x5d: {  	v24 =	vadd.f32 v10, v16;
	v25 =	vadd.f32 v11, v19  }
0x5e: {  	v8 =	vmul.f32 v21, v21;
	v9 =	vmul.f32 v23, v23  }
0x5f: {  	v10 =	vmul.f32 v24, v24;
	v11 =	vmul.f32 v25, v25  }
0x60: {  	v12 =	vadd.f32 v23, v21;
	v13 =	vadd.f32 v25, v24  }
0x61: {  	v8 =	vadd.f32 v9, v8;
	v9 =	vadd.f32 v11, v10  }
0x62: {  	v10 =	vadd.f32 v13, v12  }
0x63: {  	v8 =	vadd.f32 v9, v8  }
0x64: {  	(xrf2) =	vadd.scan.msk.f32 $0xffff, v10  }
0x65: {  	(xrf2) =	vadd.scan.msk.f32 $0xffff, v8;
	_ =	sdelay $0x8  }
0x66: {  	v8, _, _ =	vpop (xrf2)  }
0x67: {  	(v2sf) =	vpush v8, $0xF;
	v8, _, _ =	vpop (xrf2)  }
0x68: {  	(v2sf) =	vpush v8, $0xF;
	_ =	sdelay $0x4  }
0x69: {  	v33 =	vld [tilespmem:s25+$0xFFFFFFD0]  }
0x6a: {  	v29 =	vld [tilespmem:s25+$0xFFFFFFF0]  }
0x6b: {  	v31 =	vld [tilespmem:s25+$0xFFFFFFC0]  }
0x6c: {  	v13 =	vld [tilespmem:s25+$0xFFFFFFE0]  }
0x6d: {  	v11 =	vld [tilespmem:s1+$0xFFFFCDC0]  }
0x6e: {  	v9 =	vld [tilespmem:s1+$0xFFFFCDA0]  }
0x6f: {  	v10 =	vld [tilespmem:s1+$0xFFFFCDB0]  }
0x70: {  	v8 =	vld [tilespmem:s1+$0xFFFFCD90];
	_ =	sdelay $0x1  }
0x71: {  	s26 =	spop (v2sf)  }
0x72: {  	s6 =	smul.f32 $1.562500000e-02, s26;
	s10 =	spop (v2sf)  }
0x73: {  	v28 =	vadd.f32 v11, v29;
	v36 =	vadd.f32 v9, v33;
	s5 =	smul.f32 $1.562500000e-02, s10  }
0x74: {  	v20 =	vadd.f32 v10, v13;
	v22 =	vadd.f32 v8, v31;
	s9 =	smul.f32 s6, s6  }
0x75: {  	s3 =	simm.s32 $0x193E0;
	v12 =	vmul.f32 v28, v28;
	v10 =	vmul.f32 v36, v36  }
0x76: {  	v30 =	vld [tilespmem:s3+$0x20];
	v11 =	vmul.f32 v20, v20;
	v14 =	vmul.f32 v22, v22;
	s5 =	ssub.f32 s5, s9  }
0x77: {  	v32 =	vld [tilespmem:s3+$0x30];
	v15 =	vadd.f32 v28, v20;
	v26 =	vadd.f32 v36, v22  }
0x78: {  	v9 =	vld [tilespmem:s3+$0x10];
	v11 =	vadd.f32 v12, v11;
	v10 =	vadd.f32 v10, v14;
	s5 =	sadd.f32 $9.999999740e-06, s5  }
0x79: {  	s0 =	simm.s32 $0x3610;
	v8 =	vld [tilespmem:s3+$0x0];
	v12 =	vadd.f32 v15, v26  }
0x7a: {  	v14 =	vld [tilespmem:s0+$0xFFFFCDD0];
	v10 =	vadd.f32 v11, v10;
	s11 =	sshrl.u32 s5, $0x1;
	s5 =	smul.f32 $5.000000000e-01, s5  }
0x7b: {  	(xrf2) =	vadd.scan.msk.f32 $0xffff, v12;
	v12 =	vld [tilespmem:s0+$0xFFFFCDF0];
	s9 =	ssub.s32 $0x5F3759DF, s11  }
0x7c: {  	v11 =	vld [tilespmem:s0+$0xFFFFCDE0];
	(xrf2) =	vadd.scan.msk.f32 $0xffff, v10;
	s10 =	smul.f32 s9, s5  }
0x7d: {  	v10 =	vld [tilespmem:s0+$0xFFFFCE00]  }
0x7e: {  	s10 =	smul.f32 s9, s10;
	_ =	sdelay $0x1  }
0x7f: {  	v35 =	vadd.f32 v12, v30;
	s10 =	ssub.f32 $1.500000000e+00, s10  }
0x80: {  	v38 =	vadd.f32 v14, v8;
	v37 =	vadd.f32 v11, v9  }
0x81: {  	v34 =	vadd.f32 v10, v32;
	v12 =	vmul.f32 v35, v35;
	s9 =	smul.f32 s9, s10  }
0x82: {  	v0 =	vld [tilespmem:s3+$0xFFFFFFF0];
	v10 =	vmul.f32 v38, v38;
	v11 =	vmul.f32 v37, v37  }
0x83: {  	v14 =	vmul.f32 v34, v34;
	s10 =	smul.f32 s9, s5  }
0x84: {  	v15 =	vadd.f32 v37, v38;
	v10 =	vadd.f32 v11, v10;
	v27, _, _ =	vpop (xrf2)  }
0x85: {  	v11 =	vadd.f32 v14, v12;
	(v2sf) =	vpush v27, $0xF;
	v12, _, _ =	vpop (xrf2);
	s10 =	smul.f32 s10, s9  }
0x86: {  	v26 =	vadd.f32 v34, v35;
	(v2sf) =	vpush v12, $0xF;
	v12 =	vld [tilespmem:s3+$0xFFFFFFD0]  }
0x87: {  	v10 =	vadd.f32 v11, v10;
	v11 =	vld [tilespmem:s3+$0xFFFFFFE0];
	[tilespmem:$0x1FE70] =	vst v0;
	s10 =	ssub.f32 $1.500000000e+00, s10  }
0x88: {  	v14 =	vadd.f32 v26, v15;
	v26 =	vld [tilespmem:s0+$0xFFFFCD90]  }
0x89: {  	v15 =	vld [tilespmem:s0+$0xFFFFCDA0];
	s9 =	smul.f32 s10, s9  }
0x8a: {  	v39 =	vld [tilespmem:s0+$0xFFFFCDC0]  }
0x8b: {  	(xrf2) =	vadd.scan.msk.f32 $0xffff, v14;
	v14 =	vld [tilespmem:s3+$0xFFFFFFC0];
	s12 =	smul.f32 s9, s5;
	_ =	sdelay $0x1  }
0x8c: {  	s4 =	smul.f32 s12, s9;
	_ =	sdelay $0x1  }
0x8d: {  	v1 =	vld [tilespmem:$0x1FF90];
	v41 =	vadd.f32 v15, v12;
	s4 =	ssub.f32 $1.500000000e+00, s4  }
0x8e: {  	(xrf2) =	vadd.scan.msk.f32 $0xffff, v10;
	v15 =	vadd.f32 v39, v0;
	v42 =	vadd.f32 v26, v14;
	v26 =	vmov s6;
	v0 =	vld [tilespmem:$0x1FF80]  }
0x8f: {  	v27 =	vld [tilespmem:s0+$0xFFFFCDB0];
	v21 =	vsub.f32 v21, v26;
	s4 =	smul.f32 s4, s9  }
0x90: {  	v4 =	vld [tilespmem:$0x1FFC0];
	v23 =	vsub.f32 v23, v26  }
0x91: {  	v5 =	vld [tilespmem:$0x1FFD0];
	v21 =	vmul.f32 s4, v21  }
0x92: {  	v23 =	vmul.f32 s4, v23  }
0x93: {  	v21 =	vmul.f32 v21, v0  }
0x94: {  	v40 =	vadd.f32 v27, v11;
	v23 =	vmul.f32 v23, v1  }
0x95: {  	v24 =	vsub.f32 v24, v26;
	v21 =	vadd.f32 v21, v4  }
0x96: {  	v2 =	vld [tilespmem:$0x1FFA0];
	s25 =	simm.s32 $0xFD90;
	v25 =	vsub.f32 v25, v26;
	v23 =	vadd.f32 v23, v5  }
0x97: {  	v3 =	vld [tilespmem:$0x1FFB0];
	v51 =	vmul.f32 v40, v40;
	v43 =	vadd.f32 v15, v40;
	v44 =	vmul.f32 v15, v15;
	v27, _, _ =	vpop (xrf2);
	[tilespmem:s25+$0xFFFFCDD0] =	vst v21  }
0x98: {  	v45 =	vadd.f32 v41, v42;
	v46 =	vmul.f32 v42, v42;
	(v2sf) =	vpush v27, $0xF;
	v27, _, _ =	vpop (xrf2);
	v6 =	vld [tilespmem:$0x1FFE0];
	[tilespmem:s25+$0xFFFFCDE0] =	vst v23  }
0x99: {  	(v2sf) =	vpush v27, $0xF;
	v27 =	vmul.f32 v41, v41;
	v24 =	vmul.f32 s4, v24;
	v7 =	vld [tilespmem:$0x1FFF0]  }
0x9a: {  	v52 =	vadd.f32 v43, v45;
	v25 =	vmul.f32 s4, v25  }
0x9b: {  	v26 =	vadd.f32 v44, v51;
	v27 =	vadd.f32 v27, v46;
	v24 =	vmul.f32 v24, v2  }
0x9c: {  	(xrf2) =	vadd.scan.msk.f32 $0xffff, v52;
	v25 =	vmul.f32 v25, v3  }
0x9d: {  	s13 =	spop (v2sf);
	v26 =	vadd.f32 v26, v27;
	v21 =	vadd.f32 v24, v6  }
0x9e: {  	s3 =	smul.f32 $1.562500000e-02, s13;
	s15 =	spop (v2sf);
	v23 =	vadd.f32 v25, v7  }
0x9f: {  	s5 =	smul.f32 $1.562500000e-02, s15;
	(xrf2) =	vadd.scan.msk.f32 $0xffff, v26;
	[tilespmem:s25+$0xFFFFCDF0] =	vst v21  }
0xa0: {  	s16 =	smul.f32 s3, s3;
	[tilespmem:s25+$0xFFFFCE00] =	vst v23  }
0xa1: {  	v21 =	vld [tilespmem:s1+$0xFFFFFFD0]  }
0xa2: {  	s5 =	ssub.f32 s5, s16;
	v23 =	vld [tilespmem:s1+$0xFFFFFFE0]  }
0xa3: {  	v24 =	vld [tilespmem:s1+$0xFFFFFFF0]  }
0xa4: {  	s17 =	sadd.f32 $9.999999740e-06, s5;
	v25 =	vld [tilespmem:s1+$0x0];
	_ =	sdelay $0x1  }
0xa5: {  	s5 =	sshrl.u32 s17, $0x1;
	s18 =	smul.f32 $5.000000000e-01, s17;
	v26, _, _ =	vpop (xrf2)  }
0xa6: {  	s5 =	ssub.s32 $0x5F3759DF, s5;
	(v2sf) =	vpush v26, $0xF  }
0xa7: {  	s4 =	smul.f32 s5, s18;
	v17 =	vadd.f32 v21, v17;
	v18 =	vadd.f32 v23, v18  }
0xa8: {  	v21, _, _ =	vpop (xrf2);
	v16 =	vadd.f32 v24, v16;
	v19 =	vadd.f32 v25, v19  }
0xa9: {  	s19 =	smul.f32 s5, s4;
	s20 =	spop (v2sf);
	(v2sf) =	vpush v21, $0xF;
	v21 =	vmul.f32 v17, v17;
	v25 =	vmul.f32 v18, v18  }
0xaa: {  	s6 =	simm.s32 $0x19460;
	s4 =	smul.f32 $1.562500000e-02, s20;
	s11 =	spop (v2sf);
	v53 =	vmul.f32 v16, v16;
	v54 =	vmul.f32 v19, v19  }
0xab: {  	v27 =	vld [tilespmem:s6+$0x20];
	s9 =	ssub.f32 $1.500000000e+00, s19;
	s11 =	smul.f32 $1.562500000e-02, s11  }
0xac: {  	v26 =	vld [tilespmem:s6+$0x30];
	s19 =	simm.s32 $0x3690;
	s12 =	smul.f32 s4, s4;
	v21 =	vadd.f32 v25, v21;
	v25 =	vadd.f32 v54, v53  }
0xad: {  	v57 =	vld [tilespmem:s19+$0xFFFFCDD0];
	s13 =	smul.f32 s5, s9  }
0xae: {  	s21 =	ssub.f32 s11, s12;
	v21 =	vadd.f32 v25, v21;
	v25 =	vld [tilespmem:s6+$0xFFFFFFD0]  }
0xaf: {  	v59 =	vld [tilespmem:s19+$0xFFFFCDE0];
	s26 =	smul.f32 s13, s18;
	v55 =	vadd.f32 v18, v17;
	v56 =	vadd.f32 v19, v16  }
0xb0: {  	v60 =	vld [tilespmem:s19+$0xFFFFCDF0];
	s5 =	sadd.f32 $9.999999740e-06, s21  }
0xb1: {  	v61 =	vld [tilespmem:s19+$0xFFFFCE00];
	s11 =	smul.f32 s26, s13;
	v58 =	vadd.f32 v56, v55  }
0xb2: {  	s15 =	sshrl.u32 s5, $0x1;
	s5 =	smul.f32 $5.000000000e-01, s5;
	v23 =	vld [tilespmem:s6+$0x0]  }
0xb3: {  	s11 =	ssub.f32 $1.500000000e+00, s11;
	s12 =	ssub.s32 $0x5F3759DF, s15;
	v24 =	vld [tilespmem:s6+$0x10];
	(xrf2) =	vadd.scan.msk.f32 $0xffff, v58;
	[tilespmem:$0x1FED0] =	vst v25  }
0xb4: {  	s16 =	smul.f32 s12, s5;
	(xrf2) =	vadd.scan.msk.f32 $0xffff, v21;
	v21 =	vld [tilespmem:s6+$0xFFFFFFE0]  }
0xb5: {  	s11 =	smul.f32 s11, s13  }
0xb6: {  	s16 =	smul.f32 s12, s16  }
0xb7: {  	s10 =	smul.f32 s11, s18  }
0xb8: {  	s13 =	ssub.f32 $1.500000000e+00, s16  }
0xb9: {  	s17 =	smul.f32 s10, s11;
	[tilespmem:$0x1FEE0] =	vst v21  }
0xba: {  	s18 =	smul.f32 s12, s13;
	v10 =	vld [tilespmem:s6+$0xFFFFFFF0]  }
0xbb: {  	v62 =	vmov s3;
	s3 =	ssub.f32 $1.500000000e+00, s17  }
0xbc: {  	v47 =	vsub.f32 v22, v62;
	v50 =	vadd.f32 v60, v27;
	s12 =	smul.f32 s18, s5  }
0xbd: {  	s11 =	smul.f32 s3, s11;
	v54 =	vadd.f32 v57, v23;
	v53 =	vadd.f32 v59, v24  }
0xbe: {  	v49 =	vsub.f32 v20, v62;
	v48 =	vadd.f32 v61, v26;
	v52 =	vmul.f32 v50, v50;
	s12 =	smul.f32 s12, s18  }
0xbf: {  	v28 =	vsub.f32 v28, v62;
	v63 =	vmul.f32 v54, v54;
	v60 =	vmul.f32 v53, v53;
	[tilespmem:$0x1FEF0] =	vst v10  }
0xc0: {  	v36 =	vsub.f32 v36, v62;
	v62 =	vmul.f32 s11, v47;
	v55 =	vmul.f32 v48, v48;
	s26 =	ssub.f32 $1.500000000e+00, s12;
	v51 =	vld [tilespmem:s19+$0xFFFFCDB0]  }
0xc1: {  	v44 =	vadd.f32 v60, v63;
	v60 =	vmul.f32 s11, v49;
	v49 =	vmul.f32 s11, v28;
	v57 =	vld [tilespmem:s19+$0xFFFFCDC0]  }
0xc2: {  	s20 =	spop (v2sf);
	v46 =	vmul.f32 v62, v0;
	v58 =	vadd.f32 v48, v50;
	s9 =	smul.f32 s26, s18;
	v56 =	vadd.f32 v53, v54;
	v39 =	vld [tilespmem:s19+$0xFFFFCD90]  }
0xc3: {  	s3 =	smul.f32 $1.562500000e-02, s20;
	v36 =	vmul.f32 s11, v36;
	v61 =	vadd.f32 v55, v52;
	v49 =	vmul.f32 v49, v3;
	v43 =	vld [tilespmem:s19+$0xFFFFCDA0]  }
0xc4: {  	v45 =	vadd.f32 v46, v4;
	s5 =	smul.f32 s9, s5;
	v58 =	vadd.f32 v58, v56;
	v22 =	vld [tilespmem:s6+$0xFFFFFFC0]  }
0xc5: {  	s11 =	smul.f32 s3, s3;
	v44 =	vadd.f32 v61, v44;
	v61 =	vmul.f32 v36, v1;
	v55 =	vadd.f32 v49, v7;
	s21 =	spop (v2sf)  }
0xc6: {  	(xrf2) =	vadd.scan.msk.f32 $0xffff, v58;
	v63, _, _ =	vpop (xrf2);
	s6 =	smul.f32 $1.562500000e-02, s21;
	v28 =	vadd.f32 v51, v21;
	v36 =	vadd.f32 v57, v10  }
0xc7: {  	s5 =	smul.f32 s5, s9;
	(xrf2) =	vadd.scan.msk.f32 $0xffff, v44;
	v44 =	vadd.f32 v61, v5;
	(v2sf) =	vpush v63, $0xF;
	v59, _, _ =	vpop (xrf2)  }
0xc8: {  	(v2sf) =	vpush v59, $0xF;
	s10 =	ssub.f32 s6, s11;
	v46 =	vmul.f32 v28, v28;
	v62 =	vmul.f32 v36, v36  }
0xc9: {  	s12 =	ssub.f32 $1.500000000e+00, s5;
	v43 =	vadd.f32 v43, v25;
	v56 =	vadd.f32 v39, v22  }
0xca: {  	s10 =	sadd.f32 $9.999999740e-06, s10;
	v47 =	vadd.f32 v36, v28;
	v46 =	vadd.f32 v62, v46;
	v62 =	vmov s4  }
0xcb: {  	s9 =	smul.f32 s12, s9;
	v39 =	vmul.f32 v60, v2;
	v63 =	vadd.f32 v43, v56;
	v38 =	vsub.f32 v38, v62  }
0xcc: {  	s5 =	smul.f32 $5.000000000e-01, s10;
	s13 =	sshrl.u32 s10, $0x1;
	v60 =	vmul.f32 v43, v43;
	v61 =	vmul.f32 v56, v56;
	v37 =	vsub.f32 v37, v62  }
0xcd: {  	[tilespmem:s25+$0xFFFFCD90] =	vst v45;
	v39 =	vadd.f32 v39, v6;
	s4 =	ssub.s32 $0x5F3759DF, s13;
	v35 =	vsub.f32 v35, v62;
	v38 =	vmul.f32 s9, v38  }
0xce: {  	[tilespmem:s25+$0xFFFFCDA0] =	vst v44;
	v47 =	vadd.f32 v47, v63;
	s15 =	smul.f32 s4, s5;
	v34 =	vsub.f32 v34, v62;
	v37 =	vmul.f32 s9, v37  }
0xcf: {  	[tilespmem:s25+$0xFFFFCDC0] =	vst v55;
	v63 =	vadd.f32 v60, v61;
	v35 =	vmul.f32 s9, v35;
	v38 =	vmul.f32 v38, v0  }
0xd0: {  	[tilespmem:s25+$0xFFFFCDB0] =	vst v39;
	s10 =	smul.f32 s4, s15;
	v34 =	vmul.f32 s9, v34;
	v37 =	vmul.f32 v37, v1  }
0xd1: {  	v59 =	vld [tilespmem:s1+$0xFFFFFFA0];
	v52 =	vadd.f32 v46, v63;
	v35 =	vmul.f32 v35, v2;
	v38 =	vadd.f32 v38, v4  }
0xd2: {  	v61 =	vld [tilespmem:s1+$0xFFFFFFC0];
	(xrf2) =	vadd.scan.msk.f32 $0xffff, v47;
	s16 =	ssub.f32 $1.500000000e+00, s10;
	v34 =	vmul.f32 v34, v3;
	s10 =	simm.s32 $0xFE10;
	v37 =	vadd.f32 v37, v5  }
0xd3: {  	v57, _, _ =	vpop (xrf2);
	(xrf2) =	vadd.scan.msk.f32 $0xffff, v52;
	v35 =	vadd.f32 v35, v6;
	[tilespmem:s10+$0xFFFFCDD0] =	vst v38  }
0xd4: {  	v34 =	vadd.f32 v34, v7;
	[tilespmem:s10+$0xFFFFCDE0] =	vst v37  }
0xd5: {  	(v2sf) =	vpush v57, $0xF;
	v58, _, _ =	vpop (xrf2);
	[tilespmem:s10+$0xFFFFCDF0] =	vst v35  }
0xd6: {  	(v2sf) =	vpush v58, $0xF;
	[tilespmem:s10+$0xFFFFCE00] =	vst v34  }
0xd7: {  	v20 =	vadd.f32 v59, v33;
	v33 =	vadd.f32 v61, v29;
	v29 =	vld [tilespmem:s0+$0xFFFFFFF0]  }
0xd8: {  	v60 =	vld [tilespmem:s1+$0xFFFFFFB0];
	_ =	sdelay $0x1  }
0xd9: {  	v63 =	vld [tilespmem:s0+$0xFFFFFFE0]  }
0xda: {  	s17 =	spop (v2sf)  }
0xdb: {  	v39 =	vld [tilespmem:s1+$0xFFFFFF90];
	s1 =	smul.f32 $1.562500000e-02, s17;
	v62, _, _ =	vpop (xrf2);
	v10 =	vadd.f32 v29, v30  }
0xdc: {  	v35 =	vadd.f32 v60, v13;
	v37 =	vld [tilespmem:s0+$0xFFFFFFD0];
	(v2sf) =	vpush v62, $0xF;
	v13, _, _ =	vpop (xrf2)  }
0xdd: {  	s12 =	simm.s32 $0x194E0;
	s18 =	spop (v2sf);
	s20 =	smul.f32 s1, s1;
	(v2sf) =	vpush v13, $0xF;
	v13 =	vld [tilespmem:s0+$0x0];
	[tilespmem:$0x1FF10] =	vst v10  }
0xde: {  	s9 =	smul.f32 s4, s16;
	v45 =	vadd.f32 v63, v9;
	v63 =	vld [tilespmem:s12+$0x0]  }
0xdf: {  	s4 =	smul.f32 $1.562500000e-02, s18  }
0xe0: {  	s21 =	smul.f32 s9, s5  }
0xe1: {  	s4 =	ssub.f32 s4, s20  }
0xe2: {  	s26 =	smul.f32 s21, s9  }
0xe3: {  	s4 =	sadd.f32 $9.999999740e-06, s4;
	[tilespmem:$0x1FF40] =	vst v63  }
0xe4: {  	s21 =	spop (v2sf);
	s11 =	ssub.f32 $1.500000000e+00, s26;
	v21 =	vld [tilespmem:s12+$0x10]  }
0xe5: {  	s6 =	sshrl.u32 s4, $0x1;
	s4 =	smul.f32 $5.000000000e-01, s4;
	s26 =	spop (v2sf)  }
0xe6: {  	s17 =	smul.f32 $1.562500000e-02, s26  }
0xe7: {  	s13 =	smul.f32 s11, s9  }
0xe8: {  	s15 =	ssub.s32 $0x5F3759DF, s6;
	s11 =	smul.f32 $1.562500000e-02, s21  }
0xe9: {  	v31 =	vadd.f32 v39, v31;
	s18 =	smul.f32 s15, s4;
	[tilespmem:$0x1FF50] =	vst v21  }
0xea: {  	s20 =	smul.f32 s11, s11;
	v25 =	vld [tilespmem:s12+$0x20]  }
0xeb: {  	v52 =	vmul.f32 v31, v31;
	v55 =	vmul.f32 v20, v20;
	s16 =	smul.f32 s15, s18  }
0xec: {  	v44 =	vadd.f32 v20, v31;
	s5 =	smul.f32 s13, s5;
	s17 =	ssub.f32 s17, s20  }
0xed: {  	v60 =	vmul.f32 v33, v33;
	v38 =	vadd.f32 v55, v52;
	v58 =	vmul.f32 v35, v35;
	s16 =	ssub.f32 $1.500000000e+00, s16  }
0xee: {  	v57 =	vadd.f32 v33, v35;
	s6 =	smul.f32 s5, s13;
	v47 =	vadd.f32 v13, v32;
	s21 =	sadd.f32 $9.999999740e-06, s17  }
0xef: {  	v46 =	vadd.f32 v37, v8;
	v8 =	vadd.f32 v60, v58;
	s5 =	smul.f32 s15, s16;
	[tilespmem:$0x1FF60] =	vst v25  }
0xf0: {  	v59 =	vadd.f32 v57, v44;
	v61 =	vmul.f32 v10, v10;
	v13 =	vadd.f32 v47, v10;
	s26 =	sshrl.u32 s21, $0x1;
	s16 =	smul.f32 $5.000000000e-01, s21;
	v10 =	vld [tilespmem:s12+$0x30]  }
0xf1: {  	v29 =	vmul.f32 v46, v46;
	v30 =	vmul.f32 v45, v45;
	v8 =	vadd.f32 v8, v38;
	s21 =	ssub.s32 $0x5F3759DF, s26  }
0xf2: {  	(xrf2) =	vadd.scan.msk.f32 $0xffff, v59;
	v9 =	vadd.f32 v45, v46;
	v62 =	vmul.f32 v47, v47;
	s28 =	smul.f32 s21, s16  }
0xf3: {  	(xrf2) =	vadd.scan.msk.f32 $0xffff, v8;
	v8 =	vadd.f32 v30, v29;
	s20 =	ssub.f32 $1.500000000e+00, s6  }
0xf4: {  	v9 =	vadd.f32 v13, v9;
	v13 =	vadd.f32 v62, v61;
	s6 =	smul.f32 s21, s28;
	s15 =	spop (v2sf)  }
0xf5: {  	s17 =	simm.s32 $0x3710;
	s9 =	smul.f32 $1.562500000e-02, s15;
	s18 =	spop (v2sf);
	[tilespmem:$0x1FF70] =	vst v10  }
0xf6: {  	v30 =	vmov s3;
	(xrf2) =	vadd.scan.msk.f32 $0xffff, v9;
	v8 =	vadd.f32 v13, v8;
	s3 =	smul.f32 $1.562500000e-02, s18;
	v9 =	vld [tilespmem:s17+$0xFFFFCDD0]  }
0xf7: {  	s28 =	smul.f32 s9, s9;
	v13 =	vld [tilespmem:s17+$0xFFFFCDE0]  }
0xf8: {  	(xrf2) =	vadd.scan.msk.f32 $0xffff, v8;
	s15 =	ssub.f32 $1.500000000e+00, s6;
	v8 =	vld [tilespmem:s17+$0xFFFFCDF0]  }
0xf9: {  	s3 =	ssub.f32 s3, s28;
	v29 =	vld [tilespmem:s17+$0xFFFFCE00]  }
0xfa: {  	v42 =	vsub.f32 v42, v30;
	s21 =	smul.f32 s21, s15  }
0xfb: {  	v41 =	vsub.f32 v41, v30;
	v40 =	vsub.f32 v40, v30;
	s20 =	smul.f32 s20, s13;
	s3 =	sadd.f32 $9.999999740e-06, s3  }
0xfc: {  	v30 =	vsub.f32 v15, v30;
	s28 =	smul.f32 s21, s16;
	v55 =	vadd.f32 v9, v63  }
0xfd: {  	s29 =	sshrl.u32 s3, $0x1;
	s13 =	smul.f32 $5.000000000e-01, s3;
	v51 =	vadd.f32 v13, v21;
	v52 =	vadd.f32 v8, v25  }
0xfe: {  	v34, _, _ =	vpop (xrf2);
	v42 =	vmul.f32 s20, v42;
	s28 =	smul.f32 s28, s21;
	s6 =	ssub.s32 $0x5F3759DF, s29;
	v58 =	vld [tilespmem:s17+$0xFFFFCDA0];
	v49 =	vadd.f32 v29, v10;
	v29 =	vmul.f32 v55, v55  }
0xff: {  	(v2sf) =	vpush v34, $0xF;
	s29 =	smul.f32 s6, s13;
	v34 =	vld [tilespmem:s17+$0xFFFFCDC0];
	v37 =	vmul.f32 v51, v51;
	v38 =	vmul.f32 v52, v52  }
0x100: {  	s18 =	smul.f32 s5, s4;
	s28 =	ssub.f32 $1.500000000e+00, s28;
	v9, _, _ =	vpop (xrf2);
	v8 =	vld [tilespmem:s12+$0xFFFFFFD0];
	v59 =	vmul.f32 v49, v49;
	v60 =	vadd.f32 v51, v55;
	v61 =	vadd.f32 v49, v52  }
0x101: {  	v41 =	vmul.f32 s20, v41;
	s29 =	smul.f32 s6, s29;
	v10 =	vld [tilespmem:s12+$0xFFFFFFF0];
	(v2sf) =	vpush v9, $0xF;
	v29 =	vadd.f32 v37, v29  }
0x102: {  	v40 =	vmul.f32 s20, v40;
	s21 =	smul.f32 s28, s21;
	v63 =	vld [tilespmem:s17+$0xFFFFCD90];
	v13, _, _ =	vpop (xrf2);
	v39 =	vadd.f32 v59, v38;
	v32 =	vadd.f32 v61, v60  }
0x103: {  	v30 =	vmul.f32 s20, v30;
	v42 =	vmul.f32 v42, v0;
	s26 =	smul.f32 s18, s5;
	s15 =	ssub.f32 $1.500000000e+00, s29;
	v9 =	vld [tilespmem:s12+$0xFFFFFFE0];
	(v2sf) =	vpush v13, $0xF;
	v62, _, _ =	vpop (xrf2)  }
0x104: {  	v40 =	vmul.f32 v40, v2;
	s16 =	smul.f32 s21, s16;
	v13 =	vld [tilespmem:s12+$0xFFFFFFC0];
	(v2sf) =	vpush v62, $0xF;
	v29 =	vadd.f32 v39, v29;
	(xrf2) =	vadd.scan.msk.f32 $0xffff, v32  }
0x105: {  	v30 =	vmul.f32 v30, v3;
	s20 =	smul.f32 s6, s15;
	v60 =	vld [tilespmem:s17+$0xFFFFCDB0];
	v37 =	vadd.f32 v42, v4  }
0x106: {  	s18 =	smul.f32 s16, s21;
	v38 =	vadd.f32 v40, v6;
	[tilespmem:$0x1FE60] =	vst v10;
	(xrf2) =	vadd.scan.msk.f32 $0xffff, v29;
	v29 =	vmul.f32 v41, v1  }
0x107: {  	v30 =	vadd.f32 v30, v7;
	s6 =	smul.f32 s20, s13;
	[tilespmem:s10+$0xFFFFCD90] =	vst v37  }
0x108: {  	s3 =	ssub.f32 $1.500000000e+00, s18;
	v40 =	vadd.f32 v34, v10;
	[tilespmem:s10+$0xFFFFCDB0] =	vst v38;
	v29 =	vadd.f32 v29, v5  }
0x109: {  	s16 =	smul.f32 s6, s20;
	v42 =	vadd.f32 v58, v8;
	v37 =	vmov s11;
	[tilespmem:s10+$0xFFFFCDC0] =	vst v30;
	v57 =	vadd.f32 v63, v13  }
0x10a: {  	s21 =	smul.f32 s3, s21;
	v30 =	vsub.f32 v54, v37;
	v41 =	vadd.f32 v60, v9;
	[tilespmem:s10+$0xFFFFCDA0] =	vst v29  }
0x10b: {  	s16 =	ssub.f32 $1.500000000e+00, s16;
	v44 =	vmul.f32 v40, v40;
	v53 =	vsub.f32 v53, v37;
	v32 =	vmul.f32 v57, v57;
	v62 =	vld [tilespmem:s0+$0xFFFFFF90]  }
0x10c: {  	s26 =	ssub.f32 $1.500000000e+00, s26;
	v50 =	vsub.f32 v50, v37;
	v30 =	vmul.f32 s21, v30;
	v39 =	vmul.f32 v41, v41  }
0x10d: {  	s16 =	smul.f32 s16, s20;
	v34 =	vadd.f32 v42, v57;
	v53 =	vmul.f32 s21, v53;
	v29 =	vmul.f32 v42, v42  }
0x10e: {  	s12 =	smul.f32 s26, s5;
	v60 =	vadd.f32 v40, v41;
	v30 =	vmul.f32 v30, v0;
	v58 =	vadd.f32 v44, v39;
	v38, _, _ =	vpop (xrf2)  }
0x10f: {  	s26 =	spop (v2sf);
	s20 =	smul.f32 s16, s13;
	v29 =	vadd.f32 v29, v32;
	(v2sf) =	vpush v38, $0xF  }
0x110: {  	s5 =	smul.f32 $1.562500000e-02, s26;
	v44 =	vld [tilespmem:s0+$0xFFFFFFA0];
	v38 =	vmul.f32 v53, v1;
	v53 =	vadd.f32 v62, v14;
	v14 =	vadd.f32 v30, v4  }
0x111: {  	v48 =	vsub.f32 v48, v37;
	s13 =	simm.s32 $0xFE90;
	s20 =	smul.f32 s20, s16;
	v10 =	vld [tilespmem:s0+$0xFFFFFFB0];
	v34 =	vadd.f32 v60, v34;
	s11 =	spop (v2sf)  }
0x112: {  	v50 =	vmul.f32 s21, v50;
	v37 =	vld [tilespmem:s0+$0xFFFFFFC0];
	v29 =	vadd.f32 v58, v29;
	s15 =	spop (v2sf);
	s11 =	smul.f32 $1.562500000e-02, s11;
	v39, _, _ =	vpop (xrf2);
	[tilespmem:s13+$0xFFFFCDD0] =	vst v14  }
0x113: {  	v48 =	vmul.f32 s21, v48;
	(xrf2) =	vadd.scan.msk.f32 $0xffff, v34;
	s3 =	smul.f32 $1.562500000e-02, s15;
	s18 =	spop (v2sf);
	(v2sf) =	vpush v39, $0xF;
	v14 =	vld [tilespmem:$0x1FE70]  }
0x114: {  	(xrf2) =	vadd.scan.msk.f32 $0xffff, v29;
	v29 =	vmul.f32 v50, v2;
	s6 =	smul.f32 $1.562500000e-02, s18  }
0x115: {  	v54 =	vadd.f32 v44, v12;
	v30 =	vmul.f32 v48, v3;
	v12 =	vadd.f32 v38, v5;
	s18 =	smul.f32 s5, s5  }
0x116: {  	s20 =	ssub.f32 $1.500000000e+00, s20;
	v50 =	vadd.f32 v10, v11;
	s15 =	smul.f32 s3, s3;
	v10 =	vadd.f32 v29, v6  }
0x117: {  	v11 =	vmov s9;
	v29 =	vmul.f32 v53, v53;
	[tilespmem:s13+$0xFFFFCDE0] =	vst v12;
	v12 =	vadd.f32 v30, v7;
	s9 =	ssub.f32 s11, s18  }
0x118: {  	v30 =	vmul.f32 v54, v54;
	s11 =	smul.f32 s20, s16;
	s0 =	ssub.f32 s6, s15;
	[tilespmem:s13+$0xFFFFCDF0] =	vst v10;
	v48 =	vadd.f32 v37, v14;
	v14 =	vsub.f32 v56, v11  }
0x119: {  	v28 =	vsub.f32 v28, v11;
	v10 =	vsub.f32 v43, v11;
	[tilespmem:s13+$0xFFFFCE00] =	vst v12  }
0x11a: {  	v12 =	vadd.f32 v54, v53;
	v29 =	vadd.f32 v30, v29;
	s0 =	sadd.f32 $9.999999740e-06, s0;
	v30 =	vld [tilespmem:s19+$0xFFFFFFD0];
	v14 =	vmul.f32 s11, v14  }
0x11b: {  	s4 =	smul.f32 s12, s4;
	v10 =	vmul.f32 s11, v10;
	v62 =	vld [tilespmem:s19+$0xFFFFFFF0]  }
0x11c: {  	v28 =	vmul.f32 s11, v28;
	v61 =	vld [tilespmem:s19+$0xFFFFFFE0];
	s21 =	sshrl.u32 s0, $0x1;
	s16 =	smul.f32 $5.000000000e-01, s0;
	v60 =	vadd.f32 v48, v50;
	v14 =	vmul.f32 v14, v0  }
0x11d: {  	s4 =	smul.f32 s4, s12;
	v39 =	vmul.f32 v50, v50;
	s26 =	sadd.f32 $9.999999740e-06, s9;
	v63 =	vld [tilespmem:s19+$0x0];
	v11 =	vsub.f32 v36, v11;
	v10 =	vmul.f32 v10, v1;
	s20 =	ssub.s32 $0x5F3759DF, s21  }
0x11e: {  	v28 =	vmul.f32 v28, v2;
	s6 =	smul.f32 s20, s16;
	v58 =	vadd.f32 v60, v12;
	v12, _, _ =	vpop (xrf2);
	v14 =	vadd.f32 v14, v4  }
0x11f: {  	s0 =	smul.f32 $5.000000000e-01, s26;
	v11 =	vmul.f32 s11, v11;
	v32 =	vadd.f32 v10, v5;
	(v2sf) =	vpush v12, $0xF;
	v12, _, _ =	vpop (xrf2)  }
0x120: {  	s21 =	sshrl.u32 s26, $0x1;
	v44 =	vmul.f32 v48, v48;
	v10 =	vadd.f32 v62, v27;
	s15 =	smul.f32 s20, s6;
	s18 =	spop (v2sf);
	(v2sf) =	vpush v12, $0xF  }
0x121: {  	s21 =	ssub.s32 $0x5F3759DF, s21;
	v12 =	vadd.f32 v30, v23;
	v23 =	vmul.f32 v11, v3;
	v11 =	vadd.f32 v61, v24;
	s9 =	smul.f32 $1.562500000e-02, s18  }
0x122: {  	v24 =	vadd.f32 v28, v6;
	s18 =	smul.f32 s21, s0;
	s6 =	spop (v2sf);
	[tilespmem:s13+$0xFFFFCD90] =	vst v14;
	v14 =	vmov v10;
	v10 =	vadd.f32 v63, v26  }
0x123: {  	s4 =	ssub.f32 $1.500000000e+00, s4;
	v43 =	vadd.f32 v44, v39;
	[tilespmem:s13+$0xFFFFCDA0] =	vst v32;
	v23 =	vadd.f32 v23, v7;
	v28 =	vmul.f32 v12, v12;
	s11 =	smul.f32 $1.562500000e-02, s6  }
0x124: {  	v30 =	vmul.f32 v11, v11;
	[tilespmem:s13+$0xFFFFCDB0] =	vst v24;
	s28 =	smul.f32 s9, s9;
	v26 =	vadd.f32 v11, v12;
	v27 =	vadd.f32 v10, v14  }
0x125: {  	s4 =	smul.f32 s4, s12;
	s12 =	simm.s32 $0x19560;
	s15 =	ssub.f32 $1.500000000e+00, s15;
	v24 =	vmul.f32 v14, v14;
	[tilespmem:$0x1FE80] =	vst v10;
	v34 =	vmul.f32 v10, v10  }
0x126: {  	v29 =	vadd.f32 v43, v29;
	s26 =	smul.f32 s21, s18;
	s11 =	ssub.f32 s11, s28;
	[tilespmem:s13+$0xFFFFCDC0] =	vst v23;
	v10 =	vld [tilespmem:s12+$0x0];
	v23 =	vadd.f32 v27, v26  }
0x127: {  	(xrf2) =	vadd.scan.msk.f32 $0xffff, v58;
	s28 =	smul.f32 s20, s15;
	v43 =	vld [tilespmem:s19+$0xFFFFFF90];
	v26 =	vadd.f32 v30, v28;
	v24 =	vadd.f32 v34, v24  }
0x128: {  	(xrf2) =	vadd.scan.msk.f32 $0xffff, v29;
	s11 =	sadd.f32 $9.999999740e-06, s11;
	v21 =	vld [tilespmem:s19+$0xFFFFFFA0]  }
0x129: {  	s26 =	ssub.f32 $1.500000000e+00, s26;
	s29 =	smul.f32 s28, s16;
	v28 =	vld [tilespmem:s12+$0x10];
	(xrf2) =	vadd.scan.msk.f32 $0xffff, v23;
	v23 =	vadd.f32 v24, v26;
	v24 =	vmov s1  }
0x12a: {  	v27 =	vld [tilespmem:s12+$0x20];
	s20 =	smul.f32 $5.000000000e-01, s11;
	v61 =	vsub.f32 v18, v24;
	v18 =	vmov s5  }
0x12b: {  	v30 =	vld [tilespmem:s12+$0x30];
	s30 =	sshrl.u32 s11, $0x1;
	s11 =	smul.f32 s21, s26;
	s21 =	simm.s32 $0x3790;
	v60 =	vsub.f32 v17, v24;
	v17 =	vmov v10;
	v10 =	vsub.f32 v31, v18  }
0x12c: {  	s6 =	smul.f32 s29, s28;
	s29 =	ssub.s32 $0x5F3759DF, s30;
	v36 =	vld [tilespmem:s21+$0xFFFFCDD0]  }
0x12d: {  	v34 =	vld [tilespmem:s21+$0xFFFFCDE0];
	s30 =	smul.f32 s29, s20;
	[tilespmem:$0x1FE90] =	vst v10;
	v10 =	vsub.f32 v20, v18  }
0x12e: {  	s26 =	ssub.f32 $1.500000000e+00, s6  }
0x12f: {  	s30 =	smul.f32 s29, s30;
	v31 =	vld [tilespmem:s21+$0xFFFFCDF0];
	[tilespmem:$0x1FEA0] =	vst v10;
	v10 =	vsub.f32 v35, v18  }
0x130: {  	(xrf2) =	vadd.scan.msk.f32 $0xffff, v23;
	s1 =	smul.f32 s26, s28  }
0x131: {  	s15 =	spop (v2sf);
	s18 =	ssub.f32 $1.500000000e+00, s30;
	[tilespmem:$0x1FEB0] =	vst v10;
	v10 =	vsub.f32 v33, v18  }
0x132: {  	v15 =	vld [tilespmem:$0x1FED0];
	s5 =	smul.f32 $1.562500000e-02, s15  }
0x133: {  	v63 =	vsub.f32 v19, v24;
	v23, _, _ =	vpop (xrf2);
	s26 =	smul.f32 s29, s18;
	v20 =	vld [tilespmem:s21+$0xFFFFCE00];
	[tilespmem:$0x1FEC0] =	vst v10  }
0x134: {  	v62 =	vsub.f32 v16, v24;
	v26, _, _ =	vpop (xrf2);
	(v2sf) =	vpush v23, $0xF;
	v24 =	vld [tilespmem:s12+$0xFFFFFFD0]  }
0x135: {  	(v2sf) =	vpush v26, $0xF;
	v39 =	vmov s5;
	s29 =	smul.f32 s26, s20;
	v26 =	vld [tilespmem:s12+$0xFFFFFFE0]  }
0x136: {  	v59 =	vsub.f32 v57, v39;
	v57 =	vsub.f32 v42, v39;
	v16 =	vld [tilespmem:s12+$0xFFFFFFF0]  }
0x137: {  	v58 =	vsub.f32 v41, v39;
	v56 =	vsub.f32 v40, v39;
	v39 =	vld [tilespmem:s21+$0xFFFFCD90];
	s29 =	smul.f32 s29, s26  }
0x138: {  	v15 =	vadd.f32 v21, v15;
	v35 =	vadd.f32 v34, v28;
	v40 =	vld [tilespmem:s21+$0xFFFFCDB0]  }
0x139: {  	s28 =	spop (v2sf);
	v33 =	vadd.f32 v36, v17;
	v44, _, _ =	vpop (xrf2);
	v34 =	vadd.f32 v31, v27;
	v42 =	vld [tilespmem:s21+$0xFFFFCDC0];
	s29 =	ssub.f32 $1.500000000e+00, s29  }
0x13a: {  	s28 =	smul.f32 $1.562500000e-02, s28;
	v25 =	vmul.f32 v35, v35;
	(v2sf) =	vpush v44, $0xF;
	v38 =	vld [tilespmem:s21+$0xFFFFCDA0];
	v41, _, _ =	vpop (xrf2);
	v36 =	vadd.f32 v20, v30  }
0x13b: {  	v37 =	vmul.f32 v33, v33;
	v10 =	vadd.f32 v43, v22;
	v31 =	vld [tilespmem:s12+$0xFFFFFFC0];
	(v2sf) =	vpush v41, $0xF;
	s26 =	smul.f32 s29, s26  }
0x13c: {  	s5 =	smul.f32 s5, s5;
	v43 =	vmul.f32 v34, v34;
	v41 =	vadd.f32 v35, v33;
	v32 =	vadd.f32 v36, v34  }
0x13d: {  	v21 =	vmovc v10;
	v10 =	vadd.f32 v25, v37;
	v22 =	vmul.f32 v36, v36;
	v40 =	vadd.f32 v40, v26;
	s20 =	smul.f32 s26, s20  }
0x13e: {  	s5 =	ssub.f32 s28, s5;
	v44 =	vadd.f32 v32, v41;
	v41 =	vadd.f32 v42, v16  }
0x13f: {  	v22 =	vadd.f32 v22, v43;
	v42 =	vadd.f32 v38, v24;
	s20 =	smul.f32 s20, s26  }
0x140: {  	s5 =	sadd.f32 $9.999999740e-06, s5;
	v43 =	vadd.f32 v39, v31;
	v37 =	vmul.f32 v40, v40;
	v38 =	vmul.f32 v41, v41  }
0x141: {  	s16 =	smul.f32 s1, s16;
	v32 =	vadd.f32 v22, v10;
	v10 =	vmul.f32 v42, v42;
	v39 =	vadd.f32 v41, v40;
	s15 =	ssub.f32 $1.500000000e+00, s20  }
0x142: {  	s12 =	smul.f32 $5.000000000e-01, s5;
	v22 =	vmul.f32 v43, v43;
	v37 =	vadd.f32 v38, v37;
	v38 =	vmov s9  }
0x143: {  	s29 =	sshrl.u32 s5, $0x1;
	v25 =	vmovc v16;
	v16 =	vld [tilespmem:$0x1FEE0];
	(xrf2) =	vadd.scan.msk.f32 $0xffff, v44;
	v44 =	vadd.f32 v42, v43;
	s9 =	smul.f32 s15, s26;
	v55 =	vsub.f32 v55, v38  }
0x144: {  	s16 =	smul.f32 s16, s1;
	s6 =	ssub.s32 $0x5F3759DF, s29;
	v22 =	vadd.f32 v10, v22;
	v10 =	vld [tilespmem:s19+$0xFFFFFFB0]  }
0x145: {  	s29 =	smul.f32 s6, s12;
	v39 =	vadd.f32 v39, v44;
	v44 =	vmul.f32 s9, v55  }
0x146: {  	s28 =	smul.f32 s11, s0;
	(xrf2) =	vadd.scan.msk.f32 $0xffff, v32;
	v32 =	vsub.f32 v51, v38  }
0x147: {  	s29 =	smul.f32 s6, s29;
	v44 =	vmul.f32 v44, v0  }
0x148: {  	s16 =	ssub.f32 $1.500000000e+00, s16;
	v51 =	vsub.f32 v52, v38;
	v32 =	vmul.f32 s9, v32;
	v55 =	vsub.f32 v49, v38  }
0x149: {  	s20 =	smul.f32 s28, s11;
	s28 =	ssub.f32 $1.500000000e+00, s29;
	v10 =	vadd.f32 v10, v16;
	v16 =	vadd.f32 v44, v4  }
0x14a: {  	s30 =	simm.s32 $0xFF10;
	s1 =	smul.f32 s16, s1;
	v52 =	vmul.f32 s9, v51;
	v32 =	vmul.f32 v32, v1  }
0x14b: {  	s18 =	spop (v2sf);
	s26 =	smul.f32 s6, s28;
	v22 =	vadd.f32 v37, v22;
	(xrf2) =	vadd.scan.msk.f32 $0xffff, v39;
	v39 =	vld [tilespmem:s19+$0xFFFFFFC0];
	v37 =	vmul.f32 s9, v55;
	[tilespmem:s30+$0xFFFFCDD0] =	vst v16  }
0x14c: {  	s5 =	smul.f32 $1.562500000e-02, s18;
	v55 =	vmul.f32 v52, v2;
	v32 =	vadd.f32 v32, v5;
	v16 =	vld [tilespmem:$0x1FEF0]  }
0x14d: {  	s6 =	spop (v2sf);
	s28 =	smul.f32 s26, s12;
	v37 =	vmul.f32 v37, v3  }
0x14e: {  	v38 =	vmov s3;
	s3 =	smul.f32 $1.562500000e-02, s6;
	v44 =	vadd.f32 v55, v6;
	[tilespmem:s30+$0xFFFFCDE0] =	vst v32  }
0x14f: {  	s18 =	spop (v2sf);
	s15 =	smul.f32 s28, s26;
	v32 =	vadd.f32 v37, v7;
	[tilespmem:$0x1FF00] =	vst v15  }
0x150: {  	v51 =	vadd.f32 v15, v21;
	v49 =	vsub.f32 v46, v38;
	v46 =	vmul.f32 s4, v63;
	s29 =	smul.f32 $1.562500000e-02, s18;
	s6 =	spop (v2sf);
	[tilespmem:s30+$0xFFFFCDF0] =	vst v44  }
0x151: {  	s20 =	ssub.f32 $1.500000000e+00, s20;
	v52 =	vmul.f32 v21, v21;
	s9 =	smul.f32 $1.562500000e-02, s6;
	v63, _, _ =	vpop (xrf2);
	v37 =	vmul.f32 v15, v15;
	v15 =	vld [tilespmem:$0x1FF10];
	[tilespmem:s30+$0xFFFFCE00] =	vst v32;
	v16 =	vadd.f32 v39, v16  }
0x152: {  	(xrf2) =	vadd.scan.msk.f32 $0xffff, v22;
	s16 =	ssub.f32 $1.500000000e+00, s15;
	s19 =	smul.f32 s29, s29;
	(v2sf) =	vpush v63, $0xF;
	[tilespmem:$0x1FF20] =	vst v10  }
0x153: {  	s31 =	smul.f32 s20, s11;
	v44, _, _ =	vpop (xrf2);
	v37 =	vadd.f32 v37, v52;
	v39 =	vmul.f32 v10, v10;
	[tilespmem:$0x1FF30] =	vst v16;
	v63 =	vadd.f32 v16, v10;
	v10 =	vld [tilespmem:$0x1FF40]  }
0x154: {  	s16 =	smul.f32 s16, s26;
	s9 =	ssub.f32 s9, s19;
	v52 =	vmul.f32 v46, v3;
	(v2sf) =	vpush v44, $0xF;
	v55 =	vmul.f32 v16, v16;
	v44 =	vld [tilespmem:s17+$0xFFFFFFD0]  }
0x155: {  	v47 =	vsub.f32 v47, v38;
	s28 =	smul.f32 s5, s5  }
0x156: {  	s15 =	smul.f32 s16, s12;
	s9 =	sadd.f32 $9.999999740e-06, s9;
	v52 =	vadd.f32 v52, v7;
	v39 =	vadd.f32 v55, v39  }
0x157: {  	s12 =	smul.f32 s31, s0;
	v46 =	vmul.f32 s4, v60  }
0x158: {  	v47 =	vmul.f32 s1, v47;
	s18 =	sshrl.u32 s9, $0x1;
	s0 =	smul.f32 $5.000000000e-01, s9;
	[tilespmem:s25+$0x0] =	vst v52;
	v37 =	vadd.f32 v39, v37;
	v39 =	vld [tilespmem:s17+$0xFFFFFFE0]  }
0x159: {  	s3 =	ssub.f32 s3, s28;
	s20 =	smul.f32 s15, s16;
	s9 =	ssub.s32 $0x5F3759DF, s18;
	v55 =	vmul.f32 s4, v61;
	v61 =	vmul.f32 v46, v0;
	v46 =	vadd.f32 v44, v10;
	v10 =	vld [tilespmem:$0x1FF50]  }
0x15a: {  	v47 =	vmul.f32 v47, v3;
	s26 =	smul.f32 s9, s0  }
0x15b: {  	v45 =	vsub.f32 v45, v38;
	s3 =	sadd.f32 $9.999999740e-06, s3;
	v60 =	vmul.f32 s4, v62;
	v32 =	vadd.f32 v63, v51;
	v51, _, _ =	vpop (xrf2)  }
0x15c: {  	v62 =	vadd.f32 v47, v7;
	s11 =	smul.f32 s9, s26;
	s4 =	ssub.f32 $1.500000000e+00, s20;
	(v2sf) =	vpush v51, $0xF;
	v51, _, _ =	vpop (xrf2);
	v44 =	vmul.f32 v55, v1  }
0x15d: {  	s6 =	sshrl.u32 s3, $0x1;
	s28 =	smul.f32 $5.000000000e-01, s3;
	(v2sf) =	vpush v51, $0xF;
	v51 =	vld [tilespmem:s17+$0xFFFFFFF0];
	v55 =	vmul.f32 v60, v2;
	v60 =	vadd.f32 v61, v4  }
0x15e: {  	v47 =	vmul.f32 s1, v45;
	s15 =	ssub.s32 $0x5F3759DF, s6;
	s18 =	ssub.f32 $1.500000000e+00, s11;
	s16 =	smul.f32 s4, s16;
	v61 =	vadd.f32 v44, v5;
	v45 =	vadd.f32 v39, v10;
	v10 =	vld [tilespmem:$0x1FF60]  }
0x15f: {  	v49 =	vmul.f32 s1, v49;
	s19 =	smul.f32 s15, s28;
	v55 =	vadd.f32 v55, v6;
	[tilespmem:s25+$0xFFFFFFD0] =	vst v60  }
0x160: {  	s4 =	smul.f32 s9, s18;
	v52 =	vmul.f32 s16, v59;
	v59 =	vmul.f32 s16, v57;
	[tilespmem:s25+$0xFFFFFFE0] =	vst v61  }
0x161: {  	v38 =	vsub.f32 v15, v38;
	s20 =	smul.f32 s15, s19;
	v39 =	vmov s5;
	[tilespmem:s25+$0xFFFFFFF0] =	vst v55  }
0x162: {  	v49 =	vmul.f32 v49, v0;
	(xrf2) =	vadd.scan.msk.f32 $0xffff, v32;
	s6 =	smul.f32 s4, s0;
	v32 =	vsub.f32 v53, v39;
	v53 =	vmul.f32 v59, v1;
	v59 =	vld [tilespmem:$0x1FF70]  }
0x163: {  	v63 =	vmul.f32 s1, v38;
	(xrf2) =	vadd.scan.msk.f32 $0xffff, v37;
	v52 =	vmul.f32 v52, v0;
	v44 =	vadd.f32 v51, v10;
	v51 =	vld [tilespmem:s17+$0x0]  }
0x164: {  	v49 =	vadd.f32 v49, v4;
	v57 =	vmul.f32 s16, v58;
	v58 =	vmul.f32 s16, v56;
	s1 =	smul.f32 s6, s4;
	s5 =	ssub.f32 $1.500000000e+00, s20  }
0x165: {  	s26 =	smul.f32 s12, s31;
	s11 =	spop (v2sf);
	v52 =	vadd.f32 v52, v4;
	v55 =	vmul.f32 v47, v1;
	v37 =	vsub.f32 v54, v39  }
0x166: {  	s1 =	ssub.f32 $1.500000000e+00, s1;
	v38 =	vsub.f32 v50, v39;
	v54 =	vmul.f32 v57, v2;
	v50 =	vmul.f32 v58, v3;
	s3 =	smul.f32 s15, s5  }
0x167: {  	s12 =	spop (v2sf);
	[tilespmem:s10+$0x0] =	vst v62;
	v62 =	vmul.f32 v63, v2;
	s5 =	smul.f32 $1.562500000e-02, s11;
	v63 =	vadd.f32 v45, v46;
	v60 =	vadd.f32 v53, v5  }
0x168: {  	[tilespmem:s30+$0xFFFFCD90] =	vst v52;
	v1 =	vmul.f32 v46, v46;
	s11 =	smul.f32 $1.562500000e-02, s12;
	v61 =	vadd.f32 v54, v6;
	v47 =	vadd.f32 v51, v59  }
0x169: {  	v2 =	vmul.f32 v45, v45;
	s12 =	smul.f32 s1, s4;
	v50 =	vadd.f32 v50, v7;
	v54 =	vadd.f32 v62, v6;
	[tilespmem:s30+$0xFFFFCDA0] =	vst v60  }
0x16a: {  	s23 =	smov.u32 s7;
	s15 =	smul.f32 s5, s5;
	[tilespmem:s30+$0xFFFFCDB0] =	vst v61;
	v3 =	vmul.f32 v44, v44;
	v0 =	vadd.f32 v47, v44;
	v4 =	vmul.f32 v47, v47  }
0x16b: {  	s7 =	simm.s32 $0x0;
	s19 =	simm.s32 $0xFF10;
	s16 =	ssub.f32 $1.500000000e+00, s26;
	[tilespmem:s30+$0xFFFFCDC0] =	vst v50;
	v60 =	vadd.f32 v55, v5;
	v61 =	vadd.f32 v2, v1  }
0x16c: {  	[tilespmem:s10+$0xFFFFFFD0] =	vst v49;
	s4 =	simm.s32 $0x195E0;
	s9 =	smul.f32 s12, s0;
	v62, _, _ =	vpop (xrf2);
	s18 =	ssub.f32 s11, s15;
	v56 =	vld [tilespmem:s17+$0xFFFFFF90];
	v52 =	vadd.f32 v0, v63;
	v53 =	vadd.f32 v4, v3  }
0x16d: {  	v39 =	vsub.f32 v48, v39;
	s0 =	simm.s32 $0x3790;
	[tilespmem:s10+$0xFFFFFFF0] =	vst v54;
	s11 =	smul.f32 s3, s28;
	(v2sf) =	vpush v62, $0xF;
	v58 =	vld [tilespmem:s17+$0xFFFFFFA0];
	s26 =	spop (v2sf);
	v63, _, _ =	vpop (xrf2)  }
0x16e: {  	s1 =	simm.s32 $0x8;
	[tilespmem:s10+$0xFFFFFFE0] =	vst v60;
	s20 =	smul.f32 $1.562500000e-02, s26;
	s26 =	sadd.f32 $9.999999740e-06, s18;
	v59 =	vld [tilespmem:s17+$0xFFFFFFB0];
	(v2sf) =	vpush v63, $0xF;
	(xrf2) =	vadd.scan.msk.f32 $0xffff, v52;
	v49 =	vadd.f32 v53, v61  }
.LBB2_3:
0x16f: {  	v48 =	vld [tilespmem:s4+$0x0]  }
0x170: {  	v51 =	vld [tilespmem:s4+$0x10]  }
0x171: {  	v50 =	vld [tilespmem:s4+$0x30]  }
0x172: {  	v0 =	vld [tilespmem:$0x1FE80]  }
0x173: {  	v16 =	vmov v24;
	v24 =	vld [tilespmem:s4+$0xFFFFFFD0]  }
0x174: {  	v15 =	vld [tilespmem:$0x1FFF0];
	s9 =	smul.f32 s9, s12  }
0x175: {  	v2 =	vld [tilespmem:$0x1FE90]  }
0x176: {  	v3 =	vld [tilespmem:$0x1FEA0];
	(xrf2) =	vadd.scan.msk.f32 $0xffff, v49;
	v53 =	vmov s20;
	s9 =	ssub.f32 $1.500000000e+00, s9  }
0x177: {  	v20 =	vmovc v44;
	v44 =	vld [tilespmem:$0x1FEB0];
	s18 =	sshrl.u32 s26, $0x1;
	s26 =	smul.f32 $5.000000000e-01, s26;
	v54 =	vsub.f32 v43, v53;
	v52 =	vsub.f32 v40, v53;
	v40 =	vmov s29  }
0x178: {  	s21 =	sadd.s32 $0x80, s21;
	v49 =	vld [tilespmem:s4+$0x20];
	v55 =	vsub.f32 v42, v53;
	s12 =	smul.f32 s9, s12;
	v63 =	vsub.f32 v0, v40  }
0x179: {  	v22 =	vmovc v31;
	v29 =	vmov v28;
	v31 =	vld [tilespmem:s21+$0xFFFFCDE0];
	s18 =	ssub.s32 $0x5F3759DF, s18;
	v53 =	vsub.f32 v41, v53;
	v5 =	vsub.f32 v12, v40  }
0x17a: {  	v28 =	vmovc v17;
	v17 =	vmovc v26;
	s15 =	smul.f32 s18, s26;
	v26 =	vmul.f32 s12, v63;
	v63 =	vsub.f32 v11, v40;
	v40 =	vsub.f32 v14, v40;
	v14 =	vld [tilespmem:$0x1FFB0]  }
0x17b: {  	v41 =	vld [tilespmem:s21+$0xFFFFCDD0];
	v57 =	vadd.f32 v56, v13;
	v56 =	vadd.f32 v58, v8  }
0x17c: {  	v43 =	vld [tilespmem:s21+$0xFFFFCDF0];
	s15 =	smul.f32 s18, s15  }
0x17d: {  	v42 =	vld [tilespmem:s21+$0xFFFFCE00];
	v58 =	vmul.f32 v57, v57;
	v61 =	vmul.f32 v56, v56  }
0x17e: {  	v4 =	vmov v47;
	v19 =	vmov v45;
	v12 =	vld [tilespmem:$0x1FF90];
	v47 =	vadd.f32 v59, v9;
	s9 =	ssub.f32 $1.500000000e+00, s15;
	s15 =	smul.f32 s16, s31  }
0x17f: {  	[tilespmem:$0x1FE80] =	vst v4;
	s20 =	smul.f32 s20, s20;
	v59 =	vld [tilespmem:s4+$0xFFFFFFF0];
	v45 =	vadd.f32 v61, v58;
	v58 =	vmul.f32 s12, v5;
	v62, _, _ =	vpop (xrf2);
	s6 =	spop (v2sf);
	v4 =	vmul.f32 v26, v14  }
0x180: {  	v61 =	vmul.f32 s15, v2;
	v2 =	vadd.f32 v31, v51;
	v31 =	vld [tilespmem:s4+$0xFFFFFFC0];
	(v2sf) =	vpush v62, $0xF;
	s6 =	smul.f32 $1.562500000e-02, s6;
	v5, _, _ =	vpop (xrf2)  }
0x181: {  	s16 =	smul.f32 s18, s9;
	v62 =	vld [tilespmem:s21+$0xFFFFCD90];
	s18 =	spop (v2sf);
	(v2sf) =	vpush v5, $0xF;
	v5 =	vmov v32;
	v0 =	vadd.f32 v4, v15  }
0x182: {  	v26 =	vld [tilespmem:s4+$0xFFFFFFE0];
	s6 =	ssub.f32 s6, s20;
	[tilespmem:$0x1FE90] =	vst v5  }
0x183: {  	v1 =	vadd.f32 v41, v48;
	s20 =	smul.f32 s16, s26;
	v32 =	vmovc v37;
	[tilespmem:s13+$0x0] =	vst v0;
	v0 =	vmul.f32 s15, v44;
	v44 =	vmul.f32 s12, v63;
	v63 =	vld [tilespmem:$0x1FEC0]  }
0x184: {  	s11 =	smul.f32 s11, s3;
	v41 =	vmul.f32 s15, v3;
	v3 =	vadd.f32 v42, v50;
	v37 =	vadd.f32 v43, v49;
	v43 =	vmovc v39;
	[tilespmem:$0x1FEA0] =	vst v32;
	v32 =	vld [tilespmem:s21+$0xFFFFCDA0];
	s6 =	sadd.f32 $9.999999740e-06, s6  }
0x185: {  	v42 =	vadd.f32 v2, v1;
	v39 =	vld [tilespmem:s21+$0xFFFFCDC0];
	s20 =	smul.f32 s20, s16;
	v4 =	vmov v38;
	[tilespmem:$0x1FEC0] =	vst v43  }
0x186: {  	s9 =	ssub.f32 $1.500000000e+00, s11;
	v5 =	vmul.f32 v2, v2;
	v38 =	vld [tilespmem:s21+$0xFFFFCDB0];
	v43 =	vadd.f32 v3, v37;
	s29 =	sshrl.u32 s6, $0x1;
	s11 =	smul.f32 $5.000000000e-01, s6;
	[tilespmem:$0x1FEB0] =	vst v4;
	v4 =	vmul.f32 v1, v1  }
0x187: {  	v7 =	vmul.f32 v3, v3;
	s18 =	smul.f32 $1.562500000e-02, s18;
	v6 =	vmul.f32 v37, v37;
	s20 =	ssub.f32 $1.500000000e+00, s20;
	s29 =	ssub.s32 $0x5F3759DF, s29  }
0x188: {  	v8 =	vld [tilespmem:s17+$0xFFFFFFC0];
	v43 =	vadd.f32 v43, v42;
	v4 =	vadd.f32 v5, v4;
	v63 =	vmul.f32 s15, v63;
	s15 =	smul.f32 s29, s11  }
0x189: {  	v5 =	vadd.f32 v7, v6;
	s16 =	smul.f32 s20, s16;
	v42 =	vadd.f32 v32, v24;
	v32 =	vld [tilespmem:$0x1FE60]  }
0x18a: {  	v7 =	vmul.f32 v41, v12;
	v41 =	vadd.f32 v39, v59;
	(xrf2) =	vadd.scan.msk.f32 $0xffff, v43;
	v43 =	vadd.f32 v62, v31;
	s15 =	smul.f32 s29, s15  }
0x18b: {  	v9 =	vmul.f32 s12, v40;
	s6 =	spop (v2sf);
	v40 =	vadd.f32 v38, v26;
	v4 =	vadd.f32 v5, v4;
	s20 =	smul.f32 s16, s26  }
0x18c: {  	v25 =	vmovc v25;
	v60 =	vadd.f32 v56, v57;
	v23 =	vmovc v57;
	s12 =	smul.f32 $1.562500000e-02, s6;
	v6 =	vmov s18;
	v5 =	vmul.f32 v42, v42;
	s15 =	ssub.f32 $1.500000000e+00, s15  }
0x18d: {  	v62 =	vmul.f32 v41, v41;
	v10 =	vmul.f32 v43, v43;
	v39 =	vadd.f32 v41, v40;
	(xrf2) =	vadd.scan.msk.f32 $0xffff, v4;
	s6 =	smul.f32 s20, s16  }
0x18e: {  	v38 =	vmul.f32 v40, v40;
	v4 =	vadd.f32 v8, v32;
	v32 =	vsub.f32 v21, v6;
	v21 =	vmovc v23;
	v23 =	vld [tilespmem:$0x1FF00];
	s15 =	smul.f32 s29, s15  }
0x18f: {  	v18 =	vmovc v46;
	v46 =	vmul.f32 v47, v47;
	s18 =	smul.f32 s18, s18;
	v8 =	vadd.f32 v42, v43;
	v5 =	vadd.f32 v5, v10;
	s6 =	ssub.f32 $1.500000000e+00, s6  }
0x190: {  	v11 =	vld [tilespmem:$0x1FF80];
	v10 =	vmov s5;
	v38 =	vadd.f32 v62, v38;
	v57 =	vadd.f32 v4, v47;
	s26 =	smul.f32 s15, s11  }
0x191: {  	[tilespmem:$0x1FE60] =	vst v25;
	v25 =	vmov v59;
	v8 =	vadd.f32 v39, v8;
	v39 =	vsub.f32 v33, v10;
	s5 =	smul.f32 s6, s16  }
0x192: {  	v62 =	vmul.f32 v4, v4;
	v33 =	vmovc v1;
	v1 =	vadd.f32 v38, v5;
	v57 =	vadd.f32 v57, v60;
	s20 =	smul.f32 s26, s15;
	s26 =	spop (v2sf)  }
0x193: {  	v13 =	vld [tilespmem:$0x1FFA0];
	(xrf2) =	vadd.scan.msk.f32 $0xffff, v8;
	v60 =	vsub.f32 v34, v10;
	v34 =	vmovc v37;
	v37 =	vsub.f32 v23, v6;
	v23 =	vmov v56;
	s29 =	smul.f32 $1.562500000e-02, s26;
	s16 =	spop (v2sf)  }
0x194: {  	v59 =	vmul.f32 v63, v14;
	v5 =	vsub.f32 v35, v10;
	v46 =	vadd.f32 v62, v46;
	[tilespmem:$0x1FF00] =	vst v23;
	v23 =	vld [tilespmem:$0x1FF20];
	s20 =	ssub.f32 $1.500000000e+00, s20;
	s6 =	smul.f32 $1.562500000e-02, s16  }
0x195: {  	v8 =	vmul.f32 v58, v11;
	v10 =	vsub.f32 v36, v10;
	v58 =	vmul.f32 s5, v39;
	v56 =	vld [tilespmem:$0x1FFD0];
	v63, _, _ =	vpop (xrf2);
	s26 =	smul.f32 s29, s29  }
0x196: {  	s12 =	ssub.f32 s12, s18;
	v5 =	vmul.f32 s5, v5;
	v45 =	vadd.f32 v46, v45;
	v46 =	vld [tilespmem:$0x1FFC0];
	(v2sf) =	vpush v63, $0xF;
	s15 =	smul.f32 s20, s15  }
0x197: {  	s31 =	smul.f32 s9, s3;
	(xrf2) =	vadd.scan.msk.f32 $0xffff, v1;
	v39 =	vmul.f32 s5, v60;
	v10 =	vmul.f32 s5, v10;
	v60, _, _ =	vpop (xrf2);
	s18 =	ssub.f32 s6, s26  }
0x198: {  	v5 =	vmul.f32 v5, v12;
	(xrf2) =	vadd.scan.msk.f32 $0xffff, v57;
	v57 =	vld [tilespmem:$0x1FFE0];
	(v2sf) =	vpush v60, $0xF;
	s6 =	sadd.f32 $9.999999740e-06, s12;
	s20 =	smul.f32 s15, s11  }
0x199: {  	v58 =	vmul.f32 v58, v11;
	v38 =	vsub.f32 v23, v6;
	v23 =	vmovc v47;
	v47 =	vmul.f32 v10, v14;
	s11 =	smul.f32 s31, s28  }
0x19a: {  	v63 =	vadd.f32 v5, v56;
	s5 =	sadd.f32 $9.999999740e-06, s18;
	s28 =	smul.f32 $5.000000000e-01, s6  }
0x19b: {  	s30 =	sadd.s32 $0x80, s30;
	v62 =	vmul.f32 v39, v13;
	v60 =	vld [tilespmem:$0x1FF30];
	v1 =	vadd.f32 v58, v46;
	s16 =	sshrl.u32 s6, $0x1;
	s26 =	smul.f32 s20, s15  }
0x19c: {  	[tilespmem:s30+$0xFFFFCDE0] =	vst v63;
	v63 =	vadd.f32 v47, v15;
	s3 =	ssub.s32 $0x5F3759DF, s16;
	s18 =	sshrl.u32 s5, $0x1;
	s9 =	smul.f32 $5.000000000e-01, s5  }
0x19d: {  	[tilespmem:s30+$0xFFFFCDD0] =	vst v1;
	v58 =	vadd.f32 v62, v57;
	v47, _, _ =	vpop (xrf2);
	s16 =	smul.f32 s3, s28;
	s20 =	ssub.f32 $1.500000000e+00, s26;
	s12 =	ssub.s32 $0x5F3759DF, s18  }
0x19e: {  	v61 =	vmul.f32 v61, v11;
	[tilespmem:s30+$0xFFFFCE00] =	vst v63;
	(v2sf) =	vpush v47, $0xF;
	s26 =	smul.f32 s12, s9  }
0x19f: {  	s17 =	smov.u32 s0;
	(xrf2) =	vadd.scan.msk.f32 $0xffff, v45;
	v45 =	vadd.f32 v7, v56;
	[tilespmem:s30+$0xFFFFCDF0] =	vst v58;
	s5 =	smul.f32 s20, s15  }
0x1a0: {  	v0 =	vmul.f32 v0, v13;
	v7 =	vmovc v4;
	v39 =	vsub.f32 v60, v6;
	v6 =	vadd.f32 v61, v46;
	v10 =	vld [tilespmem:s17+$0xFFFFFFF0];
	s6 =	smul.f32 s12, s26  }
0x1a1: {  	[tilespmem:$0x1FF30] =	vst v7;
	v62 =	vmul.f32 v44, v12;
	v63 =	vld [tilespmem:s17+$0x0];
	s26 =	smul.f32 s3, s16  }
0x1a2: {  	v7 =	vadd.f32 v59, v15;
	v44 =	vmul.f32 v9, v13;
	v0 =	vadd.f32 v0, v57;
	[tilespmem:s25+$0xFFFFFF90] =	vst v6;
	v6 =	vld [tilespmem:s17+$0xFFFFFFE0];
	s18 =	ssub.f32 $1.500000000e+00, s6  }
0x1a3: {  	v36 =	vmovc v3;
	[tilespmem:$0x1FF20] =	vst v23;
	v58 =	vadd.f32 v8, v46;
	v3 =	vadd.f32 v62, v56;
	s20 =	smul.f32 s11, s31;
	v8 =	vmul.f32 s5, v54;
	s11 =	ssub.f32 $1.500000000e+00, s26  }
0x1a4: {  	[tilespmem:s25+$0xFFFFFFA0] =	vst v45;
	v5 =	vadd.f32 v44, v57;
	v60, _, _ =	vpop (xrf2);
	v59 =	vld [tilespmem:s17+$0xFFFFFFD0];
	v23 =	vmul.f32 s5, v55;
	v61 =	vmul.f32 s5, v52;
	s12 =	smul.f32 s12, s18  }
0x1a5: {  	[tilespmem:s25+$0xFFFFFFC0] =	vst v7;
	(v2sf) =	vpush v60, $0xF;
	v62 =	vmul.f32 s5, v53;
	v7 =	vmul.f32 v8, v11;
	s3 =	smul.f32 s3, s11;
	s18 =	spop (v2sf)  }
0x1a6: {  	[tilespmem:s25+$0xFFFFFFB0] =	vst v0;
	s16 =	ssub.f32 $1.500000000e+00, s20;
	v44 =	vadd.f32 v10, v27;
	v47 =	vadd.f32 v63, v30;
	v8 =	vmul.f32 v23, v12;
	s5 =	smul.f32 $1.562500000e-02, s18  }
0x1a7: {  	v45 =	vadd.f32 v6, v29;
	v12 =	vmovc v18;
	v0 =	vmul.f32 v61, v13;
	v18 =	vadd.f32 v7, v46;
	s20 =	spop (v2sf);
	s15 =	smul.f32 s12, s9  }
0x1a8: {  	[tilespmem:s13+$0xFFFFFFD0] =	vst v58;
	v1 =	vmul.f32 v62, v14;
	v60 =	vadd.f32 v47, v44;
	v7 =	vadd.f32 v8, v56;
	s11 =	smul.f32 $1.562500000e-02, s20  }
0x1a9: {  	s1 =	sadd.s32 $0x2, s1;
	v35 =	vmov v2;
	v46 =	vadd.f32 v59, v28;
	v0 =	vadd.f32 v0, v57;
	[tilespmem:s30+$0xFFFFCD90] =	vst v18;
	s6 =	smul.f32 s15, s12  }
0x1aa: {  	p1 =	slt.u32 s1, $0xC6;
	v62 =	vmul.f32 v44, v44;
	v10 =	vmul.f32 v47, v47;
	v61 =	vadd.f32 v1, v15;
	[tilespmem:s30+$0xFFFFCDA0] =	vst v7;
	s26 =	smul.f32 s5, s5  }
.Ltmp0:
0x1ab: {  	s25 =	smov.u32 s10;
	v4 =	vadd.f32 v45, v46;
	v6 =	vmul.f32 v46, v46;
	v7 =	vmul.f32 v45, v45;
	[tilespmem:s30+$0xFFFFCDB0] =	vst v0;
	s6 =	ssub.f32 $1.500000000e+00, s6;
	(pc) =	sbr.rel @p1 .LBB2_3-.Ltmp0, $4  }
0x1ac: {  	v9 =	vmov v17;
	v17 =	vmov v48;
	s10 =	smov.u32 s13;
	v52, _, _ =	vpop (xrf2);
	v1 =	vadd.f32 v10, v62;
	[tilespmem:s30+$0xFFFFCDC0] =	vst v61;
	s18 =	ssub.f32 s11, s26;
	s11 =	smul.f32 s3, s28  }
0x1ad: {  	s0 =	smov.u32 s21;
	[tilespmem:s10+$0xFFFFFFE0] =	vst v3;
	v53, _, _ =	vpop (xrf2);
	v27 =	vmov v49;
	v56 =	vld [tilespmem:s17+$0xFFFFFF90];
	v4 =	vadd.f32 v60, v4;
	v63 =	vadd.f32 v7, v6;
	s26 =	spop (v2sf);
	s12 =	smul.f32 s6, s12  }
0x1ae: {  	s4 =	sadd.s32 $0x80, s4;
	s13 =	smov.u32 s19;
	[tilespmem:s10+$0xFFFFFFF0] =	vst v5;
	v30 =	vmovc v50;
	v11 =	vmovc v19;
	v13 =	vmov v22;
	v14 =	vmov v20;
	(v2sf) =	vpush v52, $0xF;
	v58 =	vld [tilespmem:s17+$0xFFFFFFA0];
	s20 =	smul.f32 $1.562500000e-02, s26  }
0x1af: {  	s19 =	smov.u32 s30;
	v28 =	vmovc v51;
	(v2sf) =	vpush v53, $0xF;
	v8 =	vmov v16;
	v59 =	vld [tilespmem:s17+$0xFFFFFFB0];
	(xrf2) =	vadd.scan.msk.f32 $0xffff, v4;
	v49 =	vadd.f32 v1, v63;
	s26 =	sadd.f32 $9.999999740e-06, s18;
	s9 =	smul.f32 s12, s9  }
0x1b0: {  	_ = 	snop  }
0x1b1: {  	s1 =	sshrl.u32 s26, $0x1;
	s4 =	smul.f32 $5.000000000e-01, s26  }
0x1b2: {  	s1 =	ssub.s32 $0x5F3759DF, s1  }
0x1b3: {  	s6 =	smul.f32 s1, s4;
	_ =	sdelay $0x1  }
0x1b4: {  	s6 =	smul.f32 s1, s6;
	_ =	sdelay $0x1  }
0x1b5: {  	s6 =	ssub.f32 $1.500000000e+00, s6;
	_ =	sdelay $0x1  }
0x1b6: {  	s1 =	smul.f32 s1, s6;
	_ =	sdelay $0x1  }
0x1b7: {  	s6 =	smul.f32 s1, s4  }
0x1b8: {  	s18 =	smul.f32 s20, s20  }
0x1b9: {  	s15 =	spop (v2sf);
	s6 =	smul.f32 s6, s1  }
0x1ba: {  	s15 =	smul.f32 $1.562500000e-02, s15  }
0x1bb: {  	s6 =	ssub.f32 $1.500000000e+00, s6  }
0x1bc: {  	s18 =	ssub.f32 s15, s18  }
0x1bd: {  	s1 =	smul.f32 s6, s1  }
0x1be: {  	s6 =	sadd.f32 $9.999999740e-06, s18  }
0x1bf: {  	s4 =	smul.f32 s1, s4  }
0x1c0: {  	s21 =	sshrl.u32 s6, $0x1;
	s6 =	smul.f32 $5.000000000e-01, s6  }
0x1c1: {  	s15 =	ssub.s32 $0x5F3759DF, s21;
	s4 =	smul.f32 s4, s1  }
0x1c2: {  	s26 =	smul.f32 s15, s6  }
0x1c3: {  	s4 =	ssub.f32 $1.500000000e+00, s4  }
0x1c4: {  	v0 =	vmov s5;
	v60 =	vld [tilespmem:$0x1FF80];
	s5 =	smul.f32 s15, s26  }
0x1c5: {  	v61 =	vld [tilespmem:$0x1FF90];
	v1 =	vsub.f32 v33, v0;
	s1 =	smul.f32 s4, s1  }
0x1c6: {  	v48 =	vld [tilespmem:$0x1FFC0];
	v2 =	vsub.f32 v35, v0  }
0x1c7: {  	v54 =	vld [tilespmem:$0x1FFD0];
	s4 =	ssub.f32 $1.500000000e+00, s5;
	v1 =	vmul.f32 s1, v1  }
0x1c8: {  	v2 =	vmul.f32 s1, v2  }
0x1c9: {  	s4 =	smul.f32 s15, s4;
	v1 =	vmul.f32 v1, v60  }
0x1ca: {  	v3 =	vsub.f32 v34, v0;
	v2 =	vmul.f32 v2, v61  }
0x1cb: {  	v0 =	vsub.f32 v36, v0;
	s15 =	smul.f32 s4, s6;
	v1 =	vadd.f32 v1, v48  }
0x1cc: {  	v62 =	vld [tilespmem:$0x1FFA0];
	(xrf2) =	vadd.scan.msk.f32 $0xffff, v49;
	s21 =	sadd.s32 $0x80, s30;
	v2 =	vadd.f32 v2, v54  }
0x1cd: {  	v55 =	vld [tilespmem:$0x1FFB0];
	v3 =	vmul.f32 s1, v3;
	v0 =	vmul.f32 s1, v0;
	s1 =	smul.f32 s15, s4;
	[tilespmem:s21+$0xFFFFCDD0] =	vst v1  }
0x1ce: {  	v63 =	vld [tilespmem:$0x1FFE0];
	[tilespmem:s21+$0xFFFFCDE0] =	vst v2  }
0x1cf: {  	s1 =	ssub.f32 $1.500000000e+00, s1;
	v53 =	vld [tilespmem:$0x1FFF0];
	_ =	sdelay $0x1  }
0x1d0: {  	v3 =	vmul.f32 v3, v62;
	s1 =	smul.f32 s1, s4  }
0x1d1: {  	v0 =	vmul.f32 v0, v55  }
0x1d2: {  	s4 =	smul.f32 s1, s6;
	v35 =	vadd.f32 v3, v63  }
0x1d3: {  	v0 =	vadd.f32 v0, v53  }
0x1d4: {  	v4, _, _ =	vpop (xrf2);
	s4 =	smul.f32 s4, s1;
	[tilespmem:s21+$0xFFFFCDF0] =	vst v35  }
0x1d5: {  	v49 =	vld [tilespmem:s17+$0xFFFFFFC0];
	(v2sf) =	vpush v4, $0xF;
	v36, _, _ =	vpop (xrf2);
	[tilespmem:s21+$0xFFFFCE00] =	vst v0  }
0x1d6: {  	(v2sf) =	vpush v36, $0xF;
	s4 =	ssub.f32 $1.500000000e+00, s4;
	v51 =	vld [tilespmem:s0+$0xFFFFFFD0]  }
0x1d7: {  	v50 =	vmov s20;
	v15 =	vadd.f32 v58, v8;
	v35 =	vadd.f32 v56, v13;
	v6 =	vld [tilespmem:$0x1FE60]  }
0x1d8: {  	v34 =	vadd.f32 v59, v9;
	v0 =	vsub.f32 v43, v50;
	v52 =	vld [tilespmem:s0+$0xFFFFFFF0];
	s4 =	smul.f32 s4, s1  }
0x1d9: {  	v8 =	vmul.f32 v15, v15;
	v2 =	vsub.f32 v42, v50;
	v7 =	vmul.f32 v35, v35;
	v10 =	vld [tilespmem:s0+$0x0]  }
0x1da: {  	v9 =	vmul.f32 v34, v34;
	v1 =	vsub.f32 v41, v50;
	v0 =	vmul.f32 s4, v0  }
0x1db: {  	v5 =	vld [tilespmem:s0+$0xFFFFFFE0];
	v57 =	vadd.f32 v15, v35;
	v7 =	vadd.f32 v8, v7;
	v2 =	vmul.f32 s4, v2  }
0x1dc: {  	v0 =	vmul.f32 v0, v60;
	v33 =	vadd.f32 v49, v6;
	v6 =	vsub.f32 v40, v50  }
0x1dd: {  	v2 =	vmul.f32 v2, v61;
	v13 =	vadd.f32 v51, v17;
	v8 =	vadd.f32 v52, v27  }
0x1de: {  	v22 =	vadd.f32 v10, v30;
	v0 =	vadd.f32 v0, v48;
	v56 =	vmul.f32 v33, v33  }
0x1df: {  	v1 =	vmul.f32 s4, v1;
	v2 =	vadd.f32 v2, v54;
	v58 =	vadd.f32 v33, v34  }
0x1e0: {  	v50 =	vmul.f32 v13, v13;
	v59 =	vadd.f32 v56, v9;
	v9 =	vadd.f32 v5, v28  }
0x1e1: {  	v51 =	vmul.f32 v8, v8;
	v30 =	vadd.f32 v22, v8;
	v28 =	vmul.f32 v22, v22  }
0x1e2: {  	s6 =	spop (v2sf);
	v49 =	vadd.f32 v58, v57;
	v56 =	vmul.f32 s4, v6;
	v5 =	vmul.f32 v9, v9  }
0x1e3: {  	s15 =	spop (v2sf);
	v1 =	vmul.f32 v1, v55;
	v7 =	vadd.f32 v59, v7;
	v29 =	vadd.f32 v9, v13  }
0x1e4: {  	s18 =	spop (v2sf);
	v52 =	vadd.f32 v28, v51;
	v3 =	vmul.f32 v56, v62;
	v4 =	vadd.f32 v5, v50  }
0x1e5: {  	s20 =	spop (v2sf);
	s1 =	smul.f32 $1.562500000e-02, s18;
	v1 =	vadd.f32 v1, v53;
	[tilespmem:s21+$0xFFFFCD90] =	vst v0;
	(xrf2) =	vadd.scan.msk.f32 $0xffff, v49;
	v57 =	vadd.f32 v30, v29  }
0x1e6: {  	s5 =	smul.f32 $1.562500000e-02, s20;
	[tilespmem:s21+$0xFFFFCDA0] =	vst v2;
	(xrf2) =	vadd.scan.msk.f32 $0xffff, v7;
	v58 =	vadd.f32 v3, v63;
	v4 =	vadd.f32 v52, v4  }
0x1e7: {  	s26 =	smul.f32 s1, s1;
	[tilespmem:s21+$0xFFFFCDC0] =	vst v1;
	(xrf2) =	vadd.scan.msk.f32 $0xffff, v57  }
0x1e8: {  	[tilespmem:s21+$0xFFFFCDB0] =	vst v58;
	(xrf2) =	vadd.scan.msk.f32 $0xffff, v4  }
0x1e9: {  	s4 =	ssub.f32 s5, s26;
	v0 =	vld [tilespmem:s0+$0xFFFFFF90]  }
0x1ea: {  	v1 =	vld [tilespmem:s0+$0xFFFFFFA0]  }
0x1eb: {  	s4 =	sadd.f32 $9.999999740e-06, s4;
	v10 =	vld [tilespmem:s0+$0xFFFFFFB0]  }
0x1ec: {  	s9 =	smul.f32 s9, s12;
	v40 =	vld [tilespmem:s0+$0xFFFFFFC0]  }
0x1ed: {  	s17 =	sshrl.u32 s4, $0x1;
	s4 =	smul.f32 $5.000000000e-01, s4  }
0x1ee: {  	s15 =	smul.f32 $1.562500000e-02, s15;
	s5 =	ssub.f32 $1.500000000e+00, s9;
	s9 =	ssub.s32 $0x5F3759DF, s17  }
0x1ef: {  	s18 =	smul.f32 s9, s4;
	v59, _, _ =	vpop (xrf2);
	v29 =	vadd.f32 v0, v31;
	v28 =	vadd.f32 v1, v24  }
0x1f0: {  	s26 =	smul.f32 s11, s3;
	v24 =	vadd.f32 v10, v26;
	(v2sf) =	vpush v59, $0xF;
	v36, _, _ =	vpop (xrf2)  }
0x1f1: {  	s20 =	smul.f32 s9, s18;
	v23 =	vadd.f32 v40, v25;
	(v2sf) =	vpush v36, $0xF;
	v41, _, _ =	vpop (xrf2)  }
0x1f2: {  	s11 =	smul.f32 $1.562500000e-02, s6;
	v50 =	vadd.f32 v28, v29;
	(v2sf) =	vpush v41, $0xF;
	v42, _, _ =	vpop (xrf2)  }
0x1f3: {  	s5 =	smul.f32 s5, s12;
	s0 =	ssub.f32 $1.500000000e+00, s20;
	v51 =	vadd.f32 v23, v24;
	(v2sf) =	vpush v42, $0xF  }
0x1f4: {  	s17 =	ssub.f32 $1.500000000e+00, s26;
	s18 =	smul.f32 s11, s11;
	v0 =	vmul.f32 v29, v29;
	v1 =	vmul.f32 v28, v28  }
0x1f5: {  	s0 =	smul.f32 s9, s0;
	v43 =	vmul.f32 v24, v24;
	v49 =	vmul.f32 v23, v23;
	v56 =	vadd.f32 v51, v50  }
0x1f6: {  	s6 =	ssub.f32 s15, s18;
	s9 =	smul.f32 s17, s3  }
0x1f7: {  	s20 =	smul.f32 s0, s4;
	v0 =	vadd.f32 v1, v0;
	v52 =	vadd.f32 v49, v43;
	(xrf2) =	vadd.scan.msk.f32 $0xffff, v56  }
0x1f8: {  	s3 =	smul.f32 s16, s31;
	s6 =	sadd.f32 $9.999999740e-06, s6  }
0x1f9: {  	s26 =	smul.f32 s20, s0;
	v0 =	vadd.f32 v52, v0  }
0x1fa: {  	s17 =	sshrl.u32 s6, $0x1;
	s6 =	smul.f32 $5.000000000e-01, s6  }
0x1fb: {  	s15 =	smul.f32 s9, s28;
	s16 =	ssub.s32 $0x5F3759DF, s17;
	s12 =	ssub.f32 $1.500000000e+00, s26;
	(xrf2) =	vadd.scan.msk.f32 $0xffff, v0  }
0x1fc: {  	s18 =	smul.f32 s16, s6  }
0x1fd: {  	s12 =	smul.f32 s12, s0  }
0x1fe: {  	s15 =	smul.f32 s15, s9  }
0x1ff: {  	s4 =	smul.f32 s12, s4;
	s17 =	spop (v2sf)  }
0x200: {  	s18 =	smul.f32 s16, s18;
	s26 =	spop (v2sf)  }
0x201: {  	s4 =	smul.f32 s4, s12;
	v57, _, _ =	vpop (xrf2);
	s20 =	spop (v2sf)  }
0x202: {  	(v2sf) =	vpush v57, $0xF;
	s0 =	smul.f32 $1.562500000e-02, s20;
	s20 =	spop (v2sf)  }
0x203: {  	s18 =	ssub.f32 $1.500000000e+00, s18;
	s20 =	smul.f32 $1.562500000e-02, s20  }
0x204: {  	s4 =	ssub.f32 $1.500000000e+00, s4;
	s28 =	smul.f32 s0, s0  }
0x205: {  	s18 =	smul.f32 s16, s18;
	v58, _, _ =	vpop (xrf2)  }
0x206: {  	s12 =	smul.f32 s4, s12;
	(v2sf) =	vpush v58, $0xF;
	s16 =	ssub.f32 s20, s28  }
0x207: {  	s20 =	smul.f32 s18, s6  }
0x208: {  	s26 =	smul.f32 $1.562500000e-02, s26;
	s16 =	sadd.f32 $9.999999740e-06, s16  }
0x209: {  	v7 =	vld [tilespmem:$0x1FE80];
	s28 =	smul.f32 s20, s18  }
0x20a: {  	v40 =	vld [tilespmem:$0x1FEB0];
	v59 =	vmov s29;
	s30 =	sshrl.u32 s16, $0x1;
	s20 =	smul.f32 $5.000000000e-01, s16  }
0x20b: {  	v10 =	vsub.f32 v12, v59;
	v12 =	vld [tilespmem:$0x1FE90];
	s16 =	smul.f32 $1.562500000e-02, s17;
	s4 =	ssub.s32 $0x5F3759DF, s30  }
0x20c: {  	v36 =	vld [tilespmem:$0x1FEA0];
	s17 =	smul.f32 s4, s20  }
0x20d: {  	v41 =	vld [tilespmem:$0x1FEC0];
	s15 =	ssub.f32 $1.500000000e+00, s15;
	s31 =	smul.f32 s16, s16  }
0x20e: {  	s28 =	ssub.f32 $1.500000000e+00, s28;
	s30 =	smul.f32 s4, s17  }
0x20f: {  	s17 =	smul.f32 s15, s9  }
0x210: {  	s26 =	ssub.f32 s26, s31;
	s9 =	smul.f32 s28, s18  }
0x211: {  	v6 =	vmul.f32 s3, v40;
	v4 =	vmul.f32 s3, v12;
	s15 =	ssub.f32 $1.500000000e+00, s30;
	s28 =	spop (v2sf)  }
0x212: {  	v1 =	vsub.f32 v7, v59;
	v5 =	vmul.f32 s3, v36;
	v7 =	vmul.f32 s3, v41;
	s18 =	sadd.f32 $9.999999740e-06, s26;
	s3 =	smul.f32 $1.562500000e-02, s28  }
0x213: {  	s15 =	smul.f32 s4, s15  }
0x214: {  	s4 =	smul.f32 $5.000000000e-01, s18  }
0x215: {  	v16 =	vld [tilespmem:$0x1FF30];
	v11 =	vsub.f32 v11, v59;
	s29 =	spop (v2sf);
	s26 =	smul.f32 s15, s20  }
0x216: {  	v2 =	vmul.f32 s5, v10;
	v49 =	vld [tilespmem:$0x1FF00];
	v0 =	vsub.f32 v14, v59;
	s28 =	smul.f32 $1.562500000e-02, s29  }
0x217: {  	v3 =	vmul.f32 s5, v11;
	v1 =	vmul.f32 s5, v1;
	s18 =	sshrl.u32 s18, $0x1;
	s26 =	smul.f32 s26, s15  }
0x218: {  	v2 =	vmul.f32 v2, v60;
	v42 =	vmov s11;
	v0 =	vmul.f32 s5, v0;
	s5 =	ssub.s32 $0x5F3759DF, s18;
	s18 =	smul.f32 s3, s3  }
0x219: {  	v3 =	vmul.f32 v3, v61;
	v43 =	vsub.f32 v21, v42;
	s6 =	smul.f32 s9, s6;
	s26 =	ssub.f32 $1.500000000e+00, s26  }
0x21a: {  	v6 =	vmul.f32 v6, v62;
	v10 =	vsub.f32 v16, v42;
	v2 =	vadd.f32 v2, v48;
	s11 =	smul.f32 s5, s4;
	s18 =	ssub.f32 s28, s18  }
0x21b: {  	v16 =	vmov s1;
	v3 =	vadd.f32 v3, v54;
	v12 =	vsub.f32 v49, v42;
	s15 =	smul.f32 s26, s15  }
0x21c: {  	v1 =	vmul.f32 v1, v55;
	v17 =	vsub.f32 v47, v16;
	v6 =	vadd.f32 v6, v63;
	s11 =	smul.f32 s5, s11;
	s18 =	sadd.f32 $9.999999740e-06, s18  }
0x21d: {  	v4 =	vmul.f32 v4, v60;
	v18 =	vsub.f32 v46, v16;
	v19 =	vsub.f32 v45, v16;
	s20 =	smul.f32 s15, s20  }
0x21e: {  	v16 =	vsub.f32 v44, v16;
	v1 =	vadd.f32 v1, v53;
	v5 =	vmul.f32 v5, v61;
	s1 =	smul.f32 $5.000000000e-01, s18;
	s26 =	sshrl.u32 s18, $0x1  }
0x21f: {  	v4 =	vadd.f32 v4, v48;
	v7 =	vmul.f32 v7, v55;
	v17 =	vmul.f32 s12, v17;
	s11 =	ssub.f32 $1.500000000e+00, s11;
	s18 =	smul.f32 s20, s15;
	s20 =	ssub.s32 $0x5F3759DF, s26  }
0x220: {  	v5 =	vadd.f32 v5, v54;
	v0 =	vmul.f32 v0, v62;
	v18 =	vmul.f32 s12, v18;
	s26 =	smul.f32 s20, s1  }
0x221: {  	v7 =	vadd.f32 v7, v53;
	v19 =	vmul.f32 s12, v19;
	v17 =	vmul.f32 v17, v55;
	s5 =	smul.f32 s5, s11  }
0x222: {  	v50 =	vld [tilespmem:$0x1FF20];
	[tilespmem:s13+$0xFFFFFFD0] =	vst v2;
	v0 =	vadd.f32 v0, v63;
	v20 =	vmul.f32 s17, v32;
	v21 =	vmul.f32 s17, v37;
	s18 =	ssub.f32 $1.500000000e+00, s18;
	s26 =	smul.f32 s20, s26  }
0x223: {  	[tilespmem:s25+$0xFFFFFFB0] =	vst v6;
	v52 =	vadd.f32 v17, v53;
	v51 =	vmul.f32 s17, v38;
	v17 =	vmul.f32 s17, v39;
	s17 =	smul.f32 s5, s4  }
0x224: {  	[tilespmem:s13+$0x0] =	vst v1;
	v16 =	vmul.f32 s12, v16;
	v56 =	vmul.f32 v20, v60;
	v20 =	vmov s16;
	s11 =	smul.f32 s18, s15;
	s18 =	ssub.f32 $1.500000000e+00, s26  }
0x225: {  	[tilespmem:s25+$0xFFFFFF90] =	vst v4;
	v58 =	vmul.f32 v18, v60;
	v21 =	vmul.f32 v21, v61;
	v57 =	vsub.f32 v35, v20;
	s12 =	smul.f32 s17, s5  }
0x226: {  	[tilespmem:s25+$0xFFFFFFA0] =	vst v5;
	v1 =	vmul.f32 v51, v62;
	v15 =	vsub.f32 v15, v20;
	v18 =	vsub.f32 v34, v20;
	s15 =	smul.f32 s20, s18  }
0x227: {  	[tilespmem:s25+$0xFFFFFFC0] =	vst v7;
	s6 =	smul.f32 s6, s9;
	v59 =	vsub.f32 v33, v20;
	v20 =	vmov s0;
	v5 =	vadd.f32 v56, v48;
	s25 =	ssub.f32 $1.500000000e+00, s12  }
0x228: {  	[tilespmem:s13+$0xFFFFFFE0] =	vst v3;
	v32 =	vmul.f32 v19, v61;
	v19 =	vadd.f32 v21, v54;
	v21 =	vsub.f32 v22, v20;
	s26 =	smul.f32 s15, s1  }
0x229: {  	[tilespmem:s13+$0xFFFFFFF0] =	vst v0;
	v17 =	vmul.f32 v17, v55;
	v1 =	vadd.f32 v1, v63;
	v13 =	vsub.f32 v13, v20;
	s5 =	smul.f32 s25, s5  }
0x22a: {  	[tilespmem:s19+$0x0] =	vst v52;
	v33 =	vmul.f32 v16, v62;
	s6 =	ssub.f32 $1.500000000e+00, s6;
	v35 =	vsub.f32 v9, v20;
	v37 =	vsub.f32 v8, v20;
	s12 =	smul.f32 s26, s15  }
0x22b: {  	v7 =	vadd.f32 v58, v48;
	[tilespmem:s10+$0xFFFFFF90] =	vst v5;
	v16 =	vmul.f32 s11, v21;
	s4 =	smul.f32 s5, s4;
	v13 =	vmul.f32 s11, v13  }
0x22c: {  	v3 =	vadd.f32 v32, v54;
	[tilespmem:s10+$0xFFFFFFB0] =	vst v1;
	v5 =	vmul.f32 s11, v35;
	v1 =	vmul.f32 s11, v37;
	s20 =	smul.f32 s6, s9;
	s6 =	ssub.f32 $1.500000000e+00, s12  }
0x22d: {  	v14 =	vsub.f32 v50, v42;
	[tilespmem:s19+$0xFFFFFFD0] =	vst v7;
	v36 =	vmul.f32 v16, v55;
	s4 =	smul.f32 s4, s5;
	v51 =	vmul.f32 v13, v60  }
0x22e: {  	v34 =	vadd.f32 v17, v53;
	[tilespmem:s19+$0xFFFFFFE0] =	vst v3;
	v5 =	vmul.f32 v5, v61;
	v1 =	vmul.f32 v1, v62;
	s6 =	smul.f32 s6, s15  }
0x22f: {  	v0 =	vadd.f32 v33, v63;
	[tilespmem:s10+$0xFFFFFFA0] =	vst v19;
	v38 =	vmul.f32 s20, v43;
	v39 =	vmul.f32 s20, v12;
	s15 =	ssub.f32 $1.500000000e+00, s4  }
0x230: {  	[tilespmem:s10+$0xFFFFFFC0] =	vst v34;
	v41 =	vmul.f32 s20, v14;
	v43 =	vmov s3;
	v40 =	vadd.f32 v36, v53;
	s1 =	smul.f32 s6, s1  }
0x231: {  	[tilespmem:s19+$0xFFFFFFF0] =	vst v0;
	v42 =	vmul.f32 s20, v10;
	v45 =	vsub.f32 v29, v43;
	v56 =	vadd.f32 v51, v48;
	s0 =	smul.f32 s15, s5  }
0x232: {  	v47 =	vsub.f32 v28, v43;
	v5 =	vadd.f32 v5, v54;
	v44 =	vmul.f32 v39, v61;
	[tilespmem:s21+$0x0] =	vst v40;
	s1 =	smul.f32 s1, s6  }
0x233: {  	v50 =	vsub.f32 v24, v43;
	v1 =	vadd.f32 v1, v63;
	v46 =	vmul.f32 v41, v62;
	[tilespmem:s21+$0xFFFFFFD0] =	vst v56  }
0x234: {  	v49 =	vmul.f32 v42, v55;
	[tilespmem:s21+$0xFFFFFFE0] =	vst v5;
	v3 =	vadd.f32 v44, v54;
	v52 =	vmul.f32 s0, v57;
	s1 =	ssub.f32 $1.500000000e+00, s1  }
0x235: {  	v8 =	vmul.f32 v38, v60;
	[tilespmem:s21+$0xFFFFFFF0] =	vst v1;
	v0 =	vadd.f32 v46, v63;
	v57 =	vmul.f32 s0, v15  }
0x236: {  	v4 =	vadd.f32 v49, v53;
	[tilespmem:s13+$0xFFFFFFA0] =	vst v3;
	v58 =	vmul.f32 s0, v18;
	v3 =	vmul.f32 v52, v60;
	s1 =	smul.f32 s1, s6  }
0x237: {  	v8 =	vadd.f32 v8, v48;
	[tilespmem:s13+$0xFFFFFFB0] =	vst v0;
	v2 =	vmul.f32 s0, v59;
	v0 =	vmul.f32 v57, v61  }
0x238: {  	[tilespmem:s13+$0xFFFFFFC0] =	vst v4;
	v4 =	vmul.f32 v58, v62;
	v3 =	vadd.f32 v3, v48;
	v59 =	vmul.f32 s1, v45  }
0x239: {  	[tilespmem:s13+$0xFFFFFF90] =	vst v8;
	v8 =	vmul.f32 v2, v55;
	v0 =	vadd.f32 v0, v54;
	v9 =	vmul.f32 s1, v47  }
0x23a: {  	v4 =	vadd.f32 v4, v63;
	[tilespmem:s19+$0xFFFFFF90] =	vst v3;
	v11 =	vmul.f32 s1, v50;
	v5 =	vmul.f32 v59, v60  }
0x23b: {  	v10 =	vsub.f32 v23, v43;
	v1 =	vadd.f32 v8, v53;
	[tilespmem:s19+$0xFFFFFFA0] =	vst v0;
	v2 =	vmul.f32 v9, v61  }
0x23c: {  	[tilespmem:s19+$0xFFFFFFB0] =	vst v4;
	v3 =	vmul.f32 v11, v62;
	v13 =	vadd.f32 v5, v48  }
0x23d: {  	v12 =	vmul.f32 s1, v10;
	[tilespmem:s19+$0xFFFFFFC0] =	vst v1;
	v14 =	vadd.f32 v2, v54  }
0x23e: {  	v32 =	vadd.f32 v3, v63;
	[tilespmem:s21+$0xFFFFFF90] =	vst v13  }
0x23f: {  	v0 =	vmul.f32 v12, v55;
	s16 =	rddreg [dreg:$0x6];
	[tilespmem:s21+$0xFFFFFFA0] =	vst v14  }
0x240: {  	[tilespmem:s21+$0xFFFFFFB0] =	vst v32;
	s0 =	sadd.s32 s16, s24  }
0x241: {  	p1 =	seq.s32 s22, $0x1F;
	v0 =	vadd.f32 v0, v53;
	s1 =	rddreg [dreg:$0x9];
	s0 =	smul.u32 $0x640, s0  }
0x242: {  	s17 =	rddreg [dreg:$0x4];
	s1 =	sadd.s32 @!p1 s24, s1  }
0x243: {  	s18 =	simm.s32 $0xCB20;
	[tilespmem:s21+$0xFFFFFFC0] =	vst v0;
	s1 =	smul.u32 @!p1 $0x19, s1;
	s0 =	sadd.s32 s17, s0  }
0x244: {  	[hbm4b:s0+s7] =	stream.linear.scatter [tilespmem:s18], [sflag:$0x3], $0x6400, $0x38;
	[tilespmem:$0x1C5A0] =	vst v63  }
0x245: {  	s0 =	sadd.s32 @!p1 s23, s1;
	s1 =	simm.s32 @!p1 $0x0  }
0x246: {  	[tilespmem:s1], [sflag:$0x5] =	stream.linear.gather @!p1 [hbm4b:s0+s1], $0x190, $0x38;
	[tilespmem:$0x1C5A0] =	vst v63  }
0x247: {  	s0 =	simm.s32 @!p1 $0x5  }
0x248: {  	_ =	swait.ge @!p1 [sflag:s0], $0x190  }
0x249: {  	[sflag:s0] =	ssyncset.done @!p1 $0x0  }
0x24a: {  	s3 =	simm.s32 @!p1 $0x320;
	[sflag:s0] =	ssyncadd.s32 @!p1 $0xFFFFFE70;
	s0 =	simm.s32 @!p1 $0x80  }
0x24b: {  	[tilespmem:s3], [sflag:$0x1] =	stream.indirect.gather @!p1 [hbm4b:s8+s0], $0x40, s1, s0, $0xb8;
	[tilespmem:$0x1C5A0] =	vst v63  }
0x24c: {  	s1 =	simm.s32 @!p1 $0x48;
	s3 =	simm.s32 @!p1 $0x2320  }
0x24d: {  	[tilespmem:s3], [sflag:$0x1] =	stream.indirect.gather @!p1 [hbm4b:s8+s1], $0x40, s0, s1, $0xb8;
	[tilespmem:$0x1C5A0] =	vst v63  }
0x24e: {  	s4 =	simm.s32 @!p1 $0x3520;
	s3 =	simm.s32 @!p1 $0xC8  }
0x24f: {  	[tilespmem:s4], [sflag:$0x1] =	stream.indirect.gather @!p1 [hbm4b:s8+s0], $0x40, s3, s0, $0xb8;
	[tilespmem:$0x1C5A0] =	vst v63  }
0x250: {  	s0 =	simm.s32 @!p1 $0x148;
	s3 =	simm.s32 @!p1 $0x5520  }
0x251: {  	[tilespmem:s3], [sflag:$0x1] =	stream.indirect.gather @!p1 [hbm4b:s8+s1], $0x40, s0, s1, $0xb8;
	[tilespmem:$0x1C5A0] =	vst v63  }
0x252: {  	_ =	swait.ge [sflag:s14], $0x2000  }
0x253: {  	[sflag:s14] =	ssyncset.done $0x0  }
0x254: {  	[sflag:s14] =	ssyncadd.s32 $0xFFFFE000  }
0x255: {  	_ =	swait.ge [sflag:s14], $0x1200  }
0x256: {  	[sflag:s14] =	ssyncset.done $0x0  }
0x257: {  	[sflag:s14] =	ssyncadd.s32 $0xFFFFEE00  }
0x258: {  	_ =	swait.ge [sflag:s14], $0x2000  }
0x259: {  	[sflag:s14] =	ssyncset.done $0x0  }
0x25a: {  	[sflag:s14] =	ssyncadd.s32 $0xFFFFE000  }
0x25b: {  	_ =	swait.ge [sflag:s14], $0x1200  }
0x25c: {  	[sflag:s14] =	ssyncset.done $0x0  }
0x25d: {  	s0 =	simm.s32 @!p0 $0x4;
	[sflag:s14] =	ssyncadd.s32 $0xFFFFEE00  }
0x25e: {  	_ =	swait.ge @!p0 [sflag:s0], $0x6400  }
0x25f: {  	[sflag:s0] =	ssyncset.done @!p0 $0x0  }
0x260: {  	s19 =	simm.s32 $0x19360;
	[sflag:s0] =	ssyncadd.s32 @!p0 $0xFFFF9C00  }
0x261: {  	v17 =	vld [tilespmem:s19+$0x0]  }
0x262: {  	v18 =	vld [tilespmem:s19+$0x10]  }
0x263: {  	v16 =	vld [tilespmem:s19+$0x20]  }
0x264: {  	s1 =	simm.s32 $0x9990;
	v19 =	vld [tilespmem:s19+$0x30]  }
0x265: {  	v33 =	vld [tilespmem:s1+$0xFFFFCDD0]  }
0x266: {  	v34 =	vld [tilespmem:s1+$0xFFFFCDE0]  }
0x267: {  	v35 =	vld [tilespmem:s1+$0xFFFFCDF0]  }
0x268: {  	v36 =	vld [tilespmem:s1+$0xFFFFCE00];
	_ =	sdelay $0x3  }
0x269: {  	v0 =	vadd.f32 v33, v17;
	v1 =	vadd.f32 v34, v18  }
0x26a: {  	v2 =	vadd.f32 v35, v16;
	v3 =	vadd.f32 v36, v19  }
0x26b: {  	v37 =	vmul.f32 v0, v0;
	v38 =	vmul.f32 v1, v1  }
0x26c: {  	v39 =	vmul.f32 v2, v2;
	v40 =	vmul.f32 v3, v3  }
0x26d: {  	v41 =	vadd.f32 v1, v0;
	v42 =	vadd.f32 v3, v2  }
0x26e: {  	v4 =	vadd.f32 v38, v37;
	v43 =	vadd.f32 v40, v39  }
0x26f: {  	v44 =	vadd.f32 v42, v41  }
0x270: {  	v4 =	vadd.f32 v43, v4  }
0x271: {  	(xrf2) =	vadd.scan.msk.f32 $0xffff, v44  }
0x272: {  	(xrf2) =	vadd.scan.msk.f32 $0xffff, v4;
	_ =	sdelay $0x8  }
0x273: {  	v45, _, _ =	vpop (xrf2)  }
0x274: {  	(v2sf) =	vpush v45, $0xF;
	v46, _, _ =	vpop (xrf2)  }
0x275: {  	(v2sf) =	vpush v46, $0xF  }
0x276: {  	v13 =	vld [tilespmem:s19+$0xFFFFFFE0]  }
0x277: {  	v29 =	vld [tilespmem:s19+$0xFFFFFFF0]  }
0x278: {  	v47 =	vld [tilespmem:s1+$0xFFFFCD90]  }
0x279: {  	v49 =	vld [tilespmem:s1+$0xFFFFCDA0]  }
0x27a: {  	v50 =	vld [tilespmem:s1+$0xFFFFCDB0]  }
0x27b: {  	v51 =	vld [tilespmem:s1+$0xFFFFCDC0]  }
0x27c: {  	v31 =	vld [tilespmem:s19+$0xFFFFFFC0]  }
0x27d: {  	v33 =	vld [tilespmem:s19+$0xFFFFFFD0];
	_ =	sdelay $0x3  }
0x27e: {  	s21 =	simm.s32 $0x193E0;
	v20 =	vadd.f32 v50, v13;
	v28 =	vadd.f32 v51, v29  }
0x27f: {  	v9 =	vld [tilespmem:s21+$0x10];
	v22 =	vadd.f32 v47, v31;
	v36 =	vadd.f32 v49, v33  }
0x280: {  	v30 =	vld [tilespmem:s21+$0x20];
	v56 =	vmul.f32 v20, v20;
	s20 =	spop (v2sf)  }
0x281: {  	s7 =	smov.u32 s23;
	v32 =	vld [tilespmem:s21+$0x30];
	v57 =	vmul.f32 v28, v28;
	v59 =	vadd.f32 v28, v20;
	v12 =	vadd.f32 v36, v22;
	s23 =	smul.f32 $1.562500000e-02, s20;
	s24 =	spop (v2sf)  }
0x282: {  	s0 =	simm.s32 $0x9A10;
	v47 =	vld [tilespmem:s21+$0x0];
	v58 =	vmul.f32 v22, v22;
	v52 =	vmul.f32 v36, v36;
	s25 =	smul.f32 $1.562500000e-02, s24  }
0x283: {  	v34 =	vld [tilespmem:s0+$0xFFFFCDD0];
	v14 =	vadd.f32 v59, v12;
	s26 =	smul.f32 s23, s23  }
0x284: {  	v35 =	vld [tilespmem:s0+$0xFFFFCDE0];
	v5 =	vadd.f32 v57, v56;
	v4 =	vadd.f32 v52, v58  }
0x285: {  	v40 =	vld [tilespmem:s0+$0xFFFFCDF0];
	(xrf2) =	vadd.scan.msk.f32 $0xffff, v14;
	s5 =	ssub.f32 s25, s26  }
0x286: {  	v41 =	vld [tilespmem:s0+$0xFFFFCE00];
	v4 =	vadd.f32 v5, v4  }
0x287: {  	s5 =	sadd.f32 $9.999999740e-06, s5  }
0x288: {  	(xrf2) =	vadd.scan.msk.f32 $0xffff, v4  }
0x289: {  	s9 =	sshrl.u32 s5, $0x1;
	s5 =	smul.f32 $5.000000000e-01, s5  }
0x28a: {  	v38 =	vadd.f32 v34, v47;
	v37 =	vadd.f32 v35, v9;
	s6 =	ssub.s32 $0x5F3759DF, s9  }
0x28b: {  	v35 =	vadd.f32 v40, v30;
	v34 =	vadd.f32 v41, v32;
	s10 =	smul.f32 s6, s5;
	_ =	sdelay $0x1  }
0x28c: {  	v6 =	vmul.f32 v35, v35;
	v43 =	vmul.f32 v34, v34;
	s9 =	smul.f32 s6, s10  }
0x28d: {  	v42 =	vmul.f32 v38, v38;
	v44 =	vadd.f32 v37, v38;
	v5 =	vmul.f32 v37, v37  }
0x28e: {  	v49 =	vadd.f32 v43, v6;
	v45 =	vadd.f32 v34, v35;
	v46, _, _ =	vpop (xrf2);
	s9 =	ssub.f32 $1.500000000e+00, s9  }
0x28f: {  	v4 =	vadd.f32 v5, v42;
	(v2sf) =	vpush v46, $0xF  }
0x290: {  	v51 =	vadd.f32 v45, v44;
	s6 =	smul.f32 s6, s9  }
0x291: {  	v4 =	vadd.f32 v49, v4;
	v50, _, _ =	vpop (xrf2)  }
0x292: {  	(xrf2) =	vadd.scan.msk.f32 $0xffff, v51;
	(v2sf) =	vpush v50, $0xF;
	s9 =	smul.f32 s6, s5  }
0x293: {  	v11 =	vld [tilespmem:s21+$0xFFFFFFE0];
	(xrf2) =	vadd.scan.msk.f32 $0xffff, v4  }
0x294: {  	v10 =	vld [tilespmem:s21+$0xFFFFFFF0];
	s9 =	smul.f32 s9, s6  }
0x295: {  	v56 =	vld [tilespmem:s0+$0xFFFFCDA0]  }
0x296: {  	v57 =	vld [tilespmem:s0+$0xFFFFCDB0];
	s9 =	ssub.f32 $1.500000000e+00, s9  }
0x297: {  	v12 =	vld [tilespmem:s21+$0xFFFFFFD0]  }
0x298: {  	v58 =	vld [tilespmem:s0+$0xFFFFCDC0];
	s6 =	smul.f32 s9, s6  }
0x299: {  	v52 =	vld [tilespmem:s0+$0xFFFFCD90]  }
0x29a: {  	v14 =	vld [tilespmem:s21+$0xFFFFFFC0];
	s11 =	smul.f32 s6, s5;
	_ =	sdelay $0x1  }
0x29b: {  	v40 =	vadd.f32 v57, v11;
	v59, _, _ =	vpop (xrf2);
	s4 =	smul.f32 s11, s6  }
0x29c: {  	v15 =	vadd.f32 v58, v10;
	(v2sf) =	vpush v59, $0xF;
	v8, _, _ =	vpop (xrf2)  }
0x29d: {  	v6 =	vmul.f32 v40, v40;
	v41 =	vadd.f32 v56, v12;
	(v2sf) =	vpush v8, $0xF;
	s12 =	spop (v2sf);
	s4 =	ssub.f32 $1.500000000e+00, s4  }
0x29e: {  	v21 =	vmul.f32 v15, v15;
	v42 =	vadd.f32 v52, v14;
	v39 =	vmov s23;
	s3 =	smul.f32 $1.562500000e-02, s12  }
0x29f: {  	v43 =	vmul.f32 v41, v41;
	v7 =	vadd.f32 v15, v40;
	v0 =	vsub.f32 v0, v39;
	s4 =	smul.f32 s4, s6  }
0x2a0: {  	v44 =	vadd.f32 v21, v6;
	v24 =	vmul.f32 v42, v42;
	v1 =	vsub.f32 v1, v39;
	s13 =	spop (v2sf);
	s15 =	smul.f32 s3, s3  }
0x2a1: {  	v23 =	vadd.f32 v41, v42;
	v2 =	vsub.f32 v2, v39;
	s5 =	smul.f32 $1.562500000e-02, s13;
	v0 =	vmul.f32 s4, v0  }
0x2a2: {  	v5 =	vadd.f32 v43, v24;
	v3 =	vsub.f32 v3, v39;
	v1 =	vmul.f32 s4, v1  }
0x2a3: {  	v45 =	vadd.f32 v7, v23;
	s5 =	ssub.f32 s5, s15;
	v2 =	vmul.f32 s4, v2;
	v0 =	vmul.f32 v0, v60  }
0x2a4: {  	v4 =	vadd.f32 v44, v5;
	v3 =	vmul.f32 s4, v3;
	v1 =	vmul.f32 v1, v61  }
0x2a5: {  	(xrf2) =	vadd.scan.msk.f32 $0xffff, v45;
	s16 =	sadd.f32 $9.999999740e-06, s5;
	v2 =	vmul.f32 v2, v62;
	v0 =	vadd.f32 v0, v48  }
0x2a6: {  	s24 =	simm.s32 $0x16190;
	(xrf2) =	vadd.scan.msk.f32 $0xffff, v4;
	v3 =	vmul.f32 v3, v55;
	v1 =	vadd.f32 v1, v54  }
0x2a7: {  	s5 =	sshrl.u32 s16, $0x1;
	s6 =	smul.f32 $5.000000000e-01, s16;
	v46 =	vadd.f32 v2, v63;
	[tilespmem:s24+$0xFFFFCDD0] =	vst v0  }
0x2a8: {  	s5 =	ssub.s32 $0x5F3759DF, s5;
	v49 =	vadd.f32 v3, v53;
	[tilespmem:s24+$0xFFFFCDE0] =	vst v1  }
0x2a9: {  	s4 =	smul.f32 s5, s6;
	[tilespmem:s24+$0xFFFFCDF0] =	vst v46  }
0x2aa: {  	[tilespmem:s24+$0xFFFFCE00] =	vst v49  }
0x2ab: {  	s18 =	spop (v2sf);
	s17 =	smul.f32 s5, s4;
	v0 =	vld [tilespmem:s1+$0xFFFFFFD0]  }
0x2ac: {  	s19 =	spop (v2sf);
	s4 =	smul.f32 $1.562500000e-02, s18;
	v1 =	vld [tilespmem:s1+$0xFFFFFFE0]  }
0x2ad: {  	s10 =	smul.f32 $1.562500000e-02, s19;
	v50 =	vld [tilespmem:s1+$0xFFFFFFF0]  }
0x2ae: {  	s20 =	smul.f32 s4, s4;
	v51 =	vld [tilespmem:s1+$0x0]  }
0x2af: {  	v52, _, _ =	vpop (xrf2);
	s9 =	ssub.f32 $1.500000000e+00, s17  }
0x2b0: {  	s26 =	simm.s32 $0x19460;
	(v2sf) =	vpush v52, $0xF;
	v56, _, _ =	vpop (xrf2);
	s23 =	ssub.f32 s10, s20  }
0x2b1: {  	v23 =	vld [tilespmem:s26+$0x0];
	(v2sf) =	vpush v56, $0xF;
	s21 =	smul.f32 s5, s9  }
0x2b2: {  	v24 =	vld [tilespmem:s26+$0x10];
	s5 =	sadd.f32 $9.999999740e-06, s23;
	v17 =	vadd.f32 v0, v17;
	v18 =	vadd.f32 v1, v18  }
0x2b3: {  	v27 =	vld [tilespmem:s26+$0x20];
	s25 =	smul.f32 s21, s6;
	v16 =	vadd.f32 v50, v16;
	v19 =	vadd.f32 v51, v19  }
0x2b4: {  	v26 =	vld [tilespmem:s26+$0x30];
	s19 =	simm.s32 $0x9A90;
	s15 =	sshrl.u32 s5, $0x1;
	s5 =	smul.f32 $5.000000000e-01, s5;
	v57 =	vmul.f32 v17, v17;
	v1 =	vmul.f32 v18, v18  }
0x2b5: {  	v44 =	vld [tilespmem:s19+$0xFFFFCDE0];
	s10 =	smul.f32 s25, s21;
	s11 =	ssub.s32 $0x5F3759DF, s15;
	v2 =	vmul.f32 v16, v16;
	v3 =	vmul.f32 v19, v19  }
0x2b6: {  	v45 =	vld [tilespmem:s19+$0xFFFFCDF0];
	s16 =	smul.f32 s11, s5;
	v58 =	vadd.f32 v18, v17;
	v59 =	vadd.f32 v19, v16  }
0x2b7: {  	v46 =	vld [tilespmem:s19+$0xFFFFCE00];
	s10 =	ssub.f32 $1.500000000e+00, s10;
	v0 =	vadd.f32 v1, v57;
	v8 =	vadd.f32 v3, v2  }
0x2b8: {  	v39 =	vld [tilespmem:s19+$0xFFFFCDD0];
	s17 =	smul.f32 s11, s16;
	v43 =	vadd.f32 v59, v58  }
0x2b9: {  	s10 =	smul.f32 s10, s21;
	v0 =	vadd.f32 v8, v0  }
0x2ba: {  	s12 =	ssub.f32 $1.500000000e+00, s17;
	(xrf2) =	vadd.scan.msk.f32 $0xffff, v43  }
0x2bb: {  	v21 =	vld [tilespmem:s26+$0xFFFFFFD0];
	v50 =	vadd.f32 v45, v27;
	s6 =	smul.f32 s10, s6;
	(xrf2) =	vadd.scan.msk.f32 $0xffff, v0  }
0x2bc: {  	v25 =	vld [tilespmem:s26+$0xFFFFFFF0];
	v59 =	vadd.f32 v44, v24;
	v58 =	vadd.f32 v46, v26;
	s20 =	smul.f32 s11, s12  }
0x2bd: {  	v56 =	vld [tilespmem:s19+$0xFFFFCDC0];
	v49 =	vmul.f32 v50, v50;
	s18 =	smul.f32 s6, s10;
	v8 =	vadd.f32 v39, v23  }
0x2be: {  	v2 =	vld [tilespmem:s19+$0xFFFFCD90];
	v6 =	vmul.f32 v59, v59;
	v51 =	vmul.f32 v58, v58;
	s11 =	smul.f32 s20, s5  }
0x2bf: {  	v3 =	vld [tilespmem:s19+$0xFFFFCDA0];
	v57 =	vadd.f32 v58, v50;
	v0 =	vmov s3;
	s3 =	ssub.f32 $1.500000000e+00, s18;
	v52 =	vadd.f32 v59, v8  }
0x2c0: {  	s21 =	spop (v2sf);
	v4 =	vmul.f32 v8, v8;
	v43 =	vadd.f32 v51, v49;
	v5 =	vsub.f32 v22, v0;
	v22 =	vld [tilespmem:s26+$0xFFFFFFE0];
	s11 =	smul.f32 s11, s20  }
0x2c1: {  	s23 =	spop (v2sf);
	v1 =	vsub.f32 v36, v0;
	v36 =	vld [tilespmem:s19+$0xFFFFCDB0];
	s10 =	smul.f32 s3, s10;
	v44 =	vadd.f32 v57, v52  }
0x2c2: {  	v7 =	vsub.f32 v20, v0;
	v20 =	vld [tilespmem:s26+$0xFFFFFFC0];
	s26 =	smul.f32 $1.562500000e-02, s23;
	v4 =	vadd.f32 v6, v4;
	s25 =	ssub.f32 $1.500000000e+00, s11  }
0x2c3: {  	v0 =	vsub.f32 v28, v0;
	s3 =	smul.f32 $1.562500000e-02, s21;
	v5 =	vmul.f32 s10, v5;
	(xrf2) =	vadd.scan.msk.f32 $0xffff, v44  }
0x2c4: {  	v1 =	vmul.f32 s10, v1;
	v4 =	vadd.f32 v43, v4;
	v46 =	vmul.f32 s10, v7;
	s6 =	smul.f32 s25, s20;
	v28, _, _ =	vpop (xrf2)  }
0x2c5: {  	v0 =	vmul.f32 s10, v0;
	s10 =	smul.f32 s3, s3;
	v43 =	vadd.f32 v3, v21;
	(v2sf) =	vpush v28, $0xF;
	v28, _, _ =	vpop (xrf2)  }
0x2c6: {  	v5 =	vmul.f32 v5, v60;
	s5 =	smul.f32 s6, s5;
	(v2sf) =	vpush v28, $0xF;
	v28 =	vadd.f32 v36, v22  }
0x2c7: {  	v1 =	vmul.f32 v1, v61;
	s9 =	ssub.f32 s26, s10;
	v36 =	vadd.f32 v56, v25;
	v56 =	vadd.f32 v2, v20  }
0x2c8: {  	v52 =	vmul.f32 v43, v43;
	(xrf2) =	vadd.scan.msk.f32 $0xffff, v4;
	v3 =	vadd.f32 v5, v48;
	s5 =	smul.f32 s5, s6;
	v4 =	vmul.f32 v28, v28  }
0x2c9: {  	s9 =	sadd.f32 $9.999999740e-06, s9;
	v5 =	vadd.f32 v36, v28;
	v49 =	vmul.f32 v36, v36;
	v51 =	vadd.f32 v43, v56  }
0x2ca: {  	v1 =	vadd.f32 v1, v54;
	v2 =	vmul.f32 v46, v62;
	s12 =	ssub.f32 $1.500000000e+00, s5;
	v57 =	vmul.f32 v56, v56  }
0x2cb: {  	s5 =	smul.f32 $5.000000000e-01, s9;
	v4 =	vadd.f32 v49, v4;
	v5 =	vadd.f32 v5, v51;
	v49 =	vmov s4  }
0x2cc: {  	s13 =	sshrl.u32 s9, $0x1;
	s6 =	smul.f32 s12, s6;
	v51 =	vadd.f32 v52, v57;
	v52 =	vsub.f32 v38, v49  }
0x2cd: {  	v0 =	vmul.f32 v0, v55;
	v45, _, _ =	vpop (xrf2);
	v57 =	vadd.f32 v2, v63;
	s4 =	ssub.s32 $0x5F3759DF, s13;
	v38 =	vsub.f32 v37, v49  }
0x2ce: {  	[tilespmem:s24+$0xFFFFCD90] =	vst v3;
	(v2sf) =	vpush v45, $0xF;
	s15 =	smul.f32 s4, s5;
	v44 =	vsub.f32 v35, v49;
	v39 =	vmul.f32 s6, v52  }
0x2cf: {  	v6 =	vsub.f32 v34, v49;
	v3 =	vadd.f32 v4, v51;
	(xrf2) =	vadd.scan.msk.f32 $0xffff, v5;
	v2 =	vmul.f32 s6, v38  }
0x2d0: {  	v0 =	vadd.f32 v0, v53;
	[tilespmem:s24+$0xFFFFCDA0] =	vst v1;
	s9 =	smul.f32 s4, s15;
	v49 =	vmul.f32 s6, v44;
	v46 =	vmul.f32 v39, v60  }
0x2d1: {  	[tilespmem:s24+$0xFFFFCDB0] =	vst v57;
	v57 =	vmul.f32 s6, v6;
	(xrf2) =	vadd.scan.msk.f32 $0xffff, v3;
	v52 =	vmul.f32 v2, v61  }
0x2d2: {  	[tilespmem:s24+$0xFFFFCDC0] =	vst v0;
	v51, _, _ =	vpop (xrf2);
	s16 =	ssub.f32 $1.500000000e+00, s9;
	v4 =	vmul.f32 v49, v62;
	v3 =	vadd.f32 v46, v48  }
0x2d3: {  	s10 =	simm.s32 $0x16210;
	v34 =	vld [tilespmem:s1+$0xFFFFFF90];
	(v2sf) =	vpush v51, $0xF;
	v2 =	vmul.f32 v57, v55;
	v0 =	vadd.f32 v52, v54  }
0x2d4: {  	v35 =	vld [tilespmem:s1+$0xFFFFFFA0];
	s6 =	smul.f32 s4, s16;
	v38 =	vadd.f32 v4, v63;
	[tilespmem:s10+$0xFFFFCDD0] =	vst v3  }
0x2d5: {  	v37 =	vld [tilespmem:s1+$0xFFFFFFB0];
	v44 =	vadd.f32 v2, v53;
	[tilespmem:s10+$0xFFFFCDE0] =	vst v0  }
0x2d6: {  	v39 =	vld [tilespmem:s1+$0xFFFFFFC0];
	s17 =	spop (v2sf);
	[tilespmem:s10+$0xFFFFCDF0] =	vst v38;
	s21 =	smul.f32 s6, s5  }
0x2d7: {  	[tilespmem:s10+$0xFFFFCE00] =	vst v44;
	s1 =	smul.f32 $1.562500000e-02, s17  }
0x2d8: {  	v46 =	vld [tilespmem:s0+$0xFFFFFFD0];
	s18 =	spop (v2sf);
	s23 =	smul.f32 s21, s6  }
0x2d9: {  	v31 =	vadd.f32 v34, v31;
	v49 =	vld [tilespmem:s0+$0xFFFFFFE0];
	s4 =	smul.f32 $1.562500000e-02, s18;
	v45, _, _ =	vpop (xrf2)  }
0x2da: {  	v34 =	vadd.f32 v35, v33;
	v3 =	vld [tilespmem:s0+$0xFFFFFFF0];
	s20 =	smul.f32 s1, s1;
	(v2sf) =	vpush v45, $0xF  }
0x2db: {  	v35 =	vadd.f32 v37, v13;
	v33 =	vadd.f32 v39, v29;
	v57 =	vld [tilespmem:s0+$0x0];
	s9 =	ssub.f32 $1.500000000e+00, s23;
	v51, _, _ =	vpop (xrf2)  }
0x2dc: {  	v52 =	vmul.f32 v31, v31;
	v37 =	vmul.f32 v34, v34;
	s4 =	ssub.f32 s4, s20;
	(v2sf) =	vpush v51, $0xF  }
0x2dd: {  	v5 =	vadd.f32 v34, v31;
	s13 =	smul.f32 s9, s6  }
0x2de: {  	v13 =	vmul.f32 v35, v35;
	v38 =	vadd.f32 v33, v35;
	v4 =	vadd.f32 v37, v52;
	s17 =	spop (v2sf);
	s4 =	sadd.f32 $9.999999740e-06, s4  }
0x2df: {  	v39 =	vmul.f32 v33, v33;
	v46 =	vadd.f32 v46, v47;
	v45 =	vadd.f32 v49, v9;
	s11 =	smul.f32 $1.562500000e-02, s17  }
0x2e0: {  	v44 =	vadd.f32 v3, v30;
	v47 =	vadd.f32 v57, v32;
	s25 =	sshrl.u32 s4, $0x1;
	s4 =	smul.f32 $5.000000000e-01, s4  }
0x2e1: {  	v5 =	vadd.f32 v38, v5;
	v49 =	vadd.f32 v39, v13;
	s21 =	smul.f32 s11, s11;
	s26 =	ssub.s32 $0x5F3759DF, s25  }
0x2e2: {  	v1 =	vadd.f32 v45, v46;
	v2 =	vadd.f32 v47, v44;
	s16 =	smul.f32 s26, s4;
	s18 =	spop (v2sf)  }
0x2e3: {  	s12 =	simm.s32 $0x194E0;
	v51 =	vmul.f32 v46, v46;
	v52 =	vmul.f32 v45, v45;
	v0 =	vadd.f32 v49, v4;
	s20 =	smul.f32 $1.562500000e-02, s18  }
0x2e4: {  	v37 =	vld [tilespmem:s12+$0x20];
	(xrf2) =	vadd.scan.msk.f32 $0xffff, v5;
	v57 =	vmul.f32 v44, v44;
	v9 =	vmul.f32 v47, v47;
	s9 =	smul.f32 s26, s16  }
0x2e5: {  	v38 =	vld [tilespmem:s12+$0x0];
	s5 =	smul.f32 s13, s5;
	v1 =	vadd.f32 v2, v1;
	(xrf2) =	vadd.scan.msk.f32 $0xffff, v0;
	s15 =	ssub.f32 s20, s21  }
0x2e6: {  	v32 =	vld [tilespmem:s12+$0x10];
	v13 =	vadd.f32 v52, v51;
	v49 =	vadd.f32 v9, v57;
	s9 =	ssub.f32 $1.500000000e+00, s9  }
0x2e7: {  	v39 =	vld [tilespmem:s12+$0x30];
	s17 =	simm.s32 $0x9B10;
	s23 =	smul.f32 s5, s13;
	(xrf2) =	vadd.scan.msk.f32 $0xffff, v1;
	s15 =	sadd.f32 $9.999999740e-06, s15  }
0x2e8: {  	v51 =	vld [tilespmem:s17+$0xFFFFCDD0];
	v0 =	vadd.f32 v49, v13;
	s5 =	smul.f32 s26, s9  }
0x2e9: {  	v57 =	vld [tilespmem:s17+$0xFFFFCDE0];
	s26 =	sshrl.u32 s15, $0x1;
	s16 =	smul.f32 $5.000000000e-01, s15;
	s25 =	spop (v2sf)  }
0x2ea: {  	v9 =	vld [tilespmem:s17+$0xFFFFCE00];
	(xrf2) =	vadd.scan.msk.f32 $0xffff, v0;
	s6 =	ssub.s32 $0x5F3759DF, s26;
	s9 =	smul.f32 $1.562500000e-02, s25  }
0x2eb: {  	v0 =	vld [tilespmem:s17+$0xFFFFCDF0];
	s20 =	smul.f32 s6, s16;
	s21 =	spop (v2sf)  }
0x2ec: {  	v4 =	vmov s3;
	s3 =	smul.f32 $1.562500000e-02, s21  }
0x2ed: {  	v5 =	vsub.f32 v42, v4;
	v6 =	vsub.f32 v41, v4;
	s23 =	ssub.f32 $1.500000000e+00, s23;
	s25 =	smul.f32 s6, s20  }
0x2ee: {  	v13 =	vadd.f32 v51, v38;
	v51 =	vadd.f32 v57, v32;
	v52, _, _ =	vpop (xrf2);
	s26 =	smul.f32 s9, s9  }
0x2ef: {  	v49 =	vadd.f32 v9, v39;
	s15 =	smul.f32 s23, s13;
	(v2sf) =	vpush v52, $0xF;
	v57, _, _ =	vpop (xrf2);
	s18 =	ssub.f32 $1.500000000e+00, s25  }
0x2f0: {  	v52 =	vadd.f32 v0, v37;
	(v2sf) =	vpush v57, $0xF;
	s21 =	smul.f32 s5, s4;
	s3 =	ssub.f32 s3, s26  }
0x2f1: {  	v29 =	vsub.f32 v40, v4;
	v1 =	vmul.f32 v13, v13;
	v2 =	vmul.f32 v51, v51;
	v7, _, _ =	vpop (xrf2);
	s6 =	smul.f32 s6, s18  }
0x2f2: {  	v41 =	vld [tilespmem:s12+$0xFFFFFFE0];
	v3 =	vmul.f32 v49, v49;
	v0 =	vmul.f32 v52, v52;
	(v2sf) =	vpush v7, $0xF;
	s18 =	smul.f32 s21, s5;
	s3 =	sadd.f32 $9.999999740e-06, s3  }
0x2f3: {  	v42 =	vld [tilespmem:s12+$0xFFFFFFF0];
	v30 =	vadd.f32 v49, v52;
	v7 =	vadd.f32 v51, v13;
	s23 =	smul.f32 s6, s16  }
0x2f4: {  	v9 =	vld [tilespmem:s12+$0xFFFFFFD0];
	v1 =	vadd.f32 v2, v1;
	v0 =	vadd.f32 v3, v0;
	v40, _, _ =	vpop (xrf2);
	s25 =	sshrl.u32 s3, $0x1;
	s13 =	smul.f32 $5.000000000e-01, s3  }
0x2f5: {  	v5 =	vmul.f32 s15, v5;
	v57 =	vld [tilespmem:s17+$0xFFFFCD90];
	(v2sf) =	vpush v40, $0xF;
	v3 =	vadd.f32 v30, v7;
	s26 =	ssub.s32 $0x5F3759DF, s25;
	s20 =	smul.f32 s23, s6  }
0x2f6: {  	v7 =	vld [tilespmem:s17+$0xFFFFCDB0];
	s21 =	smul.f32 s26, s13  }
0x2f7: {  	v0 =	vadd.f32 v0, v1;
	(xrf2) =	vadd.scan.msk.f32 $0xffff, v3;
	v3 =	vsub.f32 v15, v4;
	v4 =	vmul.f32 v5, v60;
	v5 =	vld [tilespmem:s12+$0xFFFFFFC0];
	s20 =	ssub.f32 $1.500000000e+00, s20  }
0x2f8: {  	v40 =	vmul.f32 s15, v29;
	v29 =	vld [tilespmem:s17+$0xFFFFCDC0];
	s18 =	ssub.f32 $1.500000000e+00, s18;
	s21 =	smul.f32 s26, s21  }
0x2f9: {  	v2 =	vld [tilespmem:s17+$0xFFFFCDA0];
	(xrf2) =	vadd.scan.msk.f32 $0xffff, v0;
	s6 =	smul.f32 s20, s6  }
0x2fa: {  	v1 =	vmul.f32 s15, v6;
	v40 =	vmul.f32 v40, v62;
	s12 =	smul.f32 s18, s5;
	s23 =	ssub.f32 $1.500000000e+00, s21  }
0x2fb: {  	[tilespmem:$0x1FDD0] =	vst v41;
	v3 =	vmul.f32 s15, v3;
	v4 =	vadd.f32 v4, v48;
	s25 =	smul.f32 s6, s16  }
0x2fc: {  	[tilespmem:$0x1FDE0] =	vst v42;
	v0 =	vmul.f32 v1, v61;
	v1 =	vadd.f32 v40, v63;
	v57 =	vadd.f32 v57, v5;
	s26 =	smul.f32 s26, s23  }
0x2fd: {  	[tilespmem:$0x1FDF0] =	vst v9;
	v41 =	vadd.f32 v7, v41;
	v40 =	vadd.f32 v29, v42;
	v3 =	vmul.f32 v3, v55;
	s15 =	smul.f32 s25, s6  }
0x2fe: {  	v0 =	vadd.f32 v0, v54;
	v42 =	vadd.f32 v2, v9;
	[tilespmem:$0x1FE00] =	vst v5;
	s18 =	spop (v2sf);
	v9 =	vmul.f32 v57, v57;
	s20 =	smul.f32 s26, s13  }
0x2ff: {  	[tilespmem:s10+$0xFFFFCD90] =	vst v4;
	v2 =	vadd.f32 v3, v53;
	v3 =	vmul.f32 v41, v41;
	v4 =	vmul.f32 v40, v40;
	s21 =	spop (v2sf)  }
0x300: {  	[tilespmem:s10+$0xFFFFCDA0] =	vst v0;
	v0 =	vmul.f32 v42, v42;
	s3 =	ssub.f32 $1.500000000e+00, s15;
	s15 =	smul.f32 s20, s26  }
0x301: {  	v5 =	vadd.f32 v40, v41;
	[tilespmem:s10+$0xFFFFCDB0] =	vst v1;
	s5 =	smul.f32 $1.562500000e-02, s18;
	v3 =	vadd.f32 v4, v3;
	v4 =	vmov s11;
	s23 =	spop (v2sf)  }
0x302: {  	[tilespmem:s10+$0xFFFFCDC0] =	vst v2;
	v0 =	vadd.f32 v0, v9;
	v2 =	vsub.f32 v8, v4;
	v9, _, _ =	vpop (xrf2);
	s6 =	smul.f32 s3, s6;
	s15 =	ssub.f32 $1.500000000e+00, s15  }
0x303: {  	v7 =	vld [tilespmem:s0+$0xFFFFFF90];
	v29 =	vsub.f32 v59, v4;
	(v2sf) =	vpush v9, $0xF;
	v59, _, _ =	vpop (xrf2);
	s3 =	smul.f32 $1.562500000e-02, s23  }
0x304: {  	v1 =	vadd.f32 v42, v57;
	v30 =	vld [tilespmem:s0+$0xFFFFFFA0];
	(v2sf) =	vpush v59, $0xF;
	s25 =	spop (v2sf);
	s15 =	smul.f32 s15, s26  }
0x305: {  	v50 =	vsub.f32 v50, v4;
	v4 =	vsub.f32 v58, v4;
	v2 =	vmul.f32 s6, v2;
	s26 =	smul.f32 $1.562500000e-02, s25  }
0x306: {  	v6 =	vld [tilespmem:s0+$0xFFFFFFB0];
	v1 =	vadd.f32 v5, v1;
	v8 =	vmul.f32 s6, v29;
	s16 =	smul.f32 s15, s13  }
0x307: {  	v0 =	vadd.f32 v3, v0;
	v4 =	vmul.f32 s6, v4;
	s18 =	smul.f32 s3, s3;
	v2 =	vmul.f32 v2, v60  }
0x308: {  	v59 =	vadd.f32 v7, v14;
	v29 =	vld [tilespmem:s0+$0xFFFFFFC0];
	v9 =	vmul.f32 s6, v50;
	v50 =	vmul.f32 v8, v61;
	s6 =	smul.f32 s16, s15  }
0x309: {  	(xrf2) =	vadd.scan.msk.f32 $0xffff, v1;
	v8 =	vadd.f32 v30, v12;
	v12 =	vmul.f32 v4, v55;
	s0 =	ssub.f32 s26, s18;
	v14 =	vadd.f32 v2, v48  }
0x30a: {  	s11 =	smul.f32 $1.562500000e-02, s21;
	(xrf2) =	vadd.scan.msk.f32 $0xffff, v0;
	v58 =	vmul.f32 v9, v62;
	s13 =	simm.s32 $0x16290;
	v1 =	vadd.f32 v50, v54;
	s6 =	ssub.f32 $1.500000000e+00, s6  }
0x30b: {  	s20 =	smul.f32 s5, s5;
	v50 =	vadd.f32 v6, v11;
	v2 =	vmov s9;
	v9 =	vadd.f32 v12, v53;
	[tilespmem:s13+$0xFFFFCDD0] =	vst v14  }
0x30c: {  	v11 =	vmul.f32 v8, v8;
	s0 =	sadd.f32 $9.999999740e-06, s0;
	v56 =	vsub.f32 v56, v2;
	v14 =	vadd.f32 v58, v63;
	[tilespmem:s13+$0xFFFFCDE0] =	vst v1;
	s6 =	smul.f32 s6, s15  }
0x30d: {  	s4 =	smul.f32 s12, s4;
	s9 =	ssub.f32 s11, s20;
	v12 =	vsub.f32 v43, v2;
	v58 =	vadd.f32 v29, v10;
	v10 =	vmul.f32 v59, v59;
	[tilespmem:s13+$0xFFFFCE00] =	vst v9  }
0x30e: {  	v43 =	vadd.f32 v8, v59;
	s21 =	sshrl.u32 s0, $0x1;
	s16 =	smul.f32 $5.000000000e-01, s0;
	[tilespmem:s13+$0xFFFFCDF0] =	vst v14;
	v3 =	vmul.f32 s6, v56  }
0x30f: {  	s4 =	smul.f32 s4, s12;
	s23 =	sadd.f32 $9.999999740e-06, s9;
	s11 =	ssub.s32 $0x5F3759DF, s21;
	v4 =	vadd.f32 v11, v10;
	v10 =	vadd.f32 v58, v50;
	v5 =	vld [tilespmem:s19+$0xFFFFFFD0];
	v0 =	vmul.f32 s6, v12  }
0x310: {  	v6 =	vmul.f32 v50, v50;
	s25 =	smul.f32 s11, s16;
	v7 =	vld [tilespmem:s19+$0xFFFFFFE0];
	v56 =	vsub.f32 v28, v2;
	v3 =	vmul.f32 v3, v60  }
0x311: {  	v14 =	vmul.f32 v58, v58;
	s0 =	smul.f32 $5.000000000e-01, s23;
	v2 =	vsub.f32 v36, v2;
	v0 =	vmul.f32 v0, v61  }
0x312: {  	v12 =	vld [tilespmem:s19+$0xFFFFFFF0];
	v1 =	vadd.f32 v10, v43;
	s26 =	smul.f32 s11, s25;
	s20 =	spop (v2sf);
	v43 =	vmul.f32 s6, v56;
	v3 =	vadd.f32 v3, v48  }
0x313: {  	v6 =	vadd.f32 v14, v6;
	v14 =	vld [tilespmem:s19+$0x0];
	s9 =	smul.f32 $1.562500000e-02, s20;
	s21 =	spop (v2sf);
	v10, _, _ =	vpop (xrf2);
	v2 =	vmul.f32 s6, v2;
	v0 =	vadd.f32 v0, v54  }
0x314: {  	s4 =	ssub.f32 $1.500000000e+00, s4;
	s6 =	smul.f32 $1.562500000e-02, s21;
	(v2sf) =	vpush v10, $0xF;
	v56 =	vmul.f32 v43, v62;
	v9 =	vadd.f32 v5, v23;
	[tilespmem:s13+$0xFFFFCD90] =	vst v3  }
0x315: {  	s15 =	sshrl.u32 s23, $0x1;
	v36, _, _ =	vpop (xrf2);
	s23 =	smul.f32 s9, s9;
	v7 =	vadd.f32 v7, v24;
	[tilespmem:s13+$0xFFFFCDA0] =	vst v0  }
0x316: {  	s4 =	smul.f32 s4, s12;
	s15 =	ssub.s32 $0x5F3759DF, s15;
	s25 =	ssub.f32 $1.500000000e+00, s26;
	(v2sf) =	vpush v36, $0xF;
	v36 =	vadd.f32 v56, v63;
	[tilespmem:$0x1FE10] =	vst v9  }
0x317: {  	s26 =	smul.f32 s15, s0;
	v12 =	vadd.f32 v12, v27;
	s6 =	ssub.f32 s6, s23;
	[tilespmem:$0x1FE20] =	vst v7  }
0x318: {  	v4 =	vadd.f32 v6, v4;
	s25 =	smul.f32 s11, s25;
	v14 =	vadd.f32 v14, v26;
	[tilespmem:s13+$0xFFFFCDB0] =	vst v36  }
0x319: {  	(xrf2) =	vadd.scan.msk.f32 $0xffff, v1;
	v2 =	vmul.f32 v2, v55;
	s21 =	smul.f32 s15, s26;
	v43 =	vadd.f32 v7, v9;
	s6 =	sadd.f32 $9.999999740e-06, s6;
	[tilespmem:$0x1FE30] =	vst v12  }
0x31a: {  	s12 =	simm.s32 $0x19560;
	s23 =	smul.f32 s25, s16;
	v56 =	vadd.f32 v14, v12;
	v9 =	vmul.f32 v9, v9;
	v7 =	vmul.f32 v7, v7;
	[tilespmem:$0x1FE40] =	vst v14  }
0x31b: {  	(xrf2) =	vadd.scan.msk.f32 $0xffff, v4;
	v12 =	vmul.f32 v12, v12;
	v14 =	vmul.f32 v14, v14;
	s26 =	sshrl.u32 s6, $0x1;
	s20 =	smul.f32 $5.000000000e-01, s6;
	v27 =	vld [tilespmem:s12+$0x0]  }
0x31c: {  	v2 =	vadd.f32 v2, v53;
	s18 =	smul.f32 s23, s25;
	v0 =	vadd.f32 v56, v43;
	s26 =	ssub.s32 $0x5F3759DF, s26;
	v28 =	vld [tilespmem:s12+$0x10]  }
0x31d: {  	s11 =	ssub.f32 $1.500000000e+00, s21;
	v36 =	vadd.f32 v7, v9;
	v29 =	vld [tilespmem:s12+$0x20];
	v1 =	vadd.f32 v14, v12;
	s28 =	smul.f32 s26, s20  }
0x31e: {  	s21 =	simm.s32 $0x9B90;
	s18 =	ssub.f32 $1.500000000e+00, s18;
	v30 =	vld [tilespmem:s12+$0x30];
	(xrf2) =	vadd.scan.msk.f32 $0xffff, v0  }
0x31f: {  	[tilespmem:s13+$0xFFFFCDC0] =	vst v2;
	v7 =	vld [tilespmem:s21+$0xFFFFCE00];
	v43 =	vadd.f32 v1, v36;
	s23 =	smul.f32 s26, s28  }
0x320: {  	v56 =	vmov s1;
	v2 =	vld [tilespmem:s19+$0xFFFFFF90];
	s1 =	smul.f32 s18, s25  }
0x321: {  	s11 =	smul.f32 s15, s11;
	v3 =	vld [tilespmem:s19+$0xFFFFFFA0];
	v36 =	vmov s5;
	(xrf2) =	vadd.scan.msk.f32 $0xffff, v43;
	s23 =	ssub.f32 $1.500000000e+00, s23  }
0x322: {  	v15 =	vsub.f32 v17, v56;
	v0 =	vld [tilespmem:s21+$0xFFFFCDD0];
	v4 =	vsub.f32 v33, v36;
	s16 =	smul.f32 s1, s16  }
0x323: {  	v9 =	vsub.f32 v18, v56;
	v10 =	vsub.f32 v16, v56;
	v1 =	vld [tilespmem:s21+$0xFFFFCDF0];
	s6 =	smul.f32 s26, s23;
	s18 =	spop (v2sf)  }
0x324: {  	v14 =	vsub.f32 v19, v56;
	v18 =	vsub.f32 v34, v36;
	v34, _, _ =	vpop (xrf2);
	v43 =	vld [tilespmem:s21+$0xFFFFCDE0];
	[tilespmem:$0x1FE50] =	vst v4;
	s5 =	smul.f32 $1.562500000e-02, s18  }
0x325: {  	v16 =	vsub.f32 v35, v36;
	v35, _, _ =	vpop (xrf2);
	(v2sf) =	vpush v34, $0xF;
	v24 =	vld [tilespmem:s12+$0xFFFFFFD0];
	s25 =	spop (v2sf);
	s26 =	smul.f32 s6, s20  }
0x326: {  	v19 =	vsub.f32 v31, v36;
	(v2sf) =	vpush v35, $0xF;
	v26 =	vld [tilespmem:s12+$0xFFFFFFE0];
	s15 =	smul.f32 $1.562500000e-02, s25  }
0x327: {  	v33 =	vadd.f32 v0, v27;
	v20 =	vadd.f32 v2, v20;
	v23 =	vld [tilespmem:s12+$0xFFFFFFF0];
	v36 =	vmov s5;
	s5 =	smul.f32 s5, s5  }
0x328: {  	v0 =	vld [tilespmem:s21+$0xFFFFCD90];
	s18 =	smul.f32 s26, s6;
	v12 =	vsub.f32 v57, v36;
	v57 =	vsub.f32 v42, v36;
	v42, _, _ =	vpop (xrf2)  }
0x329: {  	v5 =	vld [tilespmem:s21+$0xFFFFCDA0];
	v34 =	vadd.f32 v1, v29;
	s5 =	ssub.f32 s15, s5;
	(v2sf) =	vpush v42, $0xF  }
0x32a: {  	s16 =	smul.f32 s16, s1;
	v4 =	vld [tilespmem:s21+$0xFFFFCDB0];
	v35 =	vadd.f32 v43, v28;
	v11 =	vsub.f32 v41, v36;
	s18 =	ssub.f32 $1.500000000e+00, s18  }
0x32b: {  	v1 =	vld [tilespmem:s21+$0xFFFFCDC0];
	v56 =	vsub.f32 v40, v36;
	v36 =	vadd.f32 v7, v30;
	s15 =	smul.f32 s11, s0;
	v43, _, _ =	vpop (xrf2)  }
0x32c: {  	v31 =	vld [tilespmem:s12+$0xFFFFFFC0];
	v6 =	vadd.f32 v35, v33;
	s5 =	sadd.f32 $9.999999740e-06, s5;
	s6 =	smul.f32 s18, s6;
	(v2sf) =	vpush v43, $0xF  }
0x32d: {  	v40 =	vmul.f32 v33, v33;
	v41 =	vmul.f32 v35, v35;
	v7 =	vadd.f32 v36, v34;
	s15 =	smul.f32 s15, s11  }
0x32e: {  	v21 =	vadd.f32 v3, v21;
	v2 =	vmul.f32 v34, v34;
	v42 =	vadd.f32 v5, v24;
	s23 =	sshrl.u32 s5, $0x1;
	s12 =	smul.f32 $5.000000000e-01, s5  }
0x32f: {  	v3 =	vmul.f32 v36, v36;
	v6 =	vadd.f32 v7, v6;
	v7 =	vadd.f32 v41, v40;
	s25 =	smul.f32 s6, s20;
	s5 =	ssub.s32 $0x5F3759DF, s23  }
0x330: {  	v40 =	vadd.f32 v4, v26;
	v41 =	vadd.f32 v1, v23;
	s26 =	smul.f32 s5, s12  }
0x331: {  	s16 =	ssub.f32 $1.500000000e+00, s16;
	v4 =	vadd.f32 v3, v2;
	v43 =	vadd.f32 v0, v31;
	v3 =	vmul.f32 v42, v42;
	s18 =	smul.f32 s25, s6  }
0x332: {  	s15 =	ssub.f32 $1.500000000e+00, s15;
	v0 =	vmul.f32 v40, v40;
	v2 =	vmul.f32 v41, v41;
	s20 =	smul.f32 s5, s26  }
0x333: {  	s1 =	smul.f32 s16, s1;
	v1 =	vadd.f32 v4, v7;
	v4 =	vadd.f32 v41, v40;
	v5 =	vmul.f32 v43, v43;
	(xrf2) =	vadd.scan.msk.f32 $0xffff, v6;
	s18 =	ssub.f32 $1.500000000e+00, s18  }
0x334: {  	v6 =	vadd.f32 v42, v43;
	s30 =	smul.f32 s15, s11;
	v0 =	vadd.f32 v2, v0;
	v2 =	vmov s9;
	s20 =	ssub.f32 $1.500000000e+00, s20  }
0x335: {  	(xrf2) =	vadd.scan.msk.f32 $0xffff, v1;
	v1 =	vadd.f32 v3, v5;
	s23 =	spop (v2sf);
	v13 =	vsub.f32 v13, v2;
	s6 =	smul.f32 s18, s6  }
0x336: {  	v9 =	vmul.f32 s4, v9;
	v3 =	vld [tilespmem:s19+$0xFFFFFFB0];
	v4 =	vadd.f32 v4, v6;
	v5 =	vmov s3;
	s25 =	spop (v2sf);
	s16 =	smul.f32 s5, s20  }
0x337: {  	v0 =	vadd.f32 v0, v1;
	s3 =	smul.f32 $1.562500000e-02, s25;
	v6 =	vmul.f32 s6, v13;
	v13 =	vsub.f32 v52, v2  }
0x338: {  	v9 =	vmul.f32 v9, v61;
	v51 =	vsub.f32 v51, v2;
	v45 =	vsub.f32 v45, v5;
	(xrf2) =	vadd.scan.msk.f32 $0xffff, v4;
	v52 =	vld [tilespmem:s19+$0xFFFFFFC0];
	s18 =	smul.f32 s16, s12;
	s19 =	spop (v2sf)  }
0x339: {  	(xrf2) =	vadd.scan.msk.f32 $0xffff, v0;
	v0 =	vsub.f32 v47, v5;
	v47 =	vadd.f32 v21, v20;
	v7 =	vmul.f32 s6, v13;
	s28 =	smul.f32 $1.562500000e-02, s19  }
0x33a: {  	v51 =	vmul.f32 s6, v51;
	v2 =	vsub.f32 v49, v2;
	v6 =	vmul.f32 v6, v60;
	s26 =	smul.f32 s18, s16  }
0x33b: {  	v22 =	vadd.f32 v3, v22;
	v0 =	vmul.f32 s1, v0;
	v49 =	vmul.f32 v7, v62;
	s20 =	spop (v2sf);
	s18 =	smul.f32 s28, s28  }
0x33c: {  	v1 =	vmul.f32 v51, v61;
	v2 =	vmul.f32 s6, v2;
	v13 =	vadd.f32 v6, v48;
	s9 =	ssub.f32 $1.500000000e+00, s26;
	s6 =	smul.f32 $1.562500000e-02, s20  }
0x33d: {  	s5 =	smul.f32 $1.562500000e-02, s23;
	v7 =	vsub.f32 v46, v5;
	v46 =	vmul.f32 s4, v14;
	v14, _, _ =	vpop (xrf2);
	v51 =	vadd.f32 v49, v63  }
0x33e: {  	s29 =	simm.s32 $0x16310;
	v0 =	vmul.f32 v0, v55;
	v2 =	vmul.f32 v2, v55;
	(v2sf) =	vpush v14, $0xF;
	s9 =	smul.f32 s9, s16;
	s6 =	ssub.f32 s6, s18  }
0x33f: {  	s23 =	smul.f32 s5, s5;
	v6 =	vmul.f32 v20, v20;
	v25 =	vadd.f32 v52, v25;
	[tilespmem:s29+$0xFFFFCDD0] =	vst v13;
	v13 =	vmul.f32 v22, v22  }
0x340: {  	v5 =	vsub.f32 v44, v5;
	v44 =	vmul.f32 s4, v15;
	v52 =	vadd.f32 v2, v53;
	s25 =	smul.f32 s9, s12;
	s6 =	sadd.f32 $9.999999740e-06, s6  }
0x341: {  	v1 =	vadd.f32 v1, v54;
	s3 =	ssub.f32 s3, s23;
	v2 =	vmul.f32 v21, v21;
	v49 =	vmul.f32 v25, v25;
	[tilespmem:s29+$0xFFFFCDF0] =	vst v51;
	v51, _, _ =	vpop (xrf2);
	s12 =	smul.f32 s30, s0  }
0x342: {  	v14 =	vmul.f32 s4, v10;
	[tilespmem:s29+$0xFFFFCE00] =	vst v52;
	v52 =	vadd.f32 v25, v22;
	(v2sf) =	vpush v51, $0xF;
	s26 =	sshrl.u32 s6, $0x1;
	s0 =	smul.f32 $5.000000000e-01, s6  }
0x343: {  	[tilespmem:s29+$0xFFFFCDE0] =	vst v1;
	s3 =	sadd.f32 $9.999999740e-06, s3;
	v5 =	vmul.f32 s1, v5;
	v2 =	vadd.f32 v2, v6;
	v4 =	vadd.f32 v49, v13;
	v13, _, _ =	vpop (xrf2);
	s16 =	smul.f32 s25, s9;
	s18 =	ssub.s32 $0x5F3759DF, s26  }
0x344: {  	v0 =	vadd.f32 v0, v53;
	v6 =	vmul.f32 v46, v55;
	v3 =	vld [tilespmem:s17+$0xFFFFFFD0];
	(v2sf) =	vpush v13, $0xF;
	s19 =	smul.f32 s18, s0  }
0x345: {  	v10 =	vmul.f32 v14, v62;
	s20 =	sshrl.u32 s3, $0x1;
	v5 =	vmul.f32 v5, v62;
	v2 =	vadd.f32 v4, v2;
	v4 =	vld [tilespmem:s17+$0xFFFFFFE0];
	s25 =	smul.f32 $5.000000000e-01, s3  }
0x346: {  	v44 =	vmul.f32 v44, v60;
	s23 =	ssub.s32 $0x5F3759DF, s20;
	v1 =	vadd.f32 v52, v47;
	v6 =	vadd.f32 v6, v53;
	s4 =	ssub.f32 $1.500000000e+00, s16;
	s11 =	smul.f32 s18, s19  }
0x347: {  	v14 =	vmul.f32 s1, v45;
	v49 =	vadd.f32 v10, v63;
	v5 =	vadd.f32 v5, v63;
	v51 =	vld [tilespmem:s17+$0xFFFFFFF0];
	v52, _, _ =	vpop (xrf2);
	s15 =	smul.f32 s23, s25  }
0x348: {  	v7 =	vmul.f32 s1, v7;
	v13 =	vadd.f32 v44, v48;
	(v2sf) =	vpush v52, $0xF;
	s26 =	smul.f32 s4, s9;
	s9 =	ssub.f32 $1.500000000e+00, s11  }
0x349: {  	v14 =	vmul.f32 v14, v61;
	[tilespmem:s24+$0x0] =	vst v6;
	v46 =	vadd.f32 v3, v38;
	v3 =	vadd.f32 v9, v54;
	s11 =	smul.f32 s23, s15  }
0x34a: {  	v6 =	vld [tilespmem:s17+$0x0];
	(xrf2) =	vadd.scan.msk.f32 $0xffff, v1;
	v45 =	vadd.f32 v4, v32;
	v4 =	vmov s5;
	v9 =	vmul.f32 s26, v12;
	s4 =	smul.f32 s18, s9  }
0x34b: {  	(xrf2) =	vadd.scan.msk.f32 $0xffff, v2;
	v32 =	vsub.f32 v59, v4;
	v59 =	vmul.f32 v7, v60;
	v10 =	vmul.f32 s26, v57;
	s15 =	smul.f32 s12, s30;
	s5 =	ssub.f32 $1.500000000e+00, s11  }
0x34c: {  	[tilespmem:s10+$0x0] =	vst v0;
	v44 =	vadd.f32 v51, v37;
	v11 =	vmul.f32 s26, v11;
	v7 =	vmul.f32 v9, v60;
	s16 =	smul.f32 s4, s0  }
0x34d: {  	[tilespmem:s24+$0xFFFFFFF0] =	vst v49;
	v37 =	vsub.f32 v8, v4;
	v12 =	vmul.f32 s26, v56;
	v2 =	vmul.f32 v10, v61;
	s18 =	spop (v2sf);
	s3 =	smul.f32 s23, s5  }
0x34e: {  	[tilespmem:s24+$0xFFFFFFD0] =	vst v13;
	v38 =	vsub.f32 v50, v4;
	v13 =	vmul.f32 v11, v62;
	v7 =	vadd.f32 v7, v48;
	s5 =	smul.f32 $1.562500000e-02, s18  }
0x34f: {  	[tilespmem:s24+$0xFFFFFFE0] =	vst v3;
	v47 =	vadd.f32 v6, v39;
	v50 =	vmul.f32 v12, v55;
	v2 =	vadd.f32 v2, v54;
	s1 =	smul.f32 s16, s4  }
0x350: {  	v51 =	vadd.f32 v45, v46;
	v56 =	vmul.f32 v45, v45;
	v3 =	vadd.f32 v13, v63;
	[tilespmem:s29+$0xFFFFCD90] =	vst v7;
	s20 =	smul.f32 s5, s5  }
0x351: {  	v57 =	vmul.f32 v44, v44;
	v52 =	vadd.f32 v47, v44;
	v0 =	vadd.f32 v50, v53;
	[tilespmem:s29+$0xFFFFCDA0] =	vst v2;
	s16 =	ssub.f32 $1.500000000e+00, s15;
	s19 =	spop (v2sf)  }
0x352: {  	v1 =	vadd.f32 v59, v48;
	v59 =	vmul.f32 v47, v47;
	v55 =	vmul.f32 v46, v46;
	[tilespmem:s29+$0xFFFFCDB0] =	vst v3;
	s9 =	smul.f32 $1.562500000e-02, s19;
	s1 =	ssub.f32 $1.500000000e+00, s1  }
0x353: {  	v60 =	vadd.f32 v14, v54;
	v6 =	vadd.f32 v52, v51;
	[tilespmem:s29+$0xFFFFCDC0] =	vst v0;
	s11 =	smul.f32 s3, s25;
	s26 =	spop (v2sf)  }
0x354: {  	[tilespmem:s10+$0xFFFFFFF0] =	vst v5;
	v61 =	vadd.f32 v56, v55;
	v62, _, _ =	vpop (xrf2);
	v3 =	vadd.f32 v59, v57;
	v56 =	vld [tilespmem:s17+$0xFFFFFF90];
	s19 =	simm.s32 $0x16310;
	s31 =	smul.f32 s1, s4;
	s23 =	ssub.f32 s9, s20  }
0x355: {  	v39 =	vsub.f32 v58, v4;
	[tilespmem:s10+$0xFFFFFFD0] =	vst v1;
	v63, _, _ =	vpop (xrf2);
	v58 =	vld [tilespmem:s17+$0xFFFFFFA0];
	(v2sf) =	vpush v62, $0xF;
	s1 =	simm.s32 $0x8;
	s20 =	smul.f32 $1.562500000e-02, s26;
	s4 =	simm.s32 $0x195E0  }
0x356: {  	[tilespmem:s10+$0xFFFFFFE0] =	vst v60;
	(xrf2) =	vadd.scan.msk.f32 $0xffff, v6;
	v59 =	vld [tilespmem:s17+$0xFFFFFFB0];
	v49 =	vadd.f32 v3, v61;
	(v2sf) =	vpush v63, $0xF;
	s9 =	smul.f32 s31, s0;
	s12 =	sadd.f32 $9.999999740e-06, s23;
	s0 =	simm.s32 $0x9B90  }
.LBB2_5:
0x357: {  	v48 =	vld [tilespmem:s4+$0x0]  }
0x358: {  	v2 =	vld [tilespmem:$0x1FE00]  }
0x359: {  	v51 =	vld [tilespmem:s4+$0x10]  }
0x35a: {  	v50 =	vld [tilespmem:s4+$0x30]  }
0x35b: {  	v6 =	vld [tilespmem:$0x1FE10]  }
0x35c: {  	v5 =	vmov v24;
	v24 =	vld [tilespmem:s4+$0xFFFFFFD0]  }
0x35d: {  	(xrf2) =	vadd.scan.msk.f32 $0xffff, v49;
	v57 =	vadd.f32 v56, v2;
	v56 =	vld [tilespmem:$0x1FDF0]  }
0x35e: {  	v8 =	vld [tilespmem:$0x1FE20];
	s26 =	sshrl.u32 s12, $0x1;
	s12 =	smul.f32 $5.000000000e-01, s12  }
0x35f: {  	s21 =	sadd.s32 $0x80, s21;
	s6 =	smul.f32 s9, s31;
	v49 =	vld [tilespmem:s4+$0x20];
	s9 =	ssub.s32 $0x5F3759DF, s26  }
0x360: {  	v4 =	vmov v31;
	v1 =	vld [tilespmem:s21+$0xFFFFCDD0];
	s18 =	smul.f32 s9, s12  }
0x361: {  	[tilespmem:$0x1FE00] =	vst v4;
	v4 =	vld [tilespmem:s21+$0xFFFFCDF0];
	s23 =	smul.f32 s20, s20;
	s6 =	ssub.f32 $1.500000000e+00, s6  }
0x362: {  	v7 =	vmov v46;
	v0 =	vmov s20;
	s18 =	smul.f32 s9, s18;
	s15 =	spop (v2sf);
	v56 =	vadd.f32 v58, v56;
	v58 =	vld [tilespmem:$0x1FDD0]  }
0x363: {  	[tilespmem:$0x1FE10] =	vst v7;
	v7 =	vld [tilespmem:s21+$0xFFFFCE00];
	v54 =	vsub.f32 v43, v0;
	s15 =	smul.f32 $1.562500000e-02, s15  }
0x364: {  	v14 =	vmov s28;
	v3 =	vmovc v47;
	v55 =	vsub.f32 v42, v0;
	v52 =	vsub.f32 v40, v0;
	v43 =	vld [tilespmem:$0x1FE40];
	s26 =	smul.f32 s6, s31;
	s6 =	ssub.f32 $1.500000000e+00, s18  }
0x365: {  	v53 =	vsub.f32 v41, v0;
	[tilespmem:$0x1FE40] =	vst v3;
	v3 =	vld [tilespmem:s21+$0xFFFFCDE0];
	v9 =	vsub.f32 v6, v14;
	s18 =	smul.f32 s16, s30;
	s15 =	ssub.f32 s15, s23  }
0x366: {  	v60 =	vmov v26;
	v26 =	vld [tilespmem:s4+$0xFFFFFFE0];
	v63 =	vsub.f32 v8, v14;
	v1 =	vadd.f32 v1, v48;
	v62, _, _ =	vpop (xrf2);
	s16 =	smul.f32 s9, s6  }
0x367: {  	s11 =	smul.f32 s11, s3;
	(v2sf) =	vpush v62, $0xF;
	v31, _, _ =	vpop (xrf2);
	s20 =	sadd.f32 $9.999999740e-06, s15;
	v47 =	vadd.f32 v59, v58;
	v59 =	vld [tilespmem:$0x1FE30]  }
0x368: {  	v4 =	vadd.f32 v4, v49;
	v61 =	vmul.f32 v57, v57;
	v62 =	vld [tilespmem:$0x1FE50];
	s23 =	smul.f32 s16, s12;
	s15 =	spop (v2sf);
	(v2sf) =	vpush v31, $0xF  }
0x369: {  	v15 =	vld [tilespmem:$0x1FFF0];
	v7 =	vadd.f32 v7, v50;
	v2 =	vsub.f32 v43, v14;
	s9 =	ssub.f32 $1.500000000e+00, s11;
	s11 =	smul.f32 $5.000000000e-01, s20  }
0x36a: {  	[tilespmem:$0x1FDF0] =	vst v5;
	v5 =	vmul.f32 s26, v9;
	v43 =	vld [tilespmem:s21+$0xFFFFCD90];
	v3 =	vadd.f32 v3, v51;
	v10 =	vmul.f32 v56, v56;
	s28 =	sshrl.u32 s20, $0x1;
	s20 =	smul.f32 s23, s16  }
0x36b: {  	v13 =	vmul.f32 v1, v1;
	v40 =	vmul.f32 s18, v19;
	v19 =	vmovc v32;
	v32 =	vld [tilespmem:s21+$0xFFFFCDA0];
	[tilespmem:$0x1FDD0] =	vst v60;
	v60 =	vmov v45  }
0x36c: {  	[tilespmem:$0x1FE20] =	vst v60;
	v45 =	vadd.f32 v10, v61;
	v61 =	vmovc v44;
	v44 =	vmul.f32 s26, v63;
	s20 =	ssub.f32 $1.500000000e+00, s20;
	v0 =	vsub.f32 v59, v14;
	v14 =	vld [tilespmem:$0x1FFB0]  }
0x36d: {  	v31 =	vld [tilespmem:s4+$0xFFFFFFC0];
	v63 =	vmov v39;
	[tilespmem:$0x1FE30] =	vst v61;
	v60 =	vmul.f32 s18, v62;
	v61 =	vmul.f32 v3, v3  }
0x36e: {  	v11 =	vld [tilespmem:$0x1FF80];
	v12 =	vadd.f32 v7, v4;
	[tilespmem:$0x1FE50] =	vst v63;
	v62 =	vmul.f32 v4, v4;
	v63 =	vmul.f32 v7, v7;
	s20 =	smul.f32 s20, s16  }
0x36f: {  	v17 =	vmovc v38;
	v2 =	vmul.f32 s26, v2;
	v38 =	vadd.f32 v3, v1;
	v59 =	vmul.f32 s18, v18;
	v18 =	vmovc v37;
	v37 =	vld [tilespmem:s21+$0xFFFFCDB0]  }
0x370: {  	v6 =	vld [tilespmem:s4+$0xFFFFFFF0];
	s6 =	spop (v2sf);
	v61 =	vadd.f32 v61, v13;
	v62 =	vadd.f32 v63, v62;
	v0 =	vmul.f32 s26, v0;
	s26 =	smul.f32 s20, s12  }
0x371: {  	v8 =	vld [tilespmem:s17+$0xFFFFFFC0];
	v38 =	vadd.f32 v12, v38;
	v42 =	vadd.f32 v32, v24;
	s16 =	smul.f32 $1.562500000e-02, s6;
	v2 =	vmul.f32 v2, v14  }
0x372: {  	v39 =	vld [tilespmem:s21+$0xFFFFCDC0];
	s28 =	ssub.s32 $0x5F3759DF, s28;
	v43 =	vadd.f32 v43, v31;
	v10 =	vadd.f32 v62, v61;
	s6 =	smul.f32 s26, s20  }
0x373: {  	v9 =	vmul.f32 v40, v11;
	(xrf2) =	vadd.scan.msk.f32 $0xffff, v38;
	v32 =	vld [tilespmem:$0x1FDE0];
	s23 =	smul.f32 s28, s11;
	v2 =	vadd.f32 v2, v15  }
0x374: {  	s15 =	smul.f32 $1.562500000e-02, s15;
	(xrf2) =	vadd.scan.msk.f32 $0xffff, v10;
	v10 =	vmul.f32 v43, v43;
	v40 =	vadd.f32 v37, v26;
	v37 =	vmul.f32 v42, v42;
	s6 =	ssub.f32 $1.500000000e+00, s6  }
0x375: {  	[tilespmem:s13+$0x0] =	vst v2;
	v2 =	vmul.f32 s18, v16;
	s18 =	smul.f32 s28, s23  }
0x376: {  	v10 =	vadd.f32 v37, v10;
	v37 =	vmov s5;
	s5 =	smul.f32 s6, s20;
	s20 =	spop (v2sf)  }
0x377: {  	v41 =	vadd.f32 v39, v6;
	s23 =	spop (v2sf);
	s18 =	ssub.f32 $1.500000000e+00, s18  }
0x378: {  	v23 =	vmovc v23;
	v58 =	vadd.f32 v56, v57;
	v46 =	vmul.f32 v47, v47;
	v8 =	vadd.f32 v8, v32;
	s6 =	smul.f32 $1.562500000e-02, s23  }
0x379: {  	[tilespmem:$0x1FDE0] =	vst v23;
	v63 =	vmov s15;
	v62 =	vadd.f32 v42, v43;
	v39 =	vadd.f32 v41, v40;
	s12 =	smul.f32 s28, s18  }
0x37a: {  	v32 =	vsub.f32 v20, v63;
	v20 =	vmovc v57;
	v61 =	vmul.f32 v41, v41;
	v57 =	vadd.f32 v8, v47;
	s28 =	smul.f32 $1.562500000e-02, s20  }
0x37b: {  	v23 =	vmovc v6;
	v38 =	vmul.f32 v40, v40;
	v39 =	vadd.f32 v39, v62;
	v62 =	vsub.f32 v33, v37;
	s18 =	smul.f32 s12, s11  }
0x37c: {  	v57 =	vadd.f32 v57, v58;
	v58 =	vmul.f32 v60, v14;
	v60 =	vsub.f32 v35, v37;
	v35 =	vmovc v3;
	s26 =	smul.f32 s28, s28  }
0x37d: {  	v3, _, _ =	vpop (xrf2);
	v38 =	vadd.f32 v61, v38;
	v61 =	vmul.f32 v8, v8;
	(xrf2) =	vadd.scan.msk.f32 $0xffff, v39;
	v6 =	vmul.f32 s5, v62;
	s18 =	smul.f32 s18, s12  }
0x37e: {  	v13 =	vld [tilespmem:$0x1FFA0];
	v62 =	vsub.f32 v34, v37;
	v34 =	vmovc v4;
	v4 =	vmul.f32 s5, v60;
	v60 =	vsub.f32 v36, v37;
	s20 =	ssub.f32 s6, s26  }
0x37f: {  	s15 =	smul.f32 s15, s15;
	(v2sf) =	vpush v3, $0xF;
	v46 =	vadd.f32 v61, v46;
	s18 =	ssub.f32 $1.500000000e+00, s18  }
0x380: {  	v12 =	vld [tilespmem:$0x1FF90];
	s30 =	smul.f32 s9, s3;
	v33 =	vmovc v1;
	v1 =	vadd.f32 v38, v10;
	v62 =	vmul.f32 s5, v62;
	v10 =	vmul.f32 s5, v60;
	s5 =	sadd.f32 $9.999999740e-06, s20  }
0x381: {  	s15 =	ssub.f32 s16, s15;
	v45 =	vadd.f32 v46, v45;
	v46 =	vld [tilespmem:$0x1FFC0];
	s12 =	smul.f32 s18, s12  }
0x382: {  	v37 =	vsub.f32 v21, v63;
	v21 =	vmov v56;
	v56 =	vld [tilespmem:$0x1FFD0];
	(xrf2) =	vadd.scan.msk.f32 $0xffff, v1;
	v61 =	vmul.f32 v6, v11;
	v60, _, _ =	vpop (xrf2);
	s9 =	smul.f32 $5.000000000e-01, s5  }
0x383: {  	v6 =	vmul.f32 v62, v13;
	v62 =	vmul.f32 v10, v14;
	(xrf2) =	vadd.scan.msk.f32 $0xffff, v57;
	v57 =	vld [tilespmem:$0x1FFE0];
	(v2sf) =	vpush v60, $0xF;
	s26 =	sadd.f32 $9.999999740e-06, s15;
	s23 =	smul.f32 s12, s11  }
0x384: {  	s20 =	sshrl.u32 s5, $0x1;
	s11 =	smul.f32 s30, s25  }
0x385: {  	v38 =	vsub.f32 v22, v63;
	v22 =	vmovc v47;
	v4 =	vmul.f32 v4, v12;
	v47 =	vadd.f32 v62, v15;
	s15 =	ssub.s32 $0x5F3759DF, s20;
	s25 =	smul.f32 $5.000000000e-01, s26  }
0x386: {  	s29 =	sadd.s32 $0x80, s29;
	v1 =	vadd.f32 v61, v46;
	s18 =	sshrl.u32 s26, $0x1;
	s26 =	smul.f32 s15, s9  }
0x387: {  	v61 =	vadd.f32 v4, v56;
	[tilespmem:s29+$0xFFFFCE00] =	vst v47;
	v62, _, _ =	vpop (xrf2);
	s16 =	smul.f32 s23, s12  }
0x388: {  	[tilespmem:s29+$0xFFFFCDD0] =	vst v1;
	v10 =	vadd.f32 v6, v57;
	(v2sf) =	vpush v62, $0xF  }
0x389: {  	v5 =	vmul.f32 v5, v11;
	[tilespmem:s29+$0xFFFFCDE0] =	vst v61;
	s3 =	ssub.s32 $0x5F3759DF, s18;
	s6 =	smul.f32 s15, s26;
	s23 =	ssub.f32 $1.500000000e+00, s16  }
0x38a: {  	s17 =	smov.u32 s0;
	v44 =	vmul.f32 v44, v12;
	v59 =	vmul.f32 v59, v12;
	[tilespmem:s29+$0xFFFFCDF0] =	vst v10;
	s16 =	smul.f32 s3, s25  }
0x38b: {  	v2 =	vmul.f32 v2, v13;
	v39 =	vsub.f32 v25, v63;
	v63 =	vadd.f32 v58, v15;
	v4 =	vld [tilespmem:s17+$0xFFFFFFE0];
	s18 =	ssub.f32 $1.500000000e+00, s6;
	s5 =	smul.f32 s23, s12  }
0x38c: {  	v0 =	vmul.f32 v0, v13;
	v60 =	vadd.f32 v9, v46;
	v61 =	vadd.f32 v59, v56;
	v59 =	vld [tilespmem:s17+$0xFFFFFFF0];
	s23 =	smul.f32 s3, s16  }
0x38d: {  	v36 =	vmovc v7;
	[tilespmem:s24+$0xFFFFFFC0] =	vst v63;
	v3 =	vadd.f32 v5, v46;
	v2 =	vadd.f32 v2, v57;
	v62 =	vld [tilespmem:s17+$0x0];
	s26 =	smul.f32 s15, s18;
	v54 =	vmul.f32 s5, v54  }
0x38e: {  	(xrf2) =	vadd.scan.msk.f32 $0xffff, v45;
	v6 =	vadd.f32 v44, v56;
	v0 =	vadd.f32 v0, v57;
	v7 =	vld [tilespmem:s17+$0xFFFFFFD0];
	v47, _, _ =	vpop (xrf2);
	s20 =	smul.f32 s11, s30;
	s15 =	spop (v2sf);
	v58 =	vmul.f32 s5, v55  }
0x38f: {  	[tilespmem:s24+$0xFFFFFF90] =	vst v60;
	(v2sf) =	vpush v47, $0xF;
	v60 =	vmul.f32 s5, v52;
	s6 =	ssub.f32 $1.500000000e+00, s23;
	s11 =	smul.f32 s26, s9;
	v63 =	vmul.f32 v54, v11  }
0x390: {  	[tilespmem:s24+$0xFFFFFFA0] =	vst v61;
	v45 =	vadd.f32 v4, v28;
	v61 =	vmul.f32 s5, v53;
	s5 =	smul.f32 $1.562500000e-02, s15;
	v12 =	vmul.f32 v58, v12  }
0x391: {  	[tilespmem:s24+$0xFFFFFFB0] =	vst v2;
	v44 =	vadd.f32 v59, v29;
	v1 =	vmul.f32 v60, v13;
	s3 =	smul.f32 s3, s6;
	v5 =	vadd.f32 v63, v46  }
0x392: {  	[tilespmem:s13+$0xFFFFFFD0] =	vst v3;
	v47 =	vadd.f32 v62, v30;
	s18 =	spop (v2sf);
	v2 =	vmul.f32 v61, v14;
	s6 =	smul.f32 s11, s26;
	v52 =	vadd.f32 v12, v56  }
0x393: {  	s1 =	sadd.s32 $0x2, s1;
	v59 =	vmul.f32 v45, v45;
	s11 =	smul.f32 $1.562500000e-02, s18;
	v46 =	vadd.f32 v7, v27;
	v1 =	vadd.f32 v1, v57;
	[tilespmem:s29+$0xFFFFCD90] =	vst v5  }
0x394: {  	p0 =	slt.u32 s1, $0xC6;
	s16 =	ssub.f32 $1.500000000e+00, s20;
	v62 =	vmul.f32 v47, v47;
	v61 =	vmul.f32 v44, v44;
	s20 =	smul.f32 s5, s5;
	v60 =	vadd.f32 v2, v15;
	[tilespmem:s29+$0xFFFFCDA0] =	vst v52  }
.Ltmp1:
0x395: {  	s24 =	smov.u32 s10;
	v57 =	vadd.f32 v47, v44;
	s6 =	ssub.f32 $1.500000000e+00, s6;
	v4 =	vadd.f32 v45, v46;
	v58 =	vmul.f32 v46, v46;
	[tilespmem:s29+$0xFFFFCDB0] =	vst v1;
	(pc) =	sbr.rel @p0 .LBB2_5-.Ltmp1, $4  }
0x396: {  	v16 =	vmov v17;
	s10 =	smov.u32 s13;
	v2 =	vadd.f32 v62, v61;
	s23 =	ssub.f32 s11, s20;
	s11 =	smul.f32 s3, s25;
	[tilespmem:s29+$0xFFFFCDC0] =	vst v60  }
0x397: {  	s0 =	smov.u32 s21;
	v25 =	vmov v8;
	[tilespmem:s10+$0xFFFFFFE0] =	vst v6;
	v14, _, _ =	vpop (xrf2);
	s31 =	smul.f32 s6, s26;
	s26 =	spop (v2sf);
	v56 =	vld [tilespmem:s17+$0xFFFFFF90];
	v4 =	vadd.f32 v57, v4;
	v63 =	vadd.f32 v59, v58  }
0x398: {  	s4 =	sadd.s32 $0x80, s4;
	s13 =	smov.u32 s19;
	[tilespmem:s10+$0xFFFFFFF0] =	vst v0;
	v28 =	vmov v51;
	v29 =	vmov v49;
	v53, _, _ =	vpop (xrf2);
	(v2sf) =	vpush v14, $0xF;
	s20 =	smul.f32 $1.562500000e-02, s26;
	v58 =	vld [tilespmem:s17+$0xFFFFFFA0]  }
0x399: {  	s19 =	smov.u32 s29;
	v30 =	vmovc v50;
	v27 =	vmov v48;
	(v2sf) =	vpush v53, $0xF;
	s12 =	sadd.f32 $9.999999740e-06, s23;
	s9 =	smul.f32 s31, s9;
	v59 =	vld [tilespmem:s17+$0xFFFFFFB0];
	(xrf2) =	vadd.scan.msk.f32 $0xffff, v4;
	v49 =	vadd.f32 v2, v63  }
0x39a: {  	_ = 	snop  }
0x39b: {  	s1 =	sshrl.u32 s12, $0x1;
	s4 =	smul.f32 $5.000000000e-01, s12  }
0x39c: {  	s1 =	ssub.s32 $0x5F3759DF, s1  }
0x39d: {  	s6 =	smul.f32 s1, s4;
	_ =	sdelay $0x1  }
0x39e: {  	s6 =	smul.f32 s1, s6;
	_ =	sdelay $0x1  }
0x39f: {  	s6 =	ssub.f32 $1.500000000e+00, s6;
	_ =	sdelay $0x1  }
0x3a0: {  	s1 =	smul.f32 s1, s6;
	_ =	sdelay $0x1  }
0x3a1: {  	s6 =	smul.f32 s1, s4;
	_ =	sdelay $0x1  }
0x3a2: {  	s6 =	smul.f32 s6, s1  }
0x3a3: {  	s15 =	smul.f32 s20, s20  }
0x3a4: {  	s18 =	spop (v2sf);
	s6 =	ssub.f32 $1.500000000e+00, s6  }
0x3a5: {  	s12 =	smul.f32 $1.562500000e-02, s18  }
0x3a6: {  	s1 =	smul.f32 s6, s1  }
0x3a7: {  	s21 =	ssub.f32 s12, s15  }
0x3a8: {  	s4 =	smul.f32 s1, s4  }
0x3a9: {  	s6 =	sadd.f32 $9.999999740e-06, s21  }
0x3aa: {  	s4 =	smul.f32 s4, s1  }
0x3ab: {  	s23 =	sshrl.u32 s6, $0x1;
	s6 =	smul.f32 $5.000000000e-01, s6  }
0x3ac: {  	s12 =	ssub.s32 $0x5F3759DF, s23;
	s4 =	ssub.f32 $1.500000000e+00, s4  }
0x3ad: {  	v0 =	vmov s5;
	v48 =	vld [tilespmem:$0x1FF80];
	s26 =	smul.f32 s12, s6  }
0x3ae: {  	(xrf2) =	vadd.scan.msk.f32 $0xffff, v49;
	v1 =	vsub.f32 v33, v0;
	v49 =	vld [tilespmem:$0x1FF90];
	s1 =	smul.f32 s4, s1  }
0x3af: {  	v52 =	vld [tilespmem:$0x1FFC0];
	v2 =	vsub.f32 v35, v0;
	s5 =	smul.f32 s12, s26  }
0x3b0: {  	v53 =	vld [tilespmem:$0x1FFD0];
	v1 =	vmul.f32 s1, v1  }
0x3b1: {  	s4 =	ssub.f32 $1.500000000e+00, s5;
	v2 =	vmul.f32 s1, v2  }
0x3b2: {  	v1 =	vmul.f32 v1, v48  }
0x3b3: {  	s4 =	smul.f32 s12, s4;
	v2 =	vmul.f32 v2, v49  }
0x3b4: {  	v3 =	vsub.f32 v34, v0;
	v1 =	vadd.f32 v1, v52  }
0x3b5: {  	v50 =	vld [tilespmem:$0x1FFA0];
	v0 =	vsub.f32 v36, v0;
	s21 =	sadd.s32 $0x80, s29;
	s15 =	smul.f32 s4, s6;
	v2 =	vadd.f32 v2, v53  }
0x3b6: {  	v51 =	vld [tilespmem:$0x1FFB0];
	[tilespmem:s21+$0xFFFFCDD0] =	vst v1  }
0x3b7: {  	v3 =	vmul.f32 s1, v3;
	v0 =	vmul.f32 s1, v0;
	s1 =	smul.f32 s15, s4;
	v54 =	vld [tilespmem:$0x1FFE0];
	[tilespmem:s21+$0xFFFFCDE0] =	vst v2  }
0x3b8: {  	v55 =	vld [tilespmem:$0x1FFF0]  }
0x3b9: {  	s1 =	ssub.f32 $1.500000000e+00, s1  }
0x3ba: {  	v3 =	vmul.f32 v3, v50  }
0x3bb: {  	v0 =	vmul.f32 v0, v51;
	s1 =	smul.f32 s1, s4  }
0x3bc: {  	v34 =	vadd.f32 v3, v54  }
0x3bd: {  	s4 =	smul.f32 s1, s6;
	v0 =	vadd.f32 v0, v55  }
0x3be: {  	[tilespmem:s21+$0xFFFFCDF0] =	vst v34  }
0x3bf: {  	v36 =	vld [tilespmem:s17+$0xFFFFFFC0];
	s4 =	smul.f32 s4, s1;
	[tilespmem:s21+$0xFFFFCE00] =	vst v0  }
0x3c0: {  	v5 =	vld [tilespmem:$0x1FE00]  }
0x3c1: {  	s4 =	ssub.f32 $1.500000000e+00, s4;
	v60 =	vld [tilespmem:$0x1FDF0]  }
0x3c2: {  	v57 =	vmov s20;
	v4, _, _ =	vpop (xrf2);
	v6 =	vld [tilespmem:$0x1FDD0]  }
0x3c3: {  	(v2sf) =	vpush v4, $0xF;
	v0 =	vsub.f32 v43, v57;
	v62 =	vld [tilespmem:$0x1FDE0];
	s4 =	smul.f32 s4, s1  }
0x3c4: {  	v35, _, _ =	vpop (xrf2);
	v1 =	vsub.f32 v41, v57;
	v2 =	vsub.f32 v42, v57  }
0x3c5: {  	(v2sf) =	vpush v35, $0xF;
	v0 =	vmul.f32 s4, v0  }
0x3c6: {  	v2 =	vmul.f32 s4, v2;
	v1 =	vmul.f32 s4, v1  }
0x3c7: {  	v3 =	vld [tilespmem:s0+$0xFFFFFFD0];
	v0 =	vmul.f32 v0, v48;
	v35 =	vadd.f32 v56, v5;
	v15 =	vadd.f32 v58, v60  }
0x3c8: {  	v61 =	vld [tilespmem:s0+$0xFFFFFFE0];
	v2 =	vmul.f32 v2, v49;
	v34 =	vadd.f32 v59, v6;
	v33 =	vadd.f32 v36, v62  }
0x3c9: {  	v63 =	vld [tilespmem:s0+$0xFFFFFFF0];
	v1 =	vmul.f32 v1, v51;
	v6 =	vsub.f32 v40, v57;
	v0 =	vadd.f32 v0, v52  }
0x3ca: {  	v10 =	vld [tilespmem:s0+$0x0];
	v2 =	vadd.f32 v2, v53;
	v7 =	vmul.f32 v35, v35;
	v8 =	vmul.f32 v15, v15  }
0x3cb: {  	v1 =	vadd.f32 v1, v55;
	v9 =	vmul.f32 v34, v34;
	v13 =	vmul.f32 v33, v33  }
0x3cc: {  	v17 =	vadd.f32 v15, v35;
	v56 =	vadd.f32 v33, v34  }
0x3cd: {  	v7 =	vadd.f32 v8, v7;
	v57 =	vadd.f32 v13, v9  }
0x3ce: {  	v13 =	vadd.f32 v3, v27;
	v9 =	vadd.f32 v61, v28  }
0x3cf: {  	v8 =	vadd.f32 v63, v29;
	v27 =	vadd.f32 v10, v30  }
0x3d0: {  	v58 =	vadd.f32 v56, v17;
	v10 =	vmul.f32 s4, v6;
	v59 =	vmul.f32 v13, v13  }
0x3d1: {  	s6 =	spop (v2sf);
	v5 =	vmul.f32 v9, v9;
	v7 =	vadd.f32 v57, v7;
	v60 =	vmul.f32 v8, v8  }
0x3d2: {  	s12 =	spop (v2sf);
	v61 =	vmul.f32 v27, v27;
	v62 =	vadd.f32 v9, v13;
	v3 =	vmul.f32 v10, v50  }
0x3d3: {  	s17 =	spop (v2sf);
	[tilespmem:s21+$0xFFFFCD90] =	vst v0;
	v30 =	vadd.f32 v27, v8;
	v4 =	vadd.f32 v5, v59  }
0x3d4: {  	s18 =	spop (v2sf);
	s1 =	smul.f32 $1.562500000e-02, s17;
	[tilespmem:s21+$0xFFFFCDA0] =	vst v2;
	v63 =	vadd.f32 v61, v60;
	v12 =	vadd.f32 v3, v54  }
0x3d5: {  	s5 =	smul.f32 $1.562500000e-02, s18;
	[tilespmem:s21+$0xFFFFCDC0] =	vst v1;
	(xrf2) =	vadd.scan.msk.f32 $0xffff, v58;
	v11 =	vadd.f32 v30, v62  }
0x3d6: {  	s20 =	smul.f32 s1, s1;
	(xrf2) =	vadd.scan.msk.f32 $0xffff, v7;
	v4 =	vadd.f32 v63, v4;
	[tilespmem:s21+$0xFFFFCDB0] =	vst v12  }
0x3d7: {  	(xrf2) =	vadd.scan.msk.f32 $0xffff, v11;
	v0 =	vld [tilespmem:s0+$0xFFFFFF90]  }
0x3d8: {  	s23 =	smul.f32 s9, s31;
	s4 =	ssub.f32 s5, s20;
	v1 =	vld [tilespmem:s0+$0xFFFFFFA0];
	(xrf2) =	vadd.scan.msk.f32 $0xffff, v4  }
0x3d9: {  	s18 =	smul.f32 $1.562500000e-02, s12;
	v17 =	vld [tilespmem:s0+$0xFFFFFFB0]  }
0x3da: {  	s17 =	smul.f32 s11, s3;
	s4 =	sadd.f32 $9.999999740e-06, s4;
	v40 =	vld [tilespmem:s0+$0xFFFFFFC0]  }
0x3db: {  	s11 =	smul.f32 $1.562500000e-02, s6  }
0x3dc: {  	s26 =	sshrl.u32 s4, $0x1;
	s4 =	smul.f32 $5.000000000e-01, s4  }
0x3dd: {  	s5 =	ssub.f32 $1.500000000e+00, s23;
	s23 =	smul.f32 s11, s11;
	s9 =	ssub.s32 $0x5F3759DF, s26  }
0x3de: {  	s29 =	smul.f32 s9, s4;
	v29 =	vadd.f32 v0, v31;
	v28 =	vadd.f32 v1, v24  }
0x3df: {  	s6 =	ssub.f32 s18, s23;
	v14, _, _ =	vpop (xrf2);
	v24 =	vadd.f32 v17, v26;
	v23 =	vadd.f32 v40, v23  }
0x3e0: {  	s15 =	smul.f32 s9, s29;
	(v2sf) =	vpush v14, $0xF;
	v36, _, _ =	vpop (xrf2);
	v57 =	vadd.f32 v28, v29  }
0x3e1: {  	s6 =	sadd.f32 $9.999999740e-06, s6;
	v58 =	vadd.f32 v23, v24;
	(v2sf) =	vpush v36, $0xF;
	v41, _, _ =	vpop (xrf2)  }
0x3e2: {  	s5 =	smul.f32 s5, s31;
	s0 =	ssub.f32 $1.500000000e+00, s15;
	(v2sf) =	vpush v41, $0xF;
	v42, _, _ =	vpop (xrf2)  }
0x3e3: {  	s20 =	ssub.f32 $1.500000000e+00, s17;
	s23 =	sshrl.u32 s6, $0x1;
	s6 =	smul.f32 $5.000000000e-01, s6;
	v60 =	vadd.f32 v58, v57;
	(v2sf) =	vpush v42, $0xF  }
0x3e4: {  	s0 =	smul.f32 s9, s0;
	v0 =	vmul.f32 v29, v29;
	v1 =	vmul.f32 v28, v28  }
0x3e5: {  	s9 =	smul.f32 s20, s3;
	v43 =	vmul.f32 v24, v24;
	v56 =	vmul.f32 v23, v23;
	(xrf2) =	vadd.scan.msk.f32 $0xffff, v60  }
0x3e6: {  	s3 =	smul.f32 s16, s30  }
0x3e7: {  	s26 =	smul.f32 s0, s4;
	v0 =	vadd.f32 v1, v0;
	v59 =	vadd.f32 v56, v43  }
0x3e8: {  	s31 =	smul.f32 s9, s25  }
0x3e9: {  	s16 =	ssub.s32 $0x5F3759DF, s23;
	s29 =	smul.f32 s26, s0;
	v0 =	vadd.f32 v59, v0  }
0x3ea: {  	s25 =	smul.f32 s16, s6  }
0x3eb: {  	s12 =	ssub.f32 $1.500000000e+00, s29;
	(xrf2) =	vadd.scan.msk.f32 $0xffff, v0  }
0x3ec: {  	s18 =	smul.f32 s16, s25  }
0x3ed: {  	s12 =	smul.f32 s12, s0  }
0x3ee: {  	s15 =	smul.f32 s31, s9;
	s18 =	ssub.f32 $1.500000000e+00, s18  }
0x3ef: {  	s4 =	smul.f32 s12, s4;
	s17 =	spop (v2sf);
	v61, _, _ =	vpop (xrf2)  }
0x3f0: {  	s18 =	smul.f32 s16, s18;
	(v2sf) =	vpush v61, $0xF;
	s25 =	spop (v2sf)  }
0x3f1: {  	s4 =	smul.f32 s4, s12;
	s26 =	spop (v2sf)  }
0x3f2: {  	s0 =	smul.f32 $1.562500000e-02, s26;
	s29 =	spop (v2sf)  }
0x3f3: {  	s20 =	smul.f32 $1.562500000e-02, s29  }
0x3f4: {  	s26 =	smul.f32 s0, s0  }
0x3f5: {  	s31 =	smul.f32 s18, s6;
	s4 =	ssub.f32 $1.500000000e+00, s4;
	v62, _, _ =	vpop (xrf2)  }
0x3f6: {  	(v2sf) =	vpush v62, $0xF;
	s30 =	ssub.f32 s20, s26  }
0x3f7: {  	s23 =	smul.f32 s31, s18  }
0x3f8: {  	s12 =	smul.f32 s4, s12;
	s16 =	sadd.f32 $9.999999740e-06, s30  }
0x3f9: {  	s25 =	smul.f32 $1.562500000e-02, s25  }
0x3fa: {  	v7 =	vld [tilespmem:$0x1FE40];
	s15 =	ssub.f32 $1.500000000e+00, s15;
	s20 =	smul.f32 $5.000000000e-01, s16  }
0x3fb: {  	v12 =	vmul.f32 s3, v19;
	v19 =	vld [tilespmem:$0x1FE50];
	s30 =	sshrl.u32 s16, $0x1;
	s16 =	smul.f32 $1.562500000e-02, s17  }
0x3fc: {  	s17 =	smul.f32 s15, s9;
	s4 =	ssub.s32 $0x5F3759DF, s30  }
0x3fd: {  	s31 =	smul.f32 s4, s20  }
0x3fe: {  	s26 =	ssub.f32 $1.500000000e+00, s23;
	s23 =	smul.f32 s16, s16  }
0x3ff: {  	v63 =	vmov s28;
	v14 =	vmul.f32 s3, v18;
	s29 =	smul.f32 s4, s31;
	s31 =	spop (v2sf)  }
0x400: {  	v18 =	vmul.f32 s3, v16;
	v1 =	vsub.f32 v7, v63;
	v7 =	vmul.f32 s3, v19;
	s25 =	ssub.f32 s25, s23;
	s3 =	smul.f32 $1.562500000e-02, s31  }
0x401: {  	v10 =	vld [tilespmem:$0x1FE10];
	s9 =	smul.f32 s26, s18;
	s28 =	ssub.f32 $1.500000000e+00, s29  }
0x402: {  	v11 =	vld [tilespmem:$0x1FE20];
	s29 =	sadd.f32 $9.999999740e-06, s25;
	s31 =	smul.f32 s3, s3  }
0x403: {  	s15 =	smul.f32 s4, s28  }
0x404: {  	s4 =	smul.f32 $5.000000000e-01, s29  }
0x405: {  	s23 =	spop (v2sf);
	s30 =	smul.f32 s15, s20  }
0x406: {  	v30 =	vmov s1;
	v17 =	vld [tilespmem:$0x1FE30];
	s18 =	sshrl.u32 s29, $0x1;
	s29 =	smul.f32 $1.562500000e-02, s23  }
0x407: {  	v2 =	vsub.f32 v10, v63;
	v3 =	vsub.f32 v11, v63;
	v26 =	vmov s11;
	s25 =	smul.f32 s30, s15;
	s30 =	ssub.s32 $0x5F3759DF, s18  }
0x408: {  	v31 =	vsub.f32 v46, v30;
	v11 =	vsub.f32 v20, v26;
	s23 =	smul.f32 s30, s4  }
0x409: {  	v10 =	vsub.f32 v25, v26;
	v2 =	vmul.f32 s5, v2;
	v3 =	vmul.f32 s5, v3;
	s25 =	ssub.f32 $1.500000000e+00, s25  }
0x40a: {  	v16 =	vsub.f32 v44, v30;
	v36 =	vsub.f32 v45, v30;
	v4 =	vmul.f32 v12, v48;
	s18 =	ssub.f32 s29, s31;
	s11 =	smul.f32 s30, s23  }
0x40b: {  	v5 =	vmul.f32 v14, v49;
	v6 =	vmul.f32 v18, v50;
	v0 =	vsub.f32 v17, v63;
	s15 =	smul.f32 s25, s15  }
0x40c: {  	v12 =	vsub.f32 v21, v26;
	v2 =	vmul.f32 v2, v48;
	v1 =	vmul.f32 s5, v1;
	s6 =	smul.f32 s9, s6;
	s25 =	sadd.f32 $9.999999740e-06, s18  }
0x40d: {  	v14 =	vsub.f32 v22, v26;
	v3 =	vmul.f32 v3, v49;
	v0 =	vmul.f32 s5, v0;
	s11 =	ssub.f32 $1.500000000e+00, s11;
	s26 =	smul.f32 s15, s20  }
0x40e: {  	v4 =	vadd.f32 v4, v52;
	v1 =	vmul.f32 v1, v51;
	v17 =	vsub.f32 v47, v30;
	s1 =	smul.f32 $5.000000000e-01, s25  }
0x40f: {  	v5 =	vadd.f32 v5, v53;
	v7 =	vmul.f32 v7, v51;
	v0 =	vmul.f32 v0, v50;
	s28 =	sshrl.u32 s25, $0x1;
	s5 =	smul.f32 s30, s11  }
0x410: {  	v6 =	vadd.f32 v6, v54;
	v17 =	vmul.f32 s12, v17;
	v18 =	vmul.f32 s12, v31;
	s20 =	ssub.s32 $0x5F3759DF, s28;
	s18 =	smul.f32 s26, s15  }
0x411: {  	v2 =	vadd.f32 v2, v52;
	v40 =	vmul.f32 s17, v32;
	v41 =	vmul.f32 s17, v37;
	s29 =	smul.f32 s20, s1  }
0x412: {  	v3 =	vadd.f32 v3, v53;
	v42 =	vmul.f32 s17, v38;
	v44 =	vmul.f32 s17, v39;
	s17 =	smul.f32 s5, s4  }
0x413: {  	[tilespmem:s24+$0xFFFFFF90] =	vst v4;
	v1 =	vadd.f32 v1, v55;
	v19 =	vmul.f32 s12, v36;
	v16 =	vmul.f32 s12, v16;
	s31 =	smul.f32 s20, s29  }
0x414: {  	[tilespmem:s24+$0xFFFFFFA0] =	vst v5;
	v7 =	vadd.f32 v7, v55;
	v17 =	vmul.f32 v17, v51;
	v56 =	vmul.f32 v18, v48;
	s6 =	smul.f32 s6, s9;
	s30 =	ssub.f32 $1.500000000e+00, s18  }
0x415: {  	[tilespmem:s13+$0xFFFFFFE0] =	vst v3;
	v0 =	vadd.f32 v0, v54;
	v60 =	vmul.f32 v19, v49;
	v63 =	vmul.f32 v16, v50;
	s12 =	smul.f32 s17, s5;
	s18 =	ssub.f32 $1.500000000e+00, s31  }
0x416: {  	[tilespmem:s24+$0xFFFFFFC0] =	vst v7;
	v43 =	vadd.f32 v17, v55;
	v7 =	vadd.f32 v56, v52;
	s6 =	ssub.f32 $1.500000000e+00, s6;
	s11 =	smul.f32 s30, s15  }
0x417: {  	[tilespmem:s13+$0xFFFFFFF0] =	vst v0;
	v3 =	vadd.f32 v60, v53;
	v0 =	vadd.f32 v63, v54;
	v59 =	vmov s0;
	s15 =	smul.f32 s20, s18  }
0x418: {  	[tilespmem:s24+$0xFFFFFFB0] =	vst v6;
	v62 =	vsub.f32 v27, v59;
	v13 =	vsub.f32 v13, v59;
	s23 =	smul.f32 s6, s9;
	s24 =	ssub.f32 $1.500000000e+00, s12  }
0x419: {  	[tilespmem:s13+$0xFFFFFFD0] =	vst v2;
	v26 =	vsub.f32 v9, v59;
	v30 =	vsub.f32 v8, v59;
	v46 =	vmov s16;
	s25 =	smul.f32 s15, s1  }
0x41a: {  	[tilespmem:s13+$0x0] =	vst v1;
	v47 =	vsub.f32 v35, v46;
	v15 =	vsub.f32 v15, v46;
	v45 =	vmul.f32 v40, v48;
	s5 =	smul.f32 s24, s5  }
0x41b: {  	[tilespmem:s19+$0x0] =	vst v43;
	v57 =	vsub.f32 v34, v46;
	v21 =	vmul.f32 v41, v49;
	v1 =	vmul.f32 v42, v50;
	s26 =	smul.f32 s25, s15  }
0x41c: {  	[tilespmem:s19+$0xFFFFFFD0] =	vst v7;
	v58 =	vsub.f32 v33, v46;
	v17 =	vmul.f32 v44, v51;
	v5 =	vadd.f32 v45, v52;
	s4 =	smul.f32 s5, s4  }
0x41d: {  	[tilespmem:s19+$0xFFFFFFE0] =	vst v3;
	v61 =	vadd.f32 v21, v53;
	v1 =	vadd.f32 v1, v54;
	v31 =	vmul.f32 s23, v11;
	s6 =	ssub.f32 $1.500000000e+00, s26  }
0x41e: {  	[tilespmem:s19+$0xFFFFFFF0] =	vst v0;
	v22 =	vadd.f32 v17, v55;
	v36 =	vmov s3;
	v32 =	vmul.f32 s23, v12;
	s4 =	smul.f32 s4, s5  }
0x41f: {  	[tilespmem:s10+$0xFFFFFF90] =	vst v5;
	v38 =	vsub.f32 v29, v36;
	v34 =	vmul.f32 s23, v14;
	v8 =	vmul.f32 v31, v48;
	s6 =	smul.f32 s6, s15  }
0x420: {  	[tilespmem:s10+$0xFFFFFFA0] =	vst v61;
	v40 =	vsub.f32 v28, v36;
	v35 =	vmul.f32 s23, v10;
	v37 =	vmul.f32 v32, v49;
	s28 =	ssub.f32 $1.500000000e+00, s4  }
0x421: {  	[tilespmem:s10+$0xFFFFFFB0] =	vst v1;
	v39 =	vmul.f32 v34, v50;
	v8 =	vadd.f32 v8, v52;
	v25 =	vmul.f32 s11, v62;
	s1 =	smul.f32 s6, s1  }
0x422: {  	[tilespmem:s10+$0xFFFFFFC0] =	vst v22;
	v41 =	vmul.f32 v35, v51;
	v3 =	vadd.f32 v37, v53;
	v13 =	vmul.f32 s11, v13;
	s0 =	smul.f32 s28, s5  }
0x423: {  	v0 =	vadd.f32 v39, v54;
	[tilespmem:s13+$0xFFFFFF90] =	vst v8;
	v5 =	vmul.f32 s11, v26;
	v27 =	vmul.f32 v25, v51;
	s1 =	smul.f32 s1, s6  }
0x424: {  	v4 =	vadd.f32 v41, v55;
	[tilespmem:s13+$0xFFFFFFA0] =	vst v3;
	v1 =	vmul.f32 s11, v30;
	v43 =	vmul.f32 v13, v48  }
0x425: {  	[tilespmem:s13+$0xFFFFFFB0] =	vst v0;
	v5 =	vmul.f32 v5, v49;
	v33 =	vadd.f32 v27, v55;
	v44 =	vmul.f32 s0, v47;
	s1 =	ssub.f32 $1.500000000e+00, s1  }
0x426: {  	[tilespmem:s13+$0xFFFFFFC0] =	vst v4;
	v1 =	vmul.f32 v1, v50;
	v45 =	vadd.f32 v43, v52;
	v46 =	vmul.f32 s0, v15  }
0x427: {  	v5 =	vadd.f32 v5, v53;
	[tilespmem:s21+$0x0] =	vst v33;
	v47 =	vmul.f32 s0, v57;
	v3 =	vmul.f32 v44, v48;
	s1 =	smul.f32 s1, s6  }
0x428: {  	v1 =	vadd.f32 v1, v54;
	[tilespmem:s21+$0xFFFFFFD0] =	vst v45;
	v2 =	vmul.f32 s0, v58;
	v0 =	vmul.f32 v46, v49  }
0x429: {  	[tilespmem:s21+$0xFFFFFFE0] =	vst v5;
	v4 =	vmul.f32 v47, v50;
	v3 =	vadd.f32 v3, v52;
	v56 =	vmul.f32 s1, v38  }
0x42a: {  	[tilespmem:s21+$0xFFFFFFF0] =	vst v1;
	v57 =	vmul.f32 v2, v51;
	v0 =	vadd.f32 v0, v53;
	v58 =	vmul.f32 s1, v40  }
0x42b: {  	v42 =	vsub.f32 v24, v36;
	v4 =	vadd.f32 v4, v54;
	[tilespmem:s19+$0xFFFFFF90] =	vst v3;
	v5 =	vmul.f32 v56, v48  }
0x42c: {  	v10 =	vsub.f32 v23, v36;
	v1 =	vadd.f32 v57, v55;
	[tilespmem:s19+$0xFFFFFFA0] =	vst v0;
	v2 =	vmul.f32 v58, v49  }
0x42d: {  	[tilespmem:s19+$0xFFFFFFB0] =	vst v4;
	v59 =	vmul.f32 s1, v42;
	v61 =	vadd.f32 v5, v52  }
0x42e: {  	[tilespmem:s19+$0xFFFFFFC0] =	vst v1;
	v60 =	vmul.f32 s1, v10;
	v62 =	vadd.f32 v2, v53  }
0x42f: {  	s22 =	sadd.s32 $0x1, s22;
	v3 =	vmul.f32 v59, v50;
	[tilespmem:s21+$0xFFFFFF90] =	vst v61  }
0x430: {  	p0 =	sne.s32 s22, $0x20;
	v0 =	vmul.f32 v60, v51;
	[tilespmem:s21+$0xFFFFFFA0] =	vst v62  }
.Ltmp2:
0x431: {  	v63 =	vadd.f32 v3, v54;
	s29 =	rddreg [dreg:$0xc];
	(pc) =	sbr.rel @p0 .LBB2_2-.Ltmp2, $4  }
0x432: {  	v0 =	vadd.f32 v0, v55;
	s0 =	smul.u32 $0x640, s29  }
0x433: {  	s30 =	rddreg [dreg:$0x4];
	[tilespmem:s21+$0xFFFFFFB0] =	vst v63  }
0x434: {  	s31 =	simm.s32 $0x12F20;
	s4 =	simm.s32 $0x0;
	[tilespmem:s21+$0xFFFFFFC0] =	vst v0;
	s0 =	sadd.s32 s30, s0  }
0x435: {  	[hbm4b:s0+s4] =	stream.linear.scatter [tilespmem:s31], [sflag:$0x4], $0x6400, $0x38;
	[tilespmem:$0x1C5A0] =	vst v63  }
0x436: {  	s0 =	simm.s32 $0x3  }
0x437: {  	_ =	swait.ge [sflag:s0], $0x6400  }
0x438: {  	[sflag:s0] =	ssyncset.done $0x0  }
0x439: {  	s1 =	simm.s32 $0x4;
	[sflag:s0] =	ssyncadd.s32 $0xFFFF9C00  }
0x43a: {  	_ =	swait.ge [sflag:s1], $0x6400  }
0x43b: {  	s3 =	rddreg [dreg:$0xb]  }
0x43c: {  	s31 =	rddreg [dreg:$0xa];
	s3 =	sadd.s32 $0x1, s3  }
0x43d: {  	p0 =	sne.s32 s3, s31  }
.Ltmp3:
0x43e: {  	_ = 	snop;
	(pc) =	sbr.rel @p0 .LBB2_1-.Ltmp3, $3  }
0x43f: {  	_ =	sdelay $0x1  }
0x440: {  	[sflag:s1] =	ssyncset.done $0x0  }
0x441: {  	[sflag:s1] =	ssyncadd.s32 $0xFFFF9C00  }
0x442: {  	_ =	sfence.sel $0x180000  }
0x443: {  	[bflag:$0x0] =	sbarrier.arrive $0xFFFF  }
0x444: {  	_ =	strace $0x90000047  }
0x445: {  	s0 =	stileid.u32;
	[bflag:$0x2] =	sbarrier.arrive $0xFFFF  }
0x446: {  	p0 =	sne.s32 s0, $0x0;
	s0 =	rddreg [dreg:$0x5]  }
0x447: {  	s0 =	sadd.s32 @!p0 $0x100000, s0  }
0x448: {  	[sflag:s0] =	ssyncadd.tile.s32 @!p0 $0x1;
	_ =	shalt  }
.Lfunc_end2:
_tile_overlayer_lowered:
.L_overlay_start_2:
0x449: {  	(tag) =	ssettag $0x2  }
0x44a: {  	s0 =	rddreg [dreg:$0x0];
	s2 =	stileid.u32  }
0x44b: {  	s1 =	rddreg [dreg:$0x1];
	p0 =	sne.s32 s2, $0x0  }
0x44c: {  	s3 =	rddreg [dreg:$0x2];
	[bflag:$0x3] =	sbarrier.arrive $0xFFFF;
	s2 =	simm.s32 @!p0 $0x1C05  }
0x44d: {  	[timem:s3], [sflag:s2] =	dma.local @!p0 [hbm:s0], s1  }
0x44e: {  	s0 =	simm.s32 @!p0 $0x5  }
0x44f: {  	_ =	swait.ge @!p0 [sflag:s0], s1  }
0x450: {  	s1 =	ssub.s32 @!p0 $0x0, s1;
	[sflag:s0] =	ssyncset.done @!p0 $0x0  }
0x451: {  	[sflag:s0] =	ssyncadd.s32 @!p0 s1  }
0x452: {  	[bflag:$0x3] =	sbarrier.arrive $0xFFFF  }
0x453: {  	_ =	shalt  }

// kernel: sparse-core-data-format-call.cloned.1.call-start
scs
called_computation_lowered:
.L_overlay_start_0:
0x0: {  	s2 =	sld [smem:$0x3FD9]  }
0x1: {  	s3 =	sld [smem:$0x3FFE];
	_ =	sdelay $0x1  }
0x2: {  	s1 =	srdreg.scid  }
0x3: {  	s0 =	sand.u32 $0x1, s1  }
0x4: {  	s15 =	sshll.u32 s0, $0xA;
	s2 =	sadd.s32 s3, s2  }
0x5: {  	s2 =	sadd.s32 s2, s15  }
0x6: {  	[smem:$0x3FC3] =	sst s2  }
0x7: {  	_ = 	snop  }
0x8: {  	s2 =	sld [smem:$0x3FD0];
	_ =	sdelay $0x2  }
0x9: {  	s16 =	simm.s32 $0xA;
	s4 =	simm.s32 $0x10  }
0xa: {  	[smem:s4], [sflag:s16] =	dma.local [hbm:s2], $0x1  }
0xb: {  	_ =	swait.eq [sflag:s16], $0x1  }
0xc: {  	[sflag:s16] =	ssyncset.done $0x0  }
0xd: {  	[sflag:s16] =	ssyncadd.s32 $0xFFFFFFFF  }
0xe: {  	s17 =	sld [smem:$0x10];
	(tm) =	ssettm $0x1  }
0xf: {  	s18 =	sld [smem:$0x3FFB];
	_ =	sdelay $0x3  }
0x10: {  	_ =	strace s18  }
0x11: {  	s3 =	sld [smem:$0x3FFC];
	_ =	sdelay $0x3  }
0x12: {  	_ =	strace s3  }
0x13: {  	s3 =	sld [smem:$0x3FFD];
	_ =	sdelay $0x3  }
0x14: {  	_ =	strace s3  }
0x15: {  	_ =	strace $0x8FFFFFFF  }
0x16: {  	s19 =	sld [smem:$0x3FDB];
	_ =	sdelay $0x1  }
0x17: {  	s20 =	simm.s32 $_scs_section_size  }
0x18: {  	s5 =	simm.s32 $_size__tile_overlayer_lowered;
	s6 =	simm.s32 $_tile_overlayer_lowered  }
0x19: {  	s23 =	simm.s32 $0x1BFF;
	s22 =	sshll.u32 s6, $0x1;
	s3 =	sadd.s32 s20, s19  }
0x1a: {  	s7 =	simm.s32 $0x0;
	s21 =	sshll.u32 s5, $0x1;
	s5 =	sadd.s32 s22, s3  }
0x1b: {  	[timem:s7], [sflag:s23] =	dma.local [hbm:s5], s21  }
0x1c: {  	_ =	swait.ge [sflag:s23], s21  }
0x1d: {  	s4 =	ssub.s32 $0x0, s21;
	[sflag:s23] =	ssyncset.done $0x0  }
0x1e: {  	[sflag:s23] =	ssyncadd.s32 s4;
	_ =	sdelay $0x1  }
0x1f: {  	s24 =	simm.s32 $0x1B8B  }
0x20: {  	_ =	swait.ge [sflag:s24], $0x1  }
0x21: {  	[sflag:s24] =	ssyncset.done $0x0  }
0x22: {  	s26 =	simm.s32 $0x1B8E;
	s25 =	sld [smem:$0x3FFE];
	[sflag:s24] =	ssyncadd.s32 $0xFFFFFFFF  }
0x23: {  	s27 =	simm.s32 $execute0_lowered;
	[smem:$0x3FD2] =	sst s26  }
0x24: {  	s5 =	sshll.u32 s27, $0x1;
	_ =	strace $0x80000049;
	[dreg:$0x1] =	wrdreg $0xFFFFFFFF  }
0x25: {  	s28 =	simm.s32 $_size_execute0_lowered;
	s3 =	sadd.s32 s3, s5;
	[dreg:$0x0] =	wrdreg $0x0  }
0x26: {  	s5 =	sshll.u32 s28, $0x1;
	[dreg:$0x2] =	wrdreg s3  }
0x27: {  	[dreg:$0x3] =	wrdreg s5  }
0x28: {  	[dreg:$0x4] =	wrdreg $0xC0  }
0x29: {  	_ =	task [dreg:s7], $0x5FFFF  }
0x2a: {  	[dreg:$0x1] =	wrdreg $0xFFFFFFFF  }
0x2b: {  	[dreg:$0x0] =	wrdreg $0x60  }
0x2c: {  	[dreg:$0x2] =	wrdreg s25  }
0x2d: {  	[dreg:$0x3] =	wrdreg s17  }
0x2e: {  	[dreg:$0x4] =	wrdreg $0x9  }
0x2f: {  	_ =	task.clear_ibuf [dreg:s7], $0x5FFFF;
	_ =	strace $0x90000049  }
0x30: {  	s29 =	simm.s32 $0x9;
	_ =	strace $0x8000004B  }
0x31: {  	_ =	swait.ge [sflag:s29], $0x1  }
0x32: {  	[sflag:s29] =	ssyncadd.s32 $0xFFFFFFFF  }
0x33: {  	_ =	strace $0x9000004B  }
0x34: {  	_ =	sfence  }
0x35: {  	s30 =	sld [smem:$0x0];
	_ =	sdelay $0x2  }
0x36: {  	s31 =	sshll.u32 s1, $0xD;
	s1 =	sshrl.u32 s1, $0x2  }
0x37: {  	s3 =	sand.u32 $0x4000, s31;
	s1 =	sadd.s32 s1, s30  }
0x38: {  	s0 =	sor.u32 s3, s0;
	s1 =	sshll.u32 s1, $0x11  }
0x39: {  	s0 =	sor.u32 s1, s0  }
0x3a: {  	s0 =	sadd.s32 $0x8F2B, s0  }
0x3b: {  	[sflag:s0] =	ssyncadd.remote.s32 $0x1  }
0x3c: {  	_ =	sfence.sel $0xFFFF  }
0x3d: {  	[dreg:$0x0] =	wrdreg $0xFFFFFFFF;
	(pc) =	sbr.abs _section_cstart, $3  }
0x3e: {  	[dreg:$0x1] =	wrdreg $0xFFFFFFFF  }
0x3f: {  	_ =	task.clear_ibuf [dreg:s7], $0x2FFFF;
	_ =	strace $0x9FFFFFFF  }
0x40: {  	(tm) =	ssettm $0x7FFFFFFF  }
0x41: {  	_ =	shalt  }
tec
execute0_lowered:
.L_overlay_start_1:
0x0: {  	(tag) =	ssettag $0x1  }
0x1: {  	s0 =	srdreg.scid  }
0x2: {  	s1 =	sshll.u32 s0, $0x4  }
0x3: {  	s0 =	stileid.u32;
	s1 =	sand.u32 $0x10, s1  }
0x4: {  	s1 =	sor.u32 s0, s1  }
0x5: {  	s6 =	rddreg [dreg:$0x0];
	s4 =	simm.s32 $0x1;
	s2 =	sshll.u32 s1, $0x7  }
0x6: {  	s7 =	simm.s32 $0x2;
	s12 =	simm.s32 $0x0;
	s1 =	ssub.s32 $0x1000, s2  }
0x7: {  	s8 =	simm.s32 $0x8000;
	s13 =	simm.s32 $0x0;
	s3 =	sand.u32 $0xF80, s1  }
0x8: {  	s9 =	simm.s32 $0x0;
	s5 =	sshrl.u32 s1, $0xC;
	p0 =	sne.s32 s3, $0x0  }
.Ltmp0:
0x9: {  	s1 =	rddreg [dreg:$0x2];
	s4 =	simm.s32 @!p0 $0x0;
	(pc) =	sbr.rel .LBB1_1-.Ltmp0, $4  }
0xa: {  	s11 =	simm.s32 $0x0;
	s3 =	rddreg [dreg:$0x1];
	s5 =	sadd.s32 s4, s5  }
0xb: {  	_ =	strace $0x8000004A;
	s4 =	simm.s32 $0x1;
	s5 =	smul.u32 $0xC8, s5  }
0xc: {  	s6 =	sadd.s32 $0x1000, s6;
	s10 =	smov.u32 s2;
	[sflag:s4] =	ssyncpa.u1 $0x0  }
0xd: {  	p0 =	por $0x0, $0x0;
	[sflag:s7] =	ssyncpa.u1 $0x0;
	s7 =	sor.u32 $0x1, s5  }
.LBB1_4:
0xe: {  	s16 =	sshll.u32 s13, $0x3;
	s17 =	sand.u32 $0x78, s13  }
0xf: {  	s30 =	sand.u32 $0x7E00, s13;
	s12 =	sshll.u32 s12, $0xF;
	s16 =	sand.u32 $0xC00, s16  }
0x10: {  	[tilespmem:s15+$0x810 ss:$0x81] =	vst.msk $0xffff, v2;
	s31 =	sand.u32 $0x7, s13;
	s16 =	sor.u32 s17, s16;
	s17 =	sadd.s32 s3, s30  }
0x11: {  	[tilespmem:s15+$0x1020 ss:$0x81] =	vst.msk $0xffff, v0;
	s13 =	sshll.u32 s31, $0x12;
	s12 =	sadd.s32 s12, s17;
	s16 =	sshrl.u32 s16, $0x3  }
0x12: {  	[tilespmem:s15+$0x0 ss:$0x81] =	vst.msk $0xffff, v1;
	s13 =	sor.u32 $0x400, s13;
	s12 =	sadd.s32 s16, s12  }
0x13: {  	[hbm4b:s12+s13] =	stream.strided.scatter [tilespmem:s14], [sflag:$0x2], $0x2000, s8, s13, $0x20;
	[tilespmem:$0x8080] =	vst v63  }
.LBB1_5:
0x14: {  	s14 =	sadd.s32 $0x1, s9  }
0x15: {  	s12 =	sadd.s32 $0x1000, s10;
	s16 =	smov.u32 s10;
	p2 =	sgt.s32 s14, $0xC7  }
0x16: {  	s16 =	smov.u32 @p2 s12  }
0x17: {  	s14 =	simm.s32 @p2 $0x0;
	p2 =	sgt.s32 s16, $0xFFF  }
0x18: {  	s16 =	smov.u32 @p2 s2;
	p2 =	sne.s32 s11, s7  }
.Ltmp1:
0x19: {  	p1 =	slt.u32 s11, $0x2;
	(pc) =	sbr.rel @!p2 .LBB1_6-.Ltmp1, $4  }
0x1a: {  	s15 =	simm.s32 @!p1 $0x2  }
0x1b: {  	s13 =	smov.u32 s10;
	p0 =	por !p0, !p0;
	_ =	swait.ge @!p1 [sflag:s15], $0x2000  }
0x1c: {  	s12 =	smov.u32 s9;
	[sflag:s15] =	ssyncset.done @!p1 $0x0;
	s9 =	smov.u32 s14  }
0x1d: {  	s11 =	sadd.s32 $0x1, s11;
	[sflag:s15] =	ssyncadd.s32 @!p1 $0xFFFFE000;
	s10 =	smov.u32 s16  }
.LBB1_1:
0x1e: {  	p1 =	sge.u32 s11, s5  }
0x1f: {  	s14 =	sand.u32 @!p1 $0x1FFFFFF, s9  }
0x20: {  	s15 =	smulhi.u32 @!p1 $0x147AE15, s14;
	_ =	sdelay $0x1  }
0x21: {  	s15 =	smul.u32 @!p1 $0xC8, s15  }
0x22: {  	s16 =	sxor.u32 @!p1 $0xFFFFFFFF, s11;
	s17 =	smul.u32 @!p1 $0xC80, s10  }
0x23: {  	s31 =	sadd.s32 $0xFFFFFFFF, s11;
	s16 =	sshll.u32 @!p1 s16, $0xD;
	s14 =	ssub.s32 @!p1 s14, s15  }
0x24: {  	s15 =	sand.u32 @!p1 $0x2000, s16;
	s16 =	sadd.s32 @!p1 s6, s17;
	s14 =	sshll.u32 @!p1 s14, $0x4  }
0x25: {  	s17 =	simm.s32 @!p1 $0x6400;
	s14 =	sadd.s32 @!p1 s14, s16;
	s16 =	simm.s32 @!p1 $0x40  }
0x26: {  	[tilespmem:s15], [sflag:$0x1] =	stream.strided.gather @!p1 [hbm4b:s14+s16], $0x2000, s17, s16, $0x38;
	[tilespmem:$0x8080] =	vst v63  }
0x27: {  	p1 =	sge.u32 s31, s5  }
.Ltmp2:
0x28: {  	_ = 	snop;
	(pc) =	sbr.rel @p1 .LBB1_5-.Ltmp2, $1  }
0x29: {  	_ =	sdelay $0x3  }
0x2a: {  	s14 =	simm.s32 $0x1  }
0x2b: {  	_ =	swait.ge [sflag:s4], $0x2000;
	s14 =	simm.s32 @!p0 $0x0  }
0x2c: {  	[sflag:s4] =	ssyncset.done $0x0;
	s15 =	sshll.u32 s14, $0xD  }
0x2d: {  	[sflag:s4] =	ssyncadd.s32 $0xFFFFE000;
	s18 =	sor.u32 $0x20, s15  }
0x2e: {  	s14 =	smul.u32 $0x8100, s14;
	v3 =	vld [tilespmem:s18+$0x10]  }
0x2f: {  	s30 =	sand.u32 $0x1, s11;
	v2 =	vld [tilespmem:s18+$0xFFFFFFF0]  }
0x30: {  	s15 =	smul.u32 $0x8100, s30;
	s14 =	sshrl.u32 s14, $0x2;
	v0 =	vld [tilespmem:s18+$0x0]  }
0x31: {  	v1 =	vld [tilespmem:s18+$0xFFFFFFE0];
	s16 =	sor.u32 $0x4000, s14  }
0x32: {  	s31 =	sshrl.u32 s15, $0x2;
	s15 =	sadd.s32 $0x0, s16  }
0x33: {  	s17 =	simm.s32 $0x4;
	s18 =	sadd.s32 $0x40, s18;
	s14 =	sor.u32 $0x4000, s31;
	[tilespmem:s15+$0x1830 ss:$0x81] =	vst.msk $0xffff, v3  }
.LBB1_3:
0x34: {  	v3 =	vld [tilespmem:s18+$0x10];
	p1 =	sne.s32 s17, $0x1FC;
	[tilespmem:s15+$0x810 ss:$0x81] =	vst.msk $0xffff, v2;
	s19 =	smov.u32 s17;
	s17 =	sadd.s32 $0x4, s17  }
.Ltmp3:
0x35: {  	v2 =	vld [tilespmem:s18+$0xFFFFFFF0];
	[tilespmem:s15+$0x1020 ss:$0x81] =	vst.msk $0xffff, v0;
	(pc) =	sbr.rel @p1 .LBB1_3-.Ltmp3, $4  }
0x36: {  	v0 =	vld [tilespmem:s18+$0x0];
	[tilespmem:s15+$0x0 ss:$0x81] =	vst.msk $0xffff, v1  }
0x37: {  	s15 =	sshra.s32 s19, $0x2;
	v1 =	vld [tilespmem:s18+$0xFFFFFFE0]  }
0x38: {  	s15 =	sadd.s32 s15, s16  }
0x39: {  	s18 =	sadd.s32 $0x40, s18;
	[tilespmem:s15+$0x1830 ss:$0x81] =	vst.msk $0xffff, v3  }
.Ltmp4:
0x3a: {  	_ = 	snop;
	(pc) =	sbr.rel .LBB1_4-.Ltmp4, $1  }
0x3b: {  	_ =	sdelay $0x3  }
.LBB1_6:
0x3c: {  	_ =	sfence.sel $0x180000  }
0x3d: {  	s2 =	simm.s32 $0x1;
	[bflag:$0x0] =	sbarrier.arrive $0xFFFF  }
0x3e: {  	s31 =	simm.s32 $0x2;
	[sflag:s2] =	ssyncpa.u1 $0x1  }
0x3f: {  	[sflag:s31] =	ssyncpa.u1 $0x1  }
0x40: {  	p0 =	sne.s32 s0, $0x0;
	_ =	strace $0x9000004A  }
0x41: {  	s0 =	sadd.s32 @!p0 $0x100000, s1;
	[bflag:$0x2] =	sbarrier.arrive $0xFFFF  }
0x42: {  	[sflag:s0] =	ssyncadd.tile.s32 @!p0 $0x1;
	_ =	shalt  }
.Lfunc_end1:
_tile_overlayer_lowered:
.L_overlay_start_2:
0x43: {  	(tag) =	ssettag $0x2  }
0x44: {  	s0 =	rddreg [dreg:$0x0];
	s2 =	stileid.u32  }
0x45: {  	s1 =	rddreg [dreg:$0x1];
	p0 =	sne.s32 s2, $0x0  }
0x46: {  	s3 =	rddreg [dreg:$0x2];
	[bflag:$0x3] =	sbarrier.arrive $0xFFFF;
	s2 =	simm.s32 @!p0 $0x1C01  }
0x47: {  	[timem:s3], [sflag:s2] =	dma.local @!p0 [hbm:s0], s1  }
0x48: {  	s0 =	simm.s32 @!p0 $0x1  }
0x49: {  	_ =	swait.ge @!p0 [sflag:s0], s1  }
0x4a: {  	s1 =	ssub.s32 @!p0 $0x0, s1;
	[sflag:s0] =	ssyncset.done @!p0 $0x0  }
0x4b: {  	[sflag:s0] =	ssyncadd.s32 @!p0 s1  }
0x4c: {  	[bflag:$0x3] =	sbarrier.arrive $0xFFFF  }
0x4d: {  	_ =	shalt  }

</sc_bundles>
